<compile_context>
chip_gen: v7x
topology: tpu7x:2x2x1
jax: 0.10.2.dev20260603
libtpu: 0.0.44.dev20260713+nightly
codegen_flags: <defaults>
</compile_context>

<pallas_src>
import functools

import jax
import jax.numpy as jnp
from jax import lax
from jax.experimental import pallas as pl
from jax.experimental.pallas import tpu as pltpu
from jax.experimental.pallas import tpu_sc as plsc

BATCH = 16384
EMBED = 64
HIDDEN = 128
LANES = 128
NC = 2
NS = 16
NW = NC * NS
B_PER_W = BATCH // NW
BM = 2048


DEPTH = 4


def _gather_table(tbl_t, ids_v, rows_v, cols, sems):
    NG = B_PER_W // 16

    def fire(idval, buf, sem):
        off = pl.multiple_of((idval >> 7) * LANES, LANES)
        pltpu.async_copy(tbl_t.at[:, pl.ds(off, LANES)], buf, sem)

    def drain(buf, sem):
        pltpu.make_async_copy(tbl_t.at[:, pl.ds(0, LANES)], buf, sem).wait()

    idv0 = ids_v[pl.ds(0, 16)]
    for k in range(DEPTH - 1):
        fire(idv0[k], cols[k], sems[k])

    def body(G, carry):
        g16 = pl.multiple_of(G * 16, 16)
        idv = ids_v[pl.ds(g16, 16)]
        nidv = ids_v[pl.ds(g16 + 16, 16)]
        for k in range(16):
            pk, nk = k % DEPTH, (k + DEPTH - 1) % DEPTH
            nxt = idv[k + DEPTH - 1] if k < 16 - (DEPTH - 1) else nidv[k - 17 + DEPTH]
            if k < 16 - (DEPTH - 1):
                fire(nxt, cols[nk], sems[nk])
            else:
                @pl.when(G + 1 < NG)
                def _():
                    fire(nxt, cols[nk], sems[nk])
            drain(cols[pk], sems[pk])
            lane = jnp.bitwise_and(idv[k], LANES - 1)
            lv = jnp.full((16,), lane, dtype=jnp.int32)
            for g in range(EMBED // 16):
                ev = lax.iota(jnp.int32, 16) + (16 * g)
                vals = plsc.load_gather(cols[pk], [ev, lv])
                rows_v[g16 + k, pl.ds(16 * g, 16)] = vals
        return carry

    lax.fori_loop(0, NG, body, 0, unroll=False)


def _sc_gather_body(uid_hbm, iid_hbm, ut_hbm, it_hbm, ou_hbm, oi_hbm,
                    uid_s, iid_s, rows_v, col0, col1, col2, col3,
                    sem0, sem1, sem2, sem3):
    wid = lax.axis_index("s") * NC + lax.axis_index("c")
    base = wid * B_PER_W
    pltpu.sync_copy(uid_hbm.at[pl.ds(base, B_PER_W)], uid_s.at[pl.ds(0, B_PER_W)])
    pltpu.sync_copy(iid_hbm.at[pl.ds(base, B_PER_W)], iid_s.at[pl.ds(0, B_PER_W)])

    cols = (col0, col1, col2, col3)
    sems = (sem0, sem1, sem2, sem3)
    _gather_table(ut_hbm, uid_s, rows_v, cols, sems)
    pltpu.sync_copy(rows_v, ou_hbm.at[pl.ds(base, B_PER_W)])

    _gather_table(it_hbm, iid_s, rows_v, cols, sems)
    pltpu.sync_copy(rows_v, oi_hbm.at[pl.ds(base, B_PER_W)])


_sc_gather = functools.partial(
    pl.kernel,
    mesh=plsc.VectorSubcoreMesh(core_axis_name="c", subcore_axis_name="s"),
    out_type=[
        jax.ShapeDtypeStruct((BATCH, EMBED), jnp.float32),
        jax.ShapeDtypeStruct((BATCH, EMBED), jnp.float32),
    ],
    scratch_types=[
        pltpu.VMEM((B_PER_W + 16,), jnp.int32),
        pltpu.VMEM((B_PER_W + 16,), jnp.int32),
        pltpu.VMEM((B_PER_W, EMBED), jnp.float32),
        pltpu.VMEM((EMBED, LANES), jnp.float32),
        pltpu.VMEM((EMBED, LANES), jnp.float32),
        pltpu.VMEM((EMBED, LANES), jnp.float32),
        pltpu.VMEM((EMBED, LANES), jnp.float32),
        pltpu.SemaphoreType.DMA,
        pltpu.SemaphoreType.DMA,
        pltpu.SemaphoreType.DMA,
        pltpu.SemaphoreType.DMA,
    ],
    compiler_params=pltpu.CompilerParams(needs_layout_passes=False),
)(_sc_gather_body)


def _mlp_body(u_ref, i_ref, w1u_ref, w1i_ref, b1_ref, w2_ref, b2_ref, o_ref):
    h = jnp.dot(u_ref[...], w1u_ref[...], preferred_element_type=jnp.float32)
    h = h + jnp.dot(i_ref[...], w1i_ref[...], preferred_element_type=jnp.float32)
    h = jnp.maximum(h + b1_ref[...], 0.0)
    p = jnp.sum(h * w2_ref[...], axis=1) + b2_ref[0, 0]
    o_ref[...] = jax.nn.sigmoid(p)


def kernel(user_ids, item_ids, user_table, item_table, W1, b1, W2, b2):
    uid = user_ids.astype(jnp.int32)
    iid = item_ids.astype(jnp.int32)
    ut_t = user_table.T
    it_t = item_table.T
    u_rows, i_rows = _sc_gather(uid, iid, ut_t, it_t)

    w1u = W1[:, :EMBED].T
    w1i = W1[:, EMBED:].T
    b1r = b1.reshape(1, HIDDEN)
    w2r = W2.reshape(1, HIDDEN)
    b2r = b2.reshape(1, 1)

    out = pl.pallas_call(
        _mlp_body,
        grid=(BATCH // BM,),
        in_specs=[
            pl.BlockSpec((BM, EMBED), lambda m: (m, 0)),
            pl.BlockSpec((BM, EMBED), lambda m: (m, 0)),
            pl.BlockSpec((EMBED, HIDDEN), lambda m: (0, 0)),
            pl.BlockSpec((EMBED, HIDDEN), lambda m: (0, 0)),
            pl.BlockSpec((1, HIDDEN), lambda m: (0, 0)),
            pl.BlockSpec((1, HIDDEN), lambda m: (0, 0)),
            pl.BlockSpec((1, 1), lambda m: (0, 0)),
        ],
        out_specs=pl.BlockSpec((BM,), lambda m: (m,)),
        out_shape=jax.ShapeDtypeStruct((BATCH,), jnp.float32),
    )(u_rows, i_rows, w1u, w1i, b1r, w2r, b2r)
    return out

# --- scband reference (transcript-rebuilt; emitter-appended) ---
"""Pipeline reference for scband-deep-collaborative-filter-25950192403322 (READ-ONLY COPY).

The authoritative reference and input builder live on the scoring server;
editing this copy changes nothing except your own understanding.
"""

import jax, jax.numpy as jnp
import numpy as np

NUM_USERS = 1000000
NUM_ITEMS = 1000000
EMBED_DIM = 64
BATCH = 16384
HIDDEN = 128

def setup_inputs(seed: int = 0) -> dict:
    key = jax.random.key(seed)
    k1, k2, k3, k4, k5, k6, k7, k8 = jax.random.split(key, 8)
    user_ids = jax.random.randint(k1, (BATCH,), 0, NUM_USERS, dtype=jnp.int64) if jax.config.jax_enable_x64 else jax.random.randint(k1, (BATCH,), 0, NUM_USERS, dtype=jnp.int32)
    item_ids = jax.random.randint(k2, (BATCH,), 0, NUM_ITEMS, dtype=jnp.int32)
    user_table = jax.random.normal(k3, (NUM_USERS, EMBED_DIM), dtype=jnp.float32)
    item_table = jax.random.normal(k4, (NUM_ITEMS, EMBED_DIM), dtype=jnp.float32)
    W1 = jax.random.normal(k5, (HIDDEN, EMBED_DIM * 2), dtype=jnp.float32) * (1.0 / np.sqrt(EMBED_DIM * 2))
    b1 = jnp.zeros((HIDDEN,), dtype=jnp.float32)
    W2 = jax.random.normal(k6, (1, HIDDEN), dtype=jnp.float32) * (1.0 / np.sqrt(HIDDEN))
    b2 = jnp.zeros((1,), dtype=jnp.float32)
    return {"user_ids": user_ids, "item_ids": item_ids, "user_table": user_table, "item_table": item_table, "W1": W1, "b1": b1, "W2": W2, "b2": b2}

def reference(user_ids, item_ids, user_table, item_table, W1, b1, W2, b2):
    # Embedding lookups (gather)
    user_emb = jnp.take(user_table, user_ids, axis=0)
    item_emb = jnp.take(item_table, item_ids, axis=0)
    x = jnp.concatenate([user_emb, item_emb], axis=1)
    # fc: Linear -> ReLU -> (Dropout: identity in eval) -> Linear -> Sigmoid
    h = jax.nn.relu(x @ W1.T + b1)
    out = jax.nn.sigmoid(h @ W2.T + b2)
    return jnp.squeeze(out)

if __name__ == "__main__":
    import jax
    _d = setup_inputs()
    print(jax.jit(kernel)(*tuple(_d.values())))

</pallas_src>

<mosaic_0001>
#map = affine_map<(d0, d1) -> (0)>
#map1 = affine_map<(d0, d1) -> (0, 0)>
module attributes {stable_mosaic.version = 14 : i64} {
  func.func @_sc_gather_body(%arg0: i32, %arg1: i32, %arg2: memref<16384xi32, #tpu.memory_space<hbm>>, %arg3: memref<16384xi32, #tpu.memory_space<hbm>>, %arg4: memref<64x1000000xf32, #tpu.memory_space<hbm>>, %arg5: memref<64x1000000xf32, #tpu.memory_space<hbm>>, %arg6: memref<16384x64xf32, #tpu.memory_space<hbm>>, %arg7: memref<16384x64xf32, #tpu.memory_space<hbm>>, %arg8: memref<528xi32, #tpu.memory_space<vmem>>, %arg9: memref<528xi32, #tpu.memory_space<vmem>>, %arg10: memref<512x64xf32, #tpu.memory_space<vmem>>, %arg11: memref<64x128xf32, #tpu.memory_space<vmem>>, %arg12: memref<64x128xf32, #tpu.memory_space<vmem>>, %arg13: memref<64x128xf32, #tpu.memory_space<vmem>>, %arg14: memref<64x128xf32, #tpu.memory_space<vmem>>, %arg15: memref<!tpu.dma_semaphore, #tpu.memory_space<semaphore_mem>>, %arg16: memref<!tpu.dma_semaphore, #tpu.memory_space<semaphore_mem>>, %arg17: memref<!tpu.dma_semaphore, #tpu.memory_space<semaphore_mem>>, %arg18: memref<!tpu.dma_semaphore, #tpu.memory_space<semaphore_mem>>) attributes {dimension_semantics = [#tpu.dimension_semantics<core_parallel>, #tpu.dimension_semantics<subcore_parallel>], iteration_bounds = array<i64: 2, 16>, scalar_prefetch = 0 : i64, scratch_operands = 11 : i64, tpu.core_type = #tpu.core_type<sc_vector_subcore>, window_params = [{transform_indices = #map}, {transform_indices = #map}, {transform_indices = #map1}, {transform_indices = #map1}, {transform_indices = #map1}, {transform_indices = #map1}]} {
    %mul3A = arith.constant 2 : i32
    %mul3A_0 = arith.muli %arg1, %mul3A : i32
    %add3A = arith.addi %mul3A_0, %arg0 : i32
    %mul3A_1 = arith.constant 512 : i32
    %mul3A_2 = arith.muli %add3A, %mul3A_1 : i32
    "tpu.region"() ({
      %run_scoped3A = tpu.sem_alloc : memref<!tpu.dma_semaphore, #tpu.memory_space<semaphore_mem>>
      %dma_start3A_78 = arith.constant 0 : i32
      %dma_start3A_79 = tpu.memref_slice %arg8[%dma_start3A_78] : memref<528xi32, #tpu.memory_space<vmem>> -> memref<512xi32, #tpu.memory_space<vmem>>
      %dma_start3A_80 = tpu.memref_slice %arg2[%mul3A_2] : memref<16384xi32, #tpu.memory_space<hbm>> -> memref<512xi32, #tpu.memory_space<hbm>>
      %dma_start3A_81 = arith.constant 0 : i32
      %dma_start3A_82 = tpu.memref_slice %arg8[%dma_start3A_81] : memref<528xi32, #tpu.memory_space<vmem>> -> memref<512xi32, #tpu.memory_space<vmem>>
      %dma_start3A_83 = tpu.memref_slice %arg2[%mul3A_2] : memref<16384xi32, #tpu.memory_space<hbm>> -> memref<512xi32, #tpu.memory_space<hbm>>
      tpu.enqueue_dma source(%dma_start3A_83 : memref<512xi32, #tpu.memory_space<hbm>>) target(%dma_start3A_82 : memref<512xi32, #tpu.memory_space<vmem>>) target_semaphore(%run_scoped3A : memref<!tpu.dma_semaphore, #tpu.memory_space<semaphore_mem>>)
      %dma_wait3A = arith.constant 0 : i32
      %dma_wait3A_84 = tpu.memref_slice %arg8[%dma_wait3A] : memref<528xi32, #tpu.memory_space<vmem>> -> memref<512xi32, #tpu.memory_space<vmem>>
      %dma_wait3A_85 = tpu.memref_slice %arg2[%mul3A_2] : memref<16384xi32, #tpu.memory_space<hbm>> -> memref<512xi32, #tpu.memory_space<hbm>>
      %dma_wait3A_86 = arith.constant 0 : i32
      %dma_wait3A_87 = tpu.memref_slice %arg8[%dma_wait3A_86] : memref<528xi32, #tpu.memory_space<vmem>> -> memref<512xi32, #tpu.memory_space<vmem>>
      %dma_wait3A_88 = tpu.memref_slice %arg2[%mul3A_2] : memref<16384xi32, #tpu.memory_space<hbm>> -> memref<512xi32, #tpu.memory_space<hbm>>
      tpu.wait_dma2 semaphore(%run_scoped3A : memref<!tpu.dma_semaphore, #tpu.memory_space<semaphore_mem>>) src(%dma_wait3A_88 : memref<512xi32, #tpu.memory_space<hbm>>) dst(%dma_wait3A_87 : memref<512xi32, #tpu.memory_space<vmem>>)
      tpu.yield
    }) : () -> ()
    "tpu.region"() ({
      %run_scoped3A = tpu.sem_alloc : memref<!tpu.dma_semaphore, #tpu.memory_space<semaphore_mem>>
      %dma_start3A_78 = arith.constant 0 : i32
      %dma_start3A_79 = tpu.memref_slice %arg9[%dma_start3A_78] : memref<528xi32, #tpu.memory_space<vmem>> -> memref<512xi32, #tpu.memory_space<vmem>>
      %dma_start3A_80 = tpu.memref_slice %arg3[%mul3A_2] : memref<16384xi32, #tpu.memory_space<hbm>> -> memref<512xi32, #tpu.memory_space<hbm>>
      %dma_start3A_81 = arith.constant 0 : i32
      %dma_start3A_82 = tpu.memref_slice %arg9[%dma_start3A_81] : memref<528xi32, #tpu.memory_space<vmem>> -> memref<512xi32, #tpu.memory_space<vmem>>
      %dma_start3A_83 = tpu.memref_slice %arg3[%mul3A_2] : memref<16384xi32, #tpu.memory_space<hbm>> -> memref<512xi32, #tpu.memory_space<hbm>>
      tpu.enqueue_dma source(%dma_start3A_83 : memref<512xi32, #tpu.memory_space<hbm>>) target(%dma_start3A_82 : memref<512xi32, #tpu.memory_space<vmem>>) target_semaphore(%run_scoped3A : memref<!tpu.dma_semaphore, #tpu.memory_space<semaphore_mem>>)
      %dma_wait3A = arith.constant 0 : i32
      %dma_wait3A_84 = tpu.memref_slice %arg9[%dma_wait3A] : memref<528xi32, #tpu.memory_space<vmem>> -> memref<512xi32, #tpu.memory_space<vmem>>
      %dma_wait3A_85 = tpu.memref_slice %arg3[%mul3A_2] : memref<16384xi32, #tpu.memory_space<hbm>> -> memref<512xi32, #tpu.memory_space<hbm>>
      %dma_wait3A_86 = arith.constant 0 : i32
      %dma_wait3A_87 = tpu.memref_slice %arg9[%dma_wait3A_86] : memref<528xi32, #tpu.memory_space<vmem>> -> memref<512xi32, #tpu.memory_space<vmem>>
      %dma_wait3A_88 = tpu.memref_slice %arg3[%mul3A_2] : memref<16384xi32, #tpu.memory_space<hbm>> -> memref<512xi32, #tpu.memory_space<hbm>>
      tpu.wait_dma2 semaphore(%run_scoped3A : memref<!tpu.dma_semaphore, #tpu.memory_space<semaphore_mem>>) src(%dma_wait3A_88 : memref<512xi32, #tpu.memory_space<hbm>>) dst(%dma_wait3A_87 : memref<512xi32, #tpu.memory_space<vmem>>)
      tpu.yield
    }) : () -> ()
    %get3A = arith.constant 0 : index
    %get3A_3 = tpu.vector_load %arg8[%get3A] {strides = array<i32>} : memref<528xi32, #tpu.memory_space<vmem>>, vector<16xi32>,
    %slice3A = vector.extract_strided_slice %get3A_3 {offsets = [0], sizes = [1], strides = [1]} : vector<16xi32> to vector<1xi32>
    %squeeze3A = vector.extract %slice3A[0] : i32 from vector<1xi32>
    %shift_right_arithmetic3A = arith.constant 7 : i32
    %shift_right_arithmetic3A_4 = arith.shrsi %squeeze3A, %shift_right_arithmetic3A : i32
    %mul3A_5 = arith.constant 128 : i32
    %mul3A_6 = arith.muli %shift_right_arithmetic3A_4, %mul3A_5 : i32
    %multiple_of3A = tpu.assume_multiple %mul3A_6, 128 : i32
    %dma_start3A = arith.constant 0 : i32
    %dma_start3A_7 = tpu.memref_slice %arg4[%dma_start3A, %multiple_of3A] : memref<64x1000000xf32, #tpu.memory_space<hbm>> -> memref<64x128xf32, #tpu.memory_space<hbm>>
    %dma_start3A_8 = arith.constant 0 : i32
    %dma_start3A_9 = tpu.memref_slice %arg4[%dma_start3A_8, %multiple_of3A] : memref<64x1000000xf32, #tpu.memory_space<hbm>> -> memref<64x128xf32, #tpu.memory_space<hbm>>
    tpu.enqueue_dma source(%dma_start3A_9 : memref<64x128xf32, #tpu.memory_space<hbm>>) target(%arg11 : memref<64x128xf32, #tpu.memory_space<vmem>>) target_semaphore(%arg15 : memref<!tpu.dma_semaphore, #tpu.memory_space<semaphore_mem>>)
    %slice3A_10 = vector.extract_strided_slice %get3A_3 {offsets = [1], sizes = [1], strides = [1]} : vector<16xi32> to vector<1xi32>
    %squeeze3A_11 = vector.extract %slice3A_10[0] : i32 from vector<1xi32>
    %shift_right_arithmetic3A_12 = arith.constant 7 : i32
    %shift_right_arithmetic3A_13 = arith.shrsi %squeeze3A_11, %shift_right_arithmetic3A_12 : i32
    %mul3A_14 = arith.constant 128 : i32
    %mul3A_15 = arith.muli %shift_right_arithmetic3A_13, %mul3A_14 : i32
    %multiple_of3A_16 = tpu.assume_multiple %mul3A_15, 128 : i32
    %dma_start3A_17 = arith.constant 0 : i32
    %dma_start3A_18 = tpu.memref_slice %arg4[%dma_start3A_17, %multiple_of3A_16] : memref<64x1000000xf32, #tpu.memory_space<hbm>> -> memref<64x128xf32, #tpu.memory_space<hbm>>
    %dma_start3A_19 = arith.constant 0 : i32
    %dma_start3A_20 = tpu.memref_slice %arg4[%dma_start3A_19, %multiple_of3A_16] : memref<64x1000000xf32, #tpu.memory_space<hbm>> -> memref<64x128xf32, #tpu.memory_space<hbm>>
    tpu.enqueue_dma source(%dma_start3A_20 : memref<64x128xf32, #tpu.memory_space<hbm>>) target(%arg12 : memref<64x128xf32, #tpu.memory_space<vmem>>) target_semaphore(%arg16 : memref<!tpu.dma_semaphore, #tpu.memory_space<semaphore_mem>>)
    %slice3A_21 = vector.extract_strided_slice %get3A_3 {offsets = [2], sizes = [1], strides = [1]} : vector<16xi32> to vector<1xi32>
    %squeeze3A_22 = vector.extract %slice3A_21[0] : i32 from vector<1xi32>
    %shift_right_arithmetic3A_23 = arith.constant 7 : i32
    %shift_right_arithmetic3A_24 = arith.shrsi %squeeze3A_22, %shift_right_arithmetic3A_23 : i32
    %mul3A_25 = arith.constant 128 : i32
    %mul3A_26 = arith.muli %shift_right_arithmetic3A_24, %mul3A_25 : i32
    %multiple_of3A_27 = tpu.assume_multiple %mul3A_26, 128 : i32
    %dma_start3A_28 = arith.constant 0 : i32
    %dma_start3A_29 = tpu.memref_slice %arg4[%dma_start3A_28, %multiple_of3A_27] : memref<64x1000000xf32, #tpu.memory_space<hbm>> -> memref<64x128xf32, #tpu.memory_space<hbm>>
    %dma_start3A_30 = arith.constant 0 : i32
    %dma_start3A_31 = tpu.memref_slice %arg4[%dma_start3A_30, %multiple_of3A_27] : memref<64x1000000xf32, #tpu.memory_space<hbm>> -> memref<64x128xf32, #tpu.memory_space<hbm>>
    tpu.enqueue_dma source(%dma_start3A_31 : memref<64x128xf32, #tpu.memory_space<hbm>>) target(%arg13 : memref<64x128xf32, #tpu.memory_space<vmem>>) target_semaphore(%arg17 : memref<!tpu.dma_semaphore, #tpu.memory_space<semaphore_mem>>)
    %scan3A = arith.constant 0 : i32
    %scan3A_32 = arith.constant 0 : i32
    %scan3A_33 = arith.constant 32 : i32
    %scan3A_34 = arith.addi %scan3A_32, %scan3A_33 : i32
    %scan3A_35 = arith.constant 1 : i32
    scf.for %scan3A_78 = %scan3A_32 to %scan3A_34 step %scan3A_35  : i32 {
      %mul3A_79 = arith.constant 16 : i32
      %mul3A_80 = arith.muli %scan3A_78, %mul3A_79 : i32
      %multiple_of3A_81 = tpu.assume_multiple %mul3A_80, 16 : i32
      %get3A_82 = arith.index_cast %multiple_of3A_81 : i32 to index
      %get3A_83 = tpu.vector_load %arg8[%get3A_82] {strides = array<i32>} : memref<528xi32, #tpu.memory_space<vmem>>, vector<16xi32>,
      %add3A_84 = arith.constant 16 : i32
      %add3A_85 = arith.addi %multiple_of3A_81, %add3A_84 : i32
      %get3A_86 = arith.index_cast %add3A_85 : i32 to index
      %get3A_87 = tpu.vector_load %arg8[%get3A_86] {strides = array<i32>} : memref<528xi32, #tpu.memory_space<vmem>>, vector<16xi32>,
      %slice3A_88 = vector.extract_strided_slice %get3A_83 {offsets = [3], sizes = [1], strides = [1]} : vector<16xi32> to vector<1xi32>
      %squeeze3A_89 = vector.extract %slice3A_88[0] : i32 from vector<1xi32>
      %shift_right_arithmetic3A_90 = arith.constant 7 : i32
      %shift_right_arithmetic3A_91 = arith.shrsi %squeeze3A_89, %shift_right_arithmetic3A_90 : i32
      %mul3A_92 = arith.constant 128 : i32
      %mul3A_93 = arith.muli %shift_right_arithmetic3A_91, %mul3A_92 : i32
      %multiple_of3A_94 = tpu.assume_multiple %mul3A_93, 128 : i32
      %dma_start3A_95 = arith.constant 0 : i32
      %dma_start3A_96 = tpu.memref_slice %arg4[%dma_start3A_95, %multiple_of3A_94] : memref<64x1000000xf32, #tpu.memory_space<hbm>> -> memref<64x128xf32, #tpu.memory_space<hbm>>
      %dma_start3A_97 = arith.constant 0 : i32
      %dma_start3A_98 = tpu.memref_slice %arg4[%dma_start3A_97, %multiple_of3A_94] : memref<64x1000000xf32, #tpu.memory_space<hbm>> -> memref<64x128xf32, #tpu.memory_space<hbm>>
      tpu.enqueue_dma source(%dma_start3A_98 : memref<64x128xf32, #tpu.memory_space<hbm>>) target(%arg14 : memref<64x128xf32, #tpu.memory_space<vmem>>) target_semaphore(%arg18 : memref<!tpu.dma_semaphore, #tpu.memory_space<semaphore_mem>>)
      %dma_wait3A = arith.constant 0 : i32
      %dma_wait3A_99 = arith.constant 0 : i32
      %dma_wait3A_100 = tpu.memref_slice %arg4[%dma_wait3A, %dma_wait3A_99] : memref<64x1000000xf32, #tpu.memory_space<hbm>> -> memref<64x128xf32, #tpu.memory_space<hbm>>
      %dma_wait3A_101 = arith.constant 0 : i32
      %dma_wait3A_102 = arith.constant 0 : i32
      %dma_wait3A_103 = tpu.memref_slice %arg4[%dma_wait3A_101, %dma_wait3A_102] : memref<64x1000000xf32, #tpu.memory_space<hbm>> -> memref<64x128xf32, #tpu.memory_space<hbm>>
      tpu.wait_dma2 semaphore(%arg15 : memref<!tpu.dma_semaphore, #tpu.memory_space<semaphore_mem>>) src(%dma_wait3A_103 : memref<64x128xf32, #tpu.memory_space<hbm>>) dst(%arg11 : memref<64x128xf32, #tpu.memory_space<vmem>>)
      %slice3A_104 = vector.extract_strided_slice %get3A_83 {offsets = [0], sizes = [1], strides = [1]} : vector<16xi32> to vector<1xi32>
      %squeeze3A_105 = vector.extract %slice3A_104[0] : i32 from vector<1xi32>
      %and3A = arith.constant 127 : i32
      %and3A_106 = arith.andi %squeeze3A_105, %and3A : i32
      %broadcast_in_dim3A = vector.broadcast %and3A_106 : i32 to vector<16xi32>
      %iota3A = tpu.iota {dimensions = array<i32: 0>} : vector<16xi32>
      %add3A_107 = arith.constant 0 : i32
      %add3A_108 = vector.broadcast %add3A_107 : i32 to vector<16xi32>
      %add3A_109 = arith.addi %iota3A, %add3A_108 : vector<16xi32>
      %gather3A = tpu.vector_load_idx %arg11[%add3A_109, %broadcast_in_dim3A] : memref<64x128xf32, #tpu.memory_space<vmem>>[vector<16xi32>, vector<16xi32>], vector<16xf32>,
      %add3A_110 = arith.constant 0 : i32
      %add3A_111 = arith.addi %multiple_of3A_81, %add3A_110 : i32
      %swap3A = arith.index_cast %add3A_111 : i32 to index
      %swap3A_112 = arith.constant 0 : index
      %swap3A_113 = tpu.vector_load %arg10[%swap3A, %swap3A_112] {strides = array<i32>} : memref<512x64xf32, #tpu.memory_space<vmem>>, vector<16xf32>,
      tpu.vector_store %arg10[%swap3A, %swap3A_112], %gather3A {strides = array<i32>} : memref<512x64xf32, #tpu.memory_space<vmem>>, vector<16xf32>,
      %iota3A_114 = tpu.iota {dimensions = array<i32: 0>} : vector<16xi32>
      %add3A_115 = arith.constant 16 : i32
      %add3A_116 = vector.broadcast %add3A_115 : i32 to vector<16xi32>
      %add3A_117 = arith.addi %iota3A_114, %add3A_116 : vector<16xi32>
      %gather3A_118 = tpu.vector_load_idx %arg11[%add3A_117, %broadcast_in_dim3A] : memref<64x128xf32, #tpu.memory_space<vmem>>[vector<16xi32>, vector<16xi32>], vector<16xf32>,
      %add3A_119 = arith.constant 0 : i32
      %add3A_120 = arith.addi %multiple_of3A_81, %add3A_119 : i32
      %swap3A_121 = arith.index_cast %add3A_120 : i32 to index
      %swap3A_122 = arith.constant 16 : index
      %swap3A_123 = tpu.vector_load %arg10[%swap3A_121, %swap3A_122] {strides = array<i32>} : memref<512x64xf32, #tpu.memory_space<vmem>>, vector<16xf32>,
      tpu.vector_store %arg10[%swap3A_121, %swap3A_122], %gather3A_118 {strides = array<i32>} : memref<512x64xf32, #tpu.memory_space<vmem>>, vector<16xf32>,
      %iota3A_124 = tpu.iota {dimensions = array<i32: 0>} : vector<16xi32>
      %add3A_125 = arith.constant 32 : i32
      %add3A_126 = vector.broadcast %add3A_125 : i32 to vector<16xi32>
      %add3A_127 = arith.addi %iota3A_124, %add3A_126 : vector<16xi32>
      %gather3A_128 = tpu.vector_load_idx %arg11[%add3A_127, %broadcast_in_dim3A] : memref<64x128xf32, #tpu.memory_space<vmem>>[vector<16xi32>, vector<16xi32>], vector<16xf32>,
      %add3A_129 = arith.constant 0 : i32
      %add3A_130 = arith.addi %multiple_of3A_81, %add3A_129 : i32
      %swap3A_131 = arith.index_cast %add3A_130 : i32 to index
      %swap3A_132 = arith.constant 32 : index
      %swap3A_133 = tpu.vector_load %arg10[%swap3A_131, %swap3A_132] {strides = array<i32>} : memref<512x64xf32, #tpu.memory_space<vmem>>, vector<16xf32>,
      tpu.vector_store %arg10[%swap3A_131, %swap3A_132], %gather3A_128 {strides = array<i32>} : memref<512x64xf32, #tpu.memory_space<vmem>>, vector<16xf32>,
      %iota3A_134 = tpu.iota {dimensions = array<i32: 0>} : vector<16xi32>
      %add3A_135 = arith.constant 48 : i32
      %add3A_136 = vector.broadcast %add3A_135 : i32 to vector<16xi32>
      %add3A_137 = arith.addi %iota3A_134, %add3A_136 : vector<16xi32>
      %gather3A_138 = tpu.vector_load_idx %arg11[%add3A_137, %broadcast_in_dim3A] : memref<64x128xf32, #tpu.memory_space<vmem>>[vector<16xi32>, vector<16xi32>], vector<16xf32>,
      %add3A_139 = arith.constant 0 : i32
      %add3A_140 = arith.addi %multiple_of3A_81, %add3A_139 : i32
      %swap3A_141 = arith.index_cast %add3A_140 : i32 to index
      %swap3A_142 = arith.constant 48 : index
      %swap3A_143 = tpu.vector_load %arg10[%swap3A_141, %swap3A_142] {strides = array<i32>} : memref<512x64xf32, #tpu.memory_space<vmem>>, vector<16xf32>,
      tpu.vector_store %arg10[%swap3A_141, %swap3A_142], %gather3A_138 {strides = array<i32>} : memref<512x64xf32, #tpu.memory_space<vmem>>, vector<16xf32>,
      %slice3A_144 = vector.extract_strided_slice %get3A_83 {offsets = [4], sizes = [1], strides = [1]} : vector<16xi32> to vector<1xi32>
      %squeeze3A_145 = vector.extract %slice3A_144[0] : i32 from vector<1xi32>
      %shift_right_arithmetic3A_146 = arith.constant 7 : i32
      %shift_right_arithmetic3A_147 = arith.shrsi %squeeze3A_145, %shift_right_arithmetic3A_146 : i32
      %mul3A_148 = arith.constant 128 : i32
      %mul3A_149 = arith.muli %shift_right_arithmetic3A_147, %mul3A_148 : i32
      %multiple_of3A_150 = tpu.assume_multiple %mul3A_149, 128 : i32
      %dma_start3A_151 = arith.constant 0 : i32
      %dma_start3A_152 = tpu.memref_slice %arg4[%dma_start3A_151, %multiple_of3A_150] : memref<64x1000000xf32, #tpu.memory_space<hbm>> -> memref<64x128xf32, #tpu.memory_space<hbm>>
      %dma_start3A_153 = arith.constant 0 : i32
      %dma_start3A_154 = tpu.memref_slice %arg4[%dma_start3A_153, %multiple_of3A_150] : memref<64x1000000xf32, #tpu.memory_space<hbm>> -> memref<64x128xf32, #tpu.memory_space<hbm>>
      tpu.enqueue_dma source(%dma_start3A_154 : memref<64x128xf32, #tpu.memory_space<hbm>>) target(%arg11 : memref<64x128xf32, #tpu.memory_space<vmem>>) target_semaphore(%arg15 : memref<!tpu.dma_semaphore, #tpu.memory_space<semaphore_mem>>)
      %dma_wait3A_155 = arith.constant 0 : i32
      %dma_wait3A_156 = arith.constant 0 : i32
      %dma_wait3A_157 = tpu.memref_slice %arg4[%dma_wait3A_155, %dma_wait3A_156] : memref<64x1000000xf32, #tpu.memory_space<hbm>> -> memref<64x128xf32, #tpu.memory_space<hbm>>
      %dma_wait3A_158 = arith.constant 0 : i32
      %dma_wait3A_159 = arith.constant 0 : i32
      %dma_wait3A_160 = tpu.memref_slice %arg4[%dma_wait3A_158, %dma_wait3A_159] : memref<64x1000000xf32, #tpu.memory_space<hbm>> -> memref<64x128xf32, #tpu.memory_space<hbm>>
      tpu.wait_dma2 semaphore(%arg16 : memref<!tpu.dma_semaphore, #tpu.memory_space<semaphore_mem>>) src(%dma_wait3A_160 : memref<64x128xf32, #tpu.memory_space<hbm>>) dst(%arg12 : memref<64x128xf32, #tpu.memory_space<vmem>>)
      %slice3A_161 = vector.extract_strided_slice %get3A_83 {offsets = [1], sizes = [1], strides = [1]} : vector<16xi32> to vector<1xi32>
      %squeeze3A_162 = vector.extract %slice3A_161[0] : i32 from vector<1xi32>
      %and3A_163 = arith.constant 127 : i32
      %and3A_164 = arith.andi %squeeze3A_162, %and3A_163 : i32
      %broadcast_in_dim3A_165 = vector.broadcast %and3A_164 : i32 to vector<16xi32>
      %iota3A_166 = tpu.iota {dimensions = array<i32: 0>} : vector<16xi32>
      %add3A_167 = arith.constant 0 : i32
      %add3A_168 = vector.broadcast %add3A_167 : i32 to vector<16xi32>
      %add3A_169 = arith.addi %iota3A_166, %add3A_168 : vector<16xi32>
      %gather3A_170 = tpu.vector_load_idx %arg12[%add3A_169, %broadcast_in_dim3A_165] : memref<64x128xf32, #tpu.memory_space<vmem>>[vector<16xi32>, vector<16xi32>], vector<16xf32>,
      %add3A_171 = arith.constant 1 : i32
      %add3A_172 = arith.addi %multiple_of3A_81, %add3A_171 : i32
      %swap3A_173 = arith.index_cast %add3A_172 : i32 to index
      %swap3A_174 = arith.constant 0 : index
      %swap3A_175 = tpu.vector_load %arg10[%swap3A_173, %swap3A_174] {strides = array<i32>} : memref<512x64xf32, #tpu.memory_space<vmem>>, vector<16xf32>,
      tpu.vector_store %arg10[%swap3A_173, %swap3A_174], %gather3A_170 {strides = array<i32>} : memref<512x64xf32, #tpu.memory_space<vmem>>, vector<16xf32>,
      %iota3A_176 = tpu.iota {dimensions = array<i32: 0>} : vector<16xi32>
      %add3A_177 = arith.constant 16 : i32
      %add3A_178 = vector.broadcast %add3A_177 : i32 to vector<16xi32>
      %add3A_179 = arith.addi %iota3A_176, %add3A_178 : vector<16xi32>
      %gather3A_180 = tpu.vector_load_idx %arg12[%add3A_179, %broadcast_in_dim3A_165] : memref<64x128xf32, #tpu.memory_space<vmem>>[vector<16xi32>, vector<16xi32>], vector<16xf32>,
      %add3A_181 = arith.constant 1 : i32
      %add3A_182 = arith.addi %multiple_of3A_81, %add3A_181 : i32
      %swap3A_183 = arith.index_cast %add3A_182 : i32 to index
      %swap3A_184 = arith.constant 16 : index
      %swap3A_185 = tpu.vector_load %arg10[%swap3A_183, %swap3A_184] {strides = array<i32>} : memref<512x64xf32, #tpu.memory_space<vmem>>, vector<16xf32>,
      tpu.vector_store %arg10[%swap3A_183, %swap3A_184], %gather3A_180 {strides = array<i32>} : memref<512x64xf32, #tpu.memory_space<vmem>>, vector<16xf32>,
      %iota3A_186 = tpu.iota {dimensions = array<i32: 0>} : vector<16xi32>
      %add3A_187 = arith.constant 32 : i32
      %add3A_188 = vector.broadcast %add3A_187 : i32 to vector<16xi32>
      %add3A_189 = arith.addi %iota3A_186, %add3A_188 : vector<16xi32>
      %gather3A_190 = tpu.vector_load_idx %arg12[%add3A_189, %broadcast_in_dim3A_165] : memref<64x128xf32, #tpu.memory_space<vmem>>[vector<16xi32>, vector<16xi32>], vector<16xf32>,
      %add3A_191 = arith.constant 1 : i32
      %add3A_192 = arith.addi %multiple_of3A_81, %add3A_191 : i32
      %swap3A_193 = arith.index_cast %add3A_192 : i32 to index
      %swap3A_194 = arith.constant 32 : index
      %swap3A_195 = tpu.vector_load %arg10[%swap3A_193, %swap3A_194] {strides = array<i32>} : memref<512x64xf32, #tpu.memory_space<vmem>>, vector<16xf32>,
      tpu.vector_store %arg10[%swap3A_193, %swap3A_194], %gather3A_190 {strides = array<i32>} : memref<512x64xf32, #tpu.memory_space<vmem>>, vector<16xf32>,
      %iota3A_196 = tpu.iota {dimensions = array<i32: 0>} : vector<16xi32>
      %add3A_197 = arith.constant 48 : i32
      %add3A_198 = vector.broadcast %add3A_197 : i32 to vector<16xi32>
      %add3A_199 = arith.addi %iota3A_196, %add3A_198 : vector<16xi32>
      %gather3A_200 = tpu.vector_load_idx %arg12[%add3A_199, %broadcast_in_dim3A_165] : memref<64x128xf32, #tpu.memory_space<vmem>>[vector<16xi32>, vector<16xi32>], vector<16xf32>,
      %add3A_201 = arith.constant 1 : i32
      %add3A_202 = arith.addi %multiple_of3A_81, %add3A_201 : i32
      %swap3A_203 = arith.index_cast %add3A_202 : i32 to index
      %swap3A_204 = arith.constant 48 : index
      %swap3A_205 = tpu.vector_load %arg10[%swap3A_203, %swap3A_204] {strides = array<i32>} : memref<512x64xf32, #tpu.memory_space<vmem>>, vector<16xf32>,
      tpu.vector_store %arg10[%swap3A_203, %swap3A_204], %gather3A_200 {strides = array<i32>} : memref<512x64xf32, #tpu.memory_space<vmem>>, vector<16xf32>,
      %slice3A_206 = vector.extract_strided_slice %get3A_83 {offsets = [5], sizes = [1], strides = [1]} : vector<16xi32> to vector<1xi32>
      %squeeze3A_207 = vector.extract %slice3A_206[0] : i32 from vector<1xi32>
      %shift_right_arithmetic3A_208 = arith.constant 7 : i32
      %shift_right_arithmetic3A_209 = arith.shrsi %squeeze3A_207, %shift_right_arithmetic3A_208 : i32
      %mul3A_210 = arith.constant 128 : i32
      %mul3A_211 = arith.muli %shift_right_arithmetic3A_209, %mul3A_210 : i32
      %multiple_of3A_212 = tpu.assume_multiple %mul3A_211, 128 : i32
      %dma_start3A_213 = arith.constant 0 : i32
      %dma_start3A_214 = tpu.memref_slice %arg4[%dma_start3A_213, %multiple_of3A_212] : memref<64x1000000xf32, #tpu.memory_space<hbm>> -> memref<64x128xf32, #tpu.memory_space<hbm>>
      %dma_start3A_215 = arith.constant 0 : i32
      %dma_start3A_216 = tpu.memref_slice %arg4[%dma_start3A_215, %multiple_of3A_212] : memref<64x1000000xf32, #tpu.memory_space<hbm>> -> memref<64x128xf32, #tpu.memory_space<hbm>>
      tpu.enqueue_dma source(%dma_start3A_216 : memref<64x128xf32, #tpu.memory_space<hbm>>) target(%arg12 : memref<64x128xf32, #tpu.memory_space<vmem>>) target_semaphore(%arg16 : memref<!tpu.dma_semaphore, #tpu.memory_space<semaphore_mem>>)
      %dma_wait3A_217 = arith.constant 0 : i32
      %dma_wait3A_218 = arith.constant 0 : i32
      %dma_wait3A_219 = tpu.memref_slice %arg4[%dma_wait3A_217, %dma_wait3A_218] : memref<64x1000000xf32, #tpu.memory_space<hbm>> -> memref<64x128xf32, #tpu.memory_space<hbm>>
      %dma_wait3A_220 = arith.constant 0 : i32
      %dma_wait3A_221 = arith.constant 0 : i32
      %dma_wait3A_222 = tpu.memref_slice %arg4[%dma_wait3A_220, %dma_wait3A_221] : memref<64x1000000xf32, #tpu.memory_space<hbm>> -> memref<64x128xf32, #tpu.memory_space<hbm>>
      tpu.wait_dma2 semaphore(%arg17 : memref<!tpu.dma_semaphore, #tpu.memory_space<semaphore_mem>>) src(%dma_wait3A_222 : memref<64x128xf32, #tpu.memory_space<hbm>>) dst(%arg13 : memref<64x128xf32, #tpu.memory_space<vmem>>)
      %slice3A_223 = vector.extract_strided_slice %get3A_83 {offsets = [2], sizes = [1], strides = [1]} : vector<16xi32> to vector<1xi32>
      %squeeze3A_224 = vector.extract %slice3A_223[0] : i32 from vector<1xi32>
      %and3A_225 = arith.constant 127 : i32
      %and3A_226 = arith.andi %squeeze3A_224, %and3A_225 : i32
      %broadcast_in_dim3A_227 = vector.broadcast %and3A_226 : i32 to vector<16xi32>
      %iota3A_228 = tpu.iota {dimensions = array<i32: 0>} : vector<16xi32>
      %add3A_229 = arith.constant 0 : i32
      %add3A_230 = vector.broadcast %add3A_229 : i32 to vector<16xi32>
      %add3A_231 = arith.addi %iota3A_228, %add3A_230 : vector<16xi32>
      %gather3A_232 = tpu.vector_load_idx %arg13[%add3A_231, %broadcast_in_dim3A_227] : memref<64x128xf32, #tpu.memory_space<vmem>>[vector<16xi32>, vector<16xi32>], vector<16xf32>,
      %add3A_233 = arith.constant 2 : i32
      %add3A_234 = arith.addi %multiple_of3A_81, %add3A_233 : i32
      %swap3A_235 = arith.index_cast %add3A_234 : i32 to index
      %swap3A_236 = arith.constant 0 : index
      %swap3A_237 = tpu.vector_load %arg10[%swap3A_235, %swap3A_236] {strides = array<i32>} : memref<512x64xf32, #tpu.memory_space<vmem>>, vector<16xf32>,
      tpu.vector_store %arg10[%swap3A_235, %swap3A_236], %gather3A_232 {strides = array<i32>} : memref<512x64xf32, #tpu.memory_space<vmem>>, vector<16xf32>,
      %iota3A_238 = tpu.iota {dimensions = array<i32: 0>} : vector<16xi32>
      %add3A_239 = arith.constant 16 : i32
      %add3A_240 = vector.broadcast %add3A_239 : i32 to vector<16xi32>
      %add3A_241 = arith.addi %iota3A_238, %add3A_240 : vector<16xi32>
      %gather3A_242 = tpu.vector_load_idx %arg13[%add3A_241, %broadcast_in_dim3A_227] : memref<64x128xf32, #tpu.memory_space<vmem>>[vector<16xi32>, vector<16xi32>], vector<16xf32>,
      %add3A_243 = arith.constant 2 : i32
      %add3A_244 = arith.addi %multiple_of3A_81, %add3A_243 : i32
      %swap3A_245 = arith.index_cast %add3A_244 : i32 to index
      %swap3A_246 = arith.constant 16 : index
      %swap3A_247 = tpu.vector_load %arg10[%swap3A_245, %swap3A_246] {strides = array<i32>} : memref<512x64xf32, #tpu.memory_space<vmem>>, vector<16xf32>,
      tpu.vector_store %arg10[%swap3A_245, %swap3A_246], %gather3A_242 {strides = array<i32>} : memref<512x64xf32, #tpu.memory_space<vmem>>, vector<16xf32>,
      %iota3A_248 = tpu.iota {dimensions = array<i32: 0>} : vector<16xi32>
      %add3A_249 = arith.constant 32 : i32
      %add3A_250 = vector.broadcast %add3A_249 : i32 to vector<16xi32>
      %add3A_251 = arith.addi %iota3A_248, %add3A_250 : vector<16xi32>
      %gather3A_252 = tpu.vector_load_idx %arg13[%add3A_251, %broadcast_in_dim3A_227] : memref<64x128xf32, #tpu.memory_space<vmem>>[vector<16xi32>, vector<16xi32>], vector<16xf32>,
      %add3A_253 = arith.constant 2 : i32
      %add3A_254 = arith.addi %multiple_of3A_81, %add3A_253 : i32
      %swap3A_255 = arith.index_cast %add3A_254 : i32 to index
      %swap3A_256 = arith.constant 32 : index
      %swap3A_257 = tpu.vector_load %arg10[%swap3A_255, %swap3A_256] {strides = array<i32>} : memref<512x64xf32, #tpu.memory_space<vmem>>, vector<16xf32>,
      tpu.vector_store %arg10[%swap3A_255, %swap3A_256], %gather3A_252 {strides = array<i32>} : memref<512x64xf32, #tpu.memory_space<vmem>>, vector<16xf32>,
      %iota3A_258 = tpu.iota {dimensions = array<i32: 0>} : vector<16xi32>
      %add3A_259 = arith.constant 48 : i32
      %add3A_260 = vector.broadcast %add3A_259 : i32 to vector<16xi32>
      %add3A_261 = arith.addi %iota3A_258, %add3A_260 : vector<16xi32>
      %gather3A_262 = tpu.vector_load_idx %arg13[%add3A_261, %broadcast_in_dim3A_227] : memref<64x128xf32, #tpu.memory_space<vmem>>[vector<16xi32>, vector<16xi32>], vector<16xf32>,
      %add3A_263 = arith.constant 2 : i32
      %add3A_264 = arith.addi %multiple_of3A_81, %add3A_263 : i32
      %swap3A_265 = arith.index_cast %add3A_264 : i32 to index
      %swap3A_266 = arith.constant 48 : index
      %swap3A_267 = tpu.vector_load %arg10[%swap3A_265, %swap3A_266] {strides = array<i32>} : memref<512x64xf32, #tpu.memory_space<vmem>>, vector<16xf32>,
      tpu.vector_store %arg10[%swap3A_265, %swap3A_266], %gather3A_262 {strides = array<i32>} : memref<512x64xf32, #tpu.memory_space<vmem>>, vector<16xf32>,
      %slice3A_268 = vector.extract_strided_slice %get3A_83 {offsets = [6], sizes = [1], strides = [1]} : vector<16xi32> to vector<1xi32>
      %squeeze3A_269 = vector.extract %slice3A_268[0] : i32 from vector<1xi32>
      %shift_right_arithmetic3A_270 = arith.constant 7 : i32
      %shift_right_arithmetic3A_271 = arith.shrsi %squeeze3A_269, %shift_right_arithmetic3A_270 : i32
      %mul3A_272 = arith.constant 128 : i32
      %mul3A_273 = arith.muli %shift_right_arithmetic3A_271, %mul3A_272 : i32
      %multiple_of3A_274 = tpu.assume_multiple %mul3A_273, 128 : i32
      %dma_start3A_275 = arith.constant 0 : i32
      %dma_start3A_276 = tpu.memref_slice %arg4[%dma_start3A_275, %multiple_of3A_274] : memref<64x1000000xf32, #tpu.memory_space<hbm>> -> memref<64x128xf32, #tpu.memory_space<hbm>>
      %dma_start3A_277 = arith.constant 0 : i32
      %dma_start3A_278 = tpu.memref_slice %arg4[%dma_start3A_277, %multiple_of3A_274] : memref<64x1000000xf32, #tpu.memory_space<hbm>> -> memref<64x128xf32, #tpu.memory_space<hbm>>
      tpu.enqueue_dma source(%dma_start3A_278 : memref<64x128xf32, #tpu.memory_space<hbm>>) target(%arg13 : memref<64x128xf32, #tpu.memory_space<vmem>>) target_semaphore(%arg17 : memref<!tpu.dma_semaphore, #tpu.memory_space<semaphore_mem>>)
      %dma_wait3A_279 = arith.constant 0 : i32
      %dma_wait3A_280 = arith.constant 0 : i32
      %dma_wait3A_281 = tpu.memref_slice %arg4[%dma_wait3A_279, %dma_wait3A_280] : memref<64x1000000xf32, #tpu.memory_space<hbm>> -> memref<64x128xf32, #tpu.memory_space<hbm>>
      %dma_wait3A_282 = arith.constant 0 : i32
      %dma_wait3A_283 = arith.constant 0 : i32
      %dma_wait3A_284 = tpu.memref_slice %arg4[%dma_wait3A_282, %dma_wait3A_283] : memref<64x1000000xf32, #tpu.memory_space<hbm>> -> memref<64x128xf32, #tpu.memory_space<hbm>>
      tpu.wait_dma2 semaphore(%arg18 : memref<!tpu.dma_semaphore, #tpu.memory_space<semaphore_mem>>) src(%dma_wait3A_284 : memref<64x128xf32, #tpu.memory_space<hbm>>) dst(%arg14 : memref<64x128xf32, #tpu.memory_space<vmem>>)
      %slice3A_285 = vector.extract_strided_slice %get3A_83 {offsets = [3], sizes = [1], strides = [1]} : vector<16xi32> to vector<1xi32>
      %squeeze3A_286 = vector.extract %slice3A_285[0] : i32 from vector<1xi32>
      %and3A_287 = arith.constant 127 : i32
      %and3A_288 = arith.andi %squeeze3A_286, %and3A_287 : i32
      %broadcast_in_dim3A_289 = vector.broadcast %and3A_288 : i32 to vector<16xi32>
      %iota3A_290 = tpu.iota {dimensions = array<i32: 0>} : vector<16xi32>
      %add3A_291 = arith.constant 0 : i32
      %add3A_292 = vector.broadcast %add3A_291 : i32 to vector<16xi32>
      %add3A_293 = arith.addi %iota3A_290, %add3A_292 : vector<16xi32>
      %gather3A_294 = tpu.vector_load_idx %arg14[%add3A_293, %broadcast_in_dim3A_289] : memref<64x128xf32, #tpu.memory_space<vmem>>[vector<16xi32>, vector<16xi32>], vector<16xf32>,
      %add3A_295 = arith.constant 3 : i32
      %add3A_296 = arith.addi %multiple_of3A_81, %add3A_295 : i32
      %swap3A_297 = arith.index_cast %add3A_296 : i32 to index
      %swap3A_298 = arith.constant 0 : index
      %swap3A_299 = tpu.vector_load %arg10[%swap3A_297, %swap3A_298] {strides = array<i32>} : memref<512x64xf32, #tpu.memory_space<vmem>>, vector<16xf32>,
      tpu.vector_store %arg10[%swap3A_297, %swap3A_298], %gather3A_294 {strides = array<i32>} : memref<512x64xf32, #tpu.memory_space<vmem>>, vector<16xf32>,
      %iota3A_300 = tpu.iota {dimensions = array<i32: 0>} : vector<16xi32>
      %add3A_301 = arith.constant 16 : i32
      %add3A_302 = vector.broadcast %add3A_301 : i32 to vector<16xi32>
      %add3A_303 = arith.addi %iota3A_300, %add3A_302 : vector<16xi32>
      %gather3A_304 = tpu.vector_load_idx %arg14[%add3A_303, %broadcast_in_dim3A_289] : memref<64x128xf32, #tpu.memory_space<vmem>>[vector<16xi32>, vector<16xi32>], vector<16xf32>,
      %add3A_305 = arith.constant 3 : i32
      %add3A_306 = arith.addi %multiple_of3A_81, %add3A_305 : i32
      %swap3A_307 = arith.index_cast %add3A_306 : i32 to index
      %swap3A_308 = arith.constant 16 : index
      %swap3A_309 = tpu.vector_load %arg10[%swap3A_307, %swap3A_308] {strides = array<i32>} : memref<512x64xf32, #tpu.memory_space<vmem>>, vector<16xf32>,
      tpu.vector_store %arg10[%swap3A_307, %swap3A_308], %gather3A_304 {strides = array<i32>} : memref<512x64xf32, #tpu.memory_space<vmem>>, vector<16xf32>,
      %iota3A_310 = tpu.iota {dimensions = array<i32: 0>} : vector<16xi32>
      %add3A_311 = arith.constant 32 : i32
      %add3A_312 = vector.broadcast %add3A_311 : i32 to vector<16xi32>
      %add3A_313 = arith.addi %iota3A_310, %add3A_312 : vector<16xi32>
      %gather3A_314 = tpu.vector_load_idx %arg14[%add3A_313, %broadcast_in_dim3A_289] : memref<64x128xf32, #tpu.memory_space<vmem>>[vector<16xi32>, vector<16xi32>], vector<16xf32>,
      %add3A_315 = arith.constant 3 : i32
      %add3A_316 = arith.addi %multiple_of3A_81, %add3A_315 : i32
      %swap3A_317 = arith.index_cast %add3A_316 : i32 to index
      %swap3A_318 = arith.constant 32 : index
      %swap3A_319 = tpu.vector_load %arg10[%swap3A_317, %swap3A_318] {strides = array<i32>} : memref<512x64xf32, #tpu.memory_space<vmem>>, vector<16xf32>,
      tpu.vector_store %arg10[%swap3A_317, %swap3A_318], %gather3A_314 {strides = array<i32>} : memref<512x64xf32, #tpu.memory_space<vmem>>, vector<16xf32>,
      %iota3A_320 = tpu.iota {dimensions = array<i32: 0>} : vector<16xi32>
      %add3A_321 = arith.constant 48 : i32
      %add3A_322 = vector.broadcast %add3A_321 : i32 to vector<16xi32>
      %add3A_323 = arith.addi %iota3A_320, %add3A_322 : vector<16xi32>
      %gather3A_324 = tpu.vector_load_idx %arg14[%add3A_323, %broadcast_in_dim3A_289] : memref<64x128xf32, #tpu.memory_space<vmem>>[vector<16xi32>, vector<16xi32>], vector<16xf32>,
      %add3A_325 = arith.constant 3 : i32
      %add3A_326 = arith.addi %multiple_of3A_81, %add3A_325 : i32
      %swap3A_327 = arith.index_cast %add3A_326 : i32 to index
      %swap3A_328 = arith.constant 48 : index
      %swap3A_329 = tpu.vector_load %arg10[%swap3A_327, %swap3A_328] {strides = array<i32>} : memref<512x64xf32, #tpu.memory_space<vmem>>, vector<16xf32>,
      tpu.vector_store %arg10[%swap3A_327, %swap3A_328], %gather3A_324 {strides = array<i32>} : memref<512x64xf32, #tpu.memory_space<vmem>>, vector<16xf32>,
      %slice3A_330 = vector.extract_strided_slice %get3A_83 {offsets = [7], sizes = [1], strides = [1]} : vector<16xi32> to vector<1xi32>
      %squeeze3A_331 = vector.extract %slice3A_330[0] : i32 from vector<1xi32>
      %shift_right_arithmetic3A_332 = arith.constant 7 : i32
      %shift_right_arithmetic3A_333 = arith.shrsi %squeeze3A_331, %shift_right_arithmetic3A_332 : i32
      %mul3A_334 = arith.constant 128 : i32
      %mul3A_335 = arith.muli %shift_right_arithmetic3A_333, %mul3A_334 : i32
      %multiple_of3A_336 = tpu.assume_multiple %mul3A_335, 128 : i32
      %dma_start3A_337 = arith.constant 0 : i32
      %dma_start3A_338 = tpu.memref_slice %arg4[%dma_start3A_337, %multiple_of3A_336] : memref<64x1000000xf32, #tpu.memory_space<hbm>> -> memref<64x128xf32, #tpu.memory_space<hbm>>
      %dma_start3A_339 = arith.constant 0 : i32
      %dma_start3A_340 = tpu.memref_slice %arg4[%dma_start3A_339, %multiple_of3A_336] : memref<64x1000000xf32, #tpu.memory_space<hbm>> -> memref<64x128xf32, #tpu.memory_space<hbm>>
      tpu.enqueue_dma source(%dma_start3A_340 : memref<64x128xf32, #tpu.memory_space<hbm>>) target(%arg14 : memref<64x128xf32, #tpu.memory_space<vmem>>) target_semaphore(%arg18 : memref<!tpu.dma_semaphore, #tpu.memory_space<semaphore_mem>>)
      %dma_wait3A_341 = arith.constant 0 : i32
      %dma_wait3A_342 = arith.constant 0 : i32
      %dma_wait3A_343 = tpu.memref_slice %arg4[%dma_wait3A_341, %dma_wait3A_342] : memref<64x1000000xf32, #tpu.memory_space<hbm>> -> memref<64x128xf32, #tpu.memory_space<hbm>>
      %dma_wait3A_344 = arith.constant 0 : i32
      %dma_wait3A_345 = arith.constant 0 : i32
      %dma_wait3A_346 = tpu.memref_slice %arg4[%dma_wait3A_344, %dma_wait3A_345] : memref<64x1000000xf32, #tpu.memory_space<hbm>> -> memref<64x128xf32, #tpu.memory_space<hbm>>
      tpu.wait_dma2 semaphore(%arg15 : memref<!tpu.dma_semaphore, #tpu.memory_space<semaphore_mem>>) src(%dma_wait3A_346 : memref<64x128xf32, #tpu.memory_space<hbm>>) dst(%arg11 : memref<64x128xf32, #tpu.memory_space<vmem>>)
      %slice3A_347 = vector.extract_strided_slice %get3A_83 {offsets = [4], sizes = [1], strides = [1]} : vector<16xi32> to vector<1xi32>
      %squeeze3A_348 = vector.extract %slice3A_347[0] : i32 from vector<1xi32>
      %and3A_349 = arith.constant 127 : i32
      %and3A_350 = arith.andi %squeeze3A_348, %and3A_349 : i32
      %broadcast_in_dim3A_351 = vector.broadcast %and3A_350 : i32 to vector<16xi32>
      %iota3A_352 = tpu.iota {dimensions = array<i32: 0>} : vector<16xi32>
      %add3A_353 = arith.constant 0 : i32
      %add3A_354 = vector.broadcast %add3A_353 : i32 to vector<16xi32>
      %add3A_355 = arith.addi %iota3A_352, %add3A_354 : vector<16xi32>
      %gather3A_356 = tpu.vector_load_idx %arg11[%add3A_355, %broadcast_in_dim3A_351] : memref<64x128xf32, #tpu.memory_space<vmem>>[vector<16xi32>, vector<16xi32>], vector<16xf32>,
      %add3A_357 = arith.constant 4 : i32
      %add3A_358 = arith.addi %multiple_of3A_81, %add3A_357 : i32
      %swap3A_359 = arith.index_cast %add3A_358 : i32 to index
      %swap3A_360 = arith.constant 0 : index
      %swap3A_361 = tpu.vector_load %arg10[%swap3A_359, %swap3A_360] {strides = array<i32>} : memref<512x64xf32, #tpu.memory_space<vmem>>, vector<16xf32>,
      tpu.vector_store %arg10[%swap3A_359, %swap3A_360], %gather3A_356 {strides = array<i32>} : memref<512x64xf32, #tpu.memory_space<vmem>>, vector<16xf32>,
      %iota3A_362 = tpu.iota {dimensions = array<i32: 0>} : vector<16xi32>
      %add3A_363 = arith.constant 16 : i32
      %add3A_364 = vector.broadcast %add3A_363 : i32 to vector<16xi32>
      %add3A_365 = arith.addi %iota3A_362, %add3A_364 : vector<16xi32>
      %gather3A_366 = tpu.vector_load_idx %arg11[%add3A_365, %broadcast_in_dim3A_351] : memref<64x128xf32, #tpu.memory_space<vmem>>[vector<16xi32>, vector<16xi32>], vector<16xf32>,
      %add3A_367 = arith.constant 4 : i32
      %add3A_368 = arith.addi %multiple_of3A_81, %add3A_367 : i32
      %swap3A_369 = arith.index_cast %add3A_368 : i32 to index
      %swap3A_370 = arith.constant 16 : index
      %swap3A_371 = tpu.vector_load %arg10[%swap3A_369, %swap3A_370] {strides = array<i32>} : memref<512x64xf32, #tpu.memory_space<vmem>>, vector<16xf32>,
      tpu.vector_store %arg10[%swap3A_369, %swap3A_370], %gather3A_366 {strides = array<i32>} : memref<512x64xf32, #tpu.memory_space<vmem>>, vector<16xf32>,
      %iota3A_372 = tpu.iota {dimensions = array<i32: 0>} : vector<16xi32>
      %add3A_373 = arith.constant 32 : i32
      %add3A_374 = vector.broadcast %add3A_373 : i32 to vector<16xi32>
      %add3A_375 = arith.addi %iota3A_372, %add3A_374 : vector<16xi32>
      %gather3A_376 = tpu.vector_load_idx %arg11[%add3A_375, %broadcast_in_dim3A_351] : memref<64x128xf32, #tpu.memory_space<vmem>>[vector<16xi32>, vector<16xi32>], vector<16xf32>,
      %add3A_377 = arith.constant 4 : i32
      %add3A_378 = arith.addi %multiple_of3A_81, %add3A_377 : i32
      %swap3A_379 = arith.index_cast %add3A_378 : i32 to index
      %swap3A_380 = arith.constant 32 : index
      %swap3A_381 = tpu.vector_load %arg10[%swap3A_379, %swap3A_380] {strides = array<i32>} : memref<512x64xf32, #tpu.memory_space<vmem>>, vector<16xf32>,
      tpu.vector_store %arg10[%swap3A_379, %swap3A_380], %gather3A_376 {strides = array<i32>} : memref<512x64xf32, #tpu.memory_space<vmem>>, vector<16xf32>,
      %iota3A_382 = tpu.iota {dimensions = array<i32: 0>} : vector<16xi32>
      %add3A_383 = arith.constant 48 : i32
      %add3A_384 = vector.broadcast %add3A_383 : i32 to vector<16xi32>
      %add3A_385 = arith.addi %iota3A_382, %add3A_384 : vector<16xi32>
      %gather3A_386 = tpu.vector_load_idx %arg11[%add3A_385, %broadcast_in_dim3A_351] : memref<64x128xf32, #tpu.memory_space<vmem>>[vector<16xi32>, vector<16xi32>], vector<16xf32>,
      %add3A_387 = arith.constant 4 : i32
      %add3A_388 = arith.addi %multiple_of3A_81, %add3A_387 : i32
      %swap3A_389 = arith.index_cast %add3A_388 : i32 to index
      %swap3A_390 = arith.constant 48 : index
      %swap3A_391 = tpu.vector_load %arg10[%swap3A_389, %swap3A_390] {strides = array<i32>} : memref<512x64xf32, #tpu.memory_space<vmem>>, vector<16xf32>,
      tpu.vector_store %arg10[%swap3A_389, %swap3A_390], %gather3A_386 {strides = array<i32>} : memref<512x64xf32, #tpu.memory_space<vmem>>, vector<16xf32>,
      %slice3A_392 = vector.extract_strided_slice %get3A_83 {offsets = [8], sizes = [1], strides = [1]} : vector<16xi32> to vector<1xi32>
      %squeeze3A_393 = vector.extract %slice3A_392[0] : i32 from vector<1xi32>
      %shift_right_arithmetic3A_394 = arith.constant 7 : i32
      %shift_right_arithmetic3A_395 = arith.shrsi %squeeze3A_393, %shift_right_arithmetic3A_394 : i32
      %mul3A_396 = arith.constant 128 : i32
      %mul3A_397 = arith.muli %shift_right_arithmetic3A_395, %mul3A_396 : i32
      %multiple_of3A_398 = tpu.assume_multiple %mul3A_397, 128 : i32
      %dma_start3A_399 = arith.constant 0 : i32
      %dma_start3A_400 = tpu.memref_slice %arg4[%dma_start3A_399, %multiple_of3A_398] : memref<64x1000000xf32, #tpu.memory_space<hbm>> -> memref<64x128xf32, #tpu.memory_space<hbm>>
      %dma_start3A_401 = arith.constant 0 : i32
      %dma_start3A_402 = tpu.memref_slice %arg4[%dma_start3A_401, %multiple_of3A_398] : memref<64x1000000xf32, #tpu.memory_space<hbm>> -> memref<64x128xf32, #tpu.memory_space<hbm>>
      tpu.enqueue_dma source(%dma_start3A_402 : memref<64x128xf32, #tpu.memory_space<hbm>>) target(%arg11 : memref<64x128xf32, #tpu.memory_space<vmem>>) target_semaphore(%arg15 : memref<!tpu.dma_semaphore, #tpu.memory_space<semaphore_mem>>)
      %dma_wait3A_403 = arith.constant 0 : i32
      %dma_wait3A_404 = arith.constant 0 : i32
      %dma_wait3A_405 = tpu.memref_slice %arg4[%dma_wait3A_403, %dma_wait3A_404] : memref<64x1000000xf32, #tpu.memory_space<hbm>> -> memref<64x128xf32, #tpu.memory_space<hbm>>
      %dma_wait3A_406 = arith.constant 0 : i32
      %dma_wait3A_407 = arith.constant 0 : i32
      %dma_wait3A_408 = tpu.memref_slice %arg4[%dma_wait3A_406, %dma_wait3A_407] : memref<64x1000000xf32, #tpu.memory_space<hbm>> -> memref<64x128xf32, #tpu.memory_space<hbm>>
      tpu.wait_dma2 semaphore(%arg16 : memref<!tpu.dma_semaphore, #tpu.memory_space<semaphore_mem>>) src(%dma_wait3A_408 : memref<64x128xf32, #tpu.memory_space<hbm>>) dst(%arg12 : memref<64x128xf32, #tpu.memory_space<vmem>>)
      %slice3A_409 = vector.extract_strided_slice %get3A_83 {offsets = [5], sizes = [1], strides = [1]} : vector<16xi32> to vector<1xi32>
      %squeeze3A_410 = vector.extract %slice3A_409[0] : i32 from vector<1xi32>
      %and3A_411 = arith.constant 127 : i32
      %and3A_412 = arith.andi %squeeze3A_410, %and3A_411 : i32
      %broadcast_in_dim3A_413 = vector.broadcast %and3A_412 : i32 to vector<16xi32>
      %iota3A_414 = tpu.iota {dimensions = array<i32: 0>} : vector<16xi32>
      %add3A_415 = arith.constant 0 : i32
      %add3A_416 = vector.broadcast %add3A_415 : i32 to vector<16xi32>
      %add3A_417 = arith.addi %iota3A_414, %add3A_416 : vector<16xi32>
      %gather3A_418 = tpu.vector_load_idx %arg12[%add3A_417, %broadcast_in_dim3A_413] : memref<64x128xf32, #tpu.memory_space<vmem>>[vector<16xi32>, vector<16xi32>], vector<16xf32>,
      %add3A_419 = arith.constant 5 : i32
      %add3A_420 = arith.addi %multiple_of3A_81, %add3A_419 : i32
      %swap3A_421 = arith.index_cast %add3A_420 : i32 to index
      %swap3A_422 = arith.constant 0 : index
      %swap3A_423 = tpu.vector_load %arg10[%swap3A_421, %swap3A_422] {strides = array<i32>} : memref<512x64xf32, #tpu.memory_space<vmem>>, vector<16xf32>,
      tpu.vector_store %arg10[%swap3A_421, %swap3A_422], %gather3A_418 {strides = array<i32>} : memref<512x64xf32, #tpu.memory_space<vmem>>, vector<16xf32>,
      %iota3A_424 = tpu.iota {dimensions = array<i32: 0>} : vector<16xi32>
      %add3A_425 = arith.constant 16 : i32
      %add3A_426 = vector.broadcast %add3A_425 : i32 to vector<16xi32>
      %add3A_427 = arith.addi %iota3A_424, %add3A_426 : vector<16xi32>
      %gather3A_428 = tpu.vector_load_idx %arg12[%add3A_427, %broadcast_in_dim3A_413] : memref<64x128xf32, #tpu.memory_space<vmem>>[vector<16xi32>, vector<16xi32>], vector<16xf32>,
      %add3A_429 = arith.constant 5 : i32
      %add3A_430 = arith.addi %multiple_of3A_81, %add3A_429 : i32
      %swap3A_431 = arith.index_cast %add3A_430 : i32 to index
      %swap3A_432 = arith.constant 16 : index
      %swap3A_433 = tpu.vector_load %arg10[%swap3A_431, %swap3A_432] {strides = array<i32>} : memref<512x64xf32, #tpu.memory_space<vmem>>, vector<16xf32>,
      tpu.vector_store %arg10[%swap3A_431, %swap3A_432], %gather3A_428 {strides = array<i32>} : memref<512x64xf32, #tpu.memory_space<vmem>>, vector<16xf32>,
      %iota3A_434 = tpu.iota {dimensions = array<i32: 0>} : vector<16xi32>
      %add3A_435 = arith.constant 32 : i32
      %add3A_436 = vector.broadcast %add3A_435 : i32 to vector<16xi32>
      %add3A_437 = arith.addi %iota3A_434, %add3A_436 : vector<16xi32>
      %gather3A_438 = tpu.vector_load_idx %arg12[%add3A_437, %broadcast_in_dim3A_413] : memref<64x128xf32, #tpu.memory_space<vmem>>[vector<16xi32>, vector<16xi32>], vector<16xf32>,
      %add3A_439 = arith.constant 5 : i32
      %add3A_440 = arith.addi %multiple_of3A_81, %add3A_439 : i32
      %swap3A_441 = arith.index_cast %add3A_440 : i32 to index
      %swap3A_442 = arith.constant 32 : index
      %swap3A_443 = tpu.vector_load %arg10[%swap3A_441, %swap3A_442] {strides = array<i32>} : memref<512x64xf32, #tpu.memory_space<vmem>>, vector<16xf32>,
      tpu.vector_store %arg10[%swap3A_441, %swap3A_442], %gather3A_438 {strides = array<i32>} : memref<512x64xf32, #tpu.memory_space<vmem>>, vector<16xf32>,
      %iota3A_444 = tpu.iota {dimensions = array<i32: 0>} : vector<16xi32>
      %add3A_445 = arith.constant 48 : i32
      %add3A_446 = vector.broadcast %add3A_445 : i32 to vector<16xi32>
      %add3A_447 = arith.addi %iota3A_444, %add3A_446 : vector<16xi32>
      %gather3A_448 = tpu.vector_load_idx %arg12[%add3A_447, %broadcast_in_dim3A_413] : memref<64x128xf32, #tpu.memory_space<vmem>>[vector<16xi32>, vector<16xi32>], vector<16xf32>,
      %add3A_449 = arith.constant 5 : i32
      %add3A_450 = arith.addi %multiple_of3A_81, %add3A_449 : i32
      %swap3A_451 = arith.index_cast %add3A_450 : i32 to index
      %swap3A_452 = arith.constant 48 : index
      %swap3A_453 = tpu.vector_load %arg10[%swap3A_451, %swap3A_452] {strides = array<i32>} : memref<512x64xf32, #tpu.memory_space<vmem>>, vector<16xf32>,
      tpu.vector_store %arg10[%swap3A_451, %swap3A_452], %gather3A_448 {strides = array<i32>} : memref<512x64xf32, #tpu.memory_space<vmem>>, vector<16xf32>,
      %slice3A_454 = vector.extract_strided_slice %get3A_83 {offsets = [9], sizes = [1], strides = [1]} : vector<16xi32> to vector<1xi32>
      %squeeze3A_455 = vector.extract %slice3A_454[0] : i32 from vector<1xi32>
      %shift_right_arithmetic3A_456 = arith.constant 7 : i32
      %shift_right_arithmetic3A_457 = arith.shrsi %squeeze3A_455, %shift_right_arithmetic3A_456 : i32
      %mul3A_458 = arith.constant 128 : i32
      %mul3A_459 = arith.muli %shift_right_arithmetic3A_457, %mul3A_458 : i32
      %multiple_of3A_460 = tpu.assume_multiple %mul3A_459, 128 : i32
      %dma_start3A_461 = arith.constant 0 : i32
      %dma_start3A_462 = tpu.memref_slice %arg4[%dma_start3A_461, %multiple_of3A_460] : memref<64x1000000xf32, #tpu.memory_space<hbm>> -> memref<64x128xf32, #tpu.memory_space<hbm>>
      %dma_start3A_463 = arith.constant 0 : i32
      %dma_start3A_464 = tpu.memref_slice %arg4[%dma_start3A_463, %multiple_of3A_460] : memref<64x1000000xf32, #tpu.memory_space<hbm>> -> memref<64x128xf32, #tpu.memory_space<hbm>>
      tpu.enqueue_dma source(%dma_start3A_464 : memref<64x128xf32, #tpu.memory_space<hbm>>) target(%arg12 : memref<64x128xf32, #tpu.memory_space<vmem>>) target_semaphore(%arg16 : memref<!tpu.dma_semaphore, #tpu.memory_space<semaphore_mem>>)
      %dma_wait3A_465 = arith.constant 0 : i32
      %dma_wait3A_466 = arith.constant 0 : i32
      %dma_wait3A_467 = tpu.memref_slice %arg4[%dma_wait3A_465, %dma_wait3A_466] : memref<64x1000000xf32, #tpu.memory_space<hbm>> -> memref<64x128xf32, #tpu.memory_space<hbm>>
      %dma_wait3A_468 = arith.constant 0 : i32
      %dma_wait3A_469 = arith.constant 0 : i32
      %dma_wait3A_470 = tpu.memref_slice %arg4[%dma_wait3A_468, %dma_wait3A_469] : memref<64x1000000xf32, #tpu.memory_space<hbm>> -> memref<64x128xf32, #tpu.memory_space<hbm>>
      tpu.wait_dma2 semaphore(%arg17 : memref<!tpu.dma_semaphore, #tpu.memory_space<semaphore_mem>>) src(%dma_wait3A_470 : memref<64x128xf32, #tpu.memory_space<hbm>>) dst(%arg13 : memref<64x128xf32, #tpu.memory_space<vmem>>)
      %slice3A_471 = vector.extract_strided_slice %get3A_83 {offsets = [6], sizes = [1], strides = [1]} : vector<16xi32> to vector<1xi32>
      %squeeze3A_472 = vector.extract %slice3A_471[0] : i32 from vector<1xi32>
      %and3A_473 = arith.constant 127 : i32
      %and3A_474 = arith.andi %squeeze3A_472, %and3A_473 : i32
      %broadcast_in_dim3A_475 = vector.broadcast %and3A_474 : i32 to vector<16xi32>
      %iota3A_476 = tpu.iota {dimensions = array<i32: 0>} : vector<16xi32>
      %add3A_477 = arith.constant 0 : i32
      %add3A_478 = vector.broadcast %add3A_477 : i32 to vector<16xi32>
      %add3A_479 = arith.addi %iota3A_476, %add3A_478 : vector<16xi32>
      %gather3A_480 = tpu.vector_load_idx %arg13[%add3A_479, %broadcast_in_dim3A_475] : memref<64x128xf32, #tpu.memory_space<vmem>>[vector<16xi32>, vector<16xi32>], vector<16xf32>,
      %add3A_481 = arith.constant 6 : i32
      %add3A_482 = arith.addi %multiple_of3A_81, %add3A_481 : i32
      %swap3A_483 = arith.index_cast %add3A_482 : i32 to index
      %swap3A_484 = arith.constant 0 : index
      %swap3A_485 = tpu.vector_load %arg10[%swap3A_483, %swap3A_484] {strides = array<i32>} : memref<512x64xf32, #tpu.memory_space<vmem>>, vector<16xf32>,
      tpu.vector_store %arg10[%swap3A_483, %swap3A_484], %gather3A_480 {strides = array<i32>} : memref<512x64xf32, #tpu.memory_space<vmem>>, vector<16xf32>,
      %iota3A_486 = tpu.iota {dimensions = array<i32: 0>} : vector<16xi32>
      %add3A_487 = arith.constant 16 : i32
      %add3A_488 = vector.broadcast %add3A_487 : i32 to vector<16xi32>
      %add3A_489 = arith.addi %iota3A_486, %add3A_488 : vector<16xi32>
      %gather3A_490 = tpu.vector_load_idx %arg13[%add3A_489, %broadcast_in_dim3A_475] : memref<64x128xf32, #tpu.memory_space<vmem>>[vector<16xi32>, vector<16xi32>], vector<16xf32>,
      %add3A_491 = arith.constant 6 : i32
      %add3A_492 = arith.addi %multiple_of3A_81, %add3A_491 : i32
      %swap3A_493 = arith.index_cast %add3A_492 : i32 to index
      %swap3A_494 = arith.constant 16 : index
      %swap3A_495 = tpu.vector_load %arg10[%swap3A_493, %swap3A_494] {strides = array<i32>} : memref<512x64xf32, #tpu.memory_space<vmem>>, vector<16xf32>,
      tpu.vector_store %arg10[%swap3A_493, %swap3A_494], %gather3A_490 {strides = array<i32>} : memref<512x64xf32, #tpu.memory_space<vmem>>, vector<16xf32>,
      %iota3A_496 = tpu.iota {dimensions = array<i32: 0>} : vector<16xi32>
      %add3A_497 = arith.constant 32 : i32
      %add3A_498 = vector.broadcast %add3A_497 : i32 to vector<16xi32>
      %add3A_499 = arith.addi %iota3A_496, %add3A_498 : vector<16xi32>
      %gather3A_500 = tpu.vector_load_idx %arg13[%add3A_499, %broadcast_in_dim3A_475] : memref<64x128xf32, #tpu.memory_space<vmem>>[vector<16xi32>, vector<16xi32>], vector<16xf32>,
      %add3A_501 = arith.constant 6 : i32
      %add3A_502 = arith.addi %multiple_of3A_81, %add3A_501 : i32
      %swap3A_503 = arith.index_cast %add3A_502 : i32 to index
      %swap3A_504 = arith.constant 32 : index
      %swap3A_505 = tpu.vector_load %arg10[%swap3A_503, %swap3A_504] {strides = array<i32>} : memref<512x64xf32, #tpu.memory_space<vmem>>, vector<16xf32>,
      tpu.vector_store %arg10[%swap3A_503, %swap3A_504], %gather3A_500 {strides = array<i32>} : memref<512x64xf32, #tpu.memory_space<vmem>>, vector<16xf32>,
      %iota3A_506 = tpu.iota {dimensions = array<i32: 0>} : vector<16xi32>
      %add3A_507 = arith.constant 48 : i32
      %add3A_508 = vector.broadcast %add3A_507 : i32 to vector<16xi32>
      %add3A_509 = arith.addi %iota3A_506, %add3A_508 : vector<16xi32>
      %gather3A_510 = tpu.vector_load_idx %arg13[%add3A_509, %broadcast_in_dim3A_475] : memref<64x128xf32, #tpu.memory_space<vmem>>[vector<16xi32>, vector<16xi32>], vector<16xf32>,
      %add3A_511 = arith.constant 6 : i32
      %add3A_512 = arith.addi %multiple_of3A_81, %add3A_511 : i32
      %swap3A_513 = arith.index_cast %add3A_512 : i32 to index
      %swap3A_514 = arith.constant 48 : index
      %swap3A_515 = tpu.vector_load %arg10[%swap3A_513, %swap3A_514] {strides = array<i32>} : memref<512x64xf32, #tpu.memory_space<vmem>>, vector<16xf32>,
      tpu.vector_store %arg10[%swap3A_513, %swap3A_514], %gather3A_510 {strides = array<i32>} : memref<512x64xf32, #tpu.memory_space<vmem>>, vector<16xf32>,
      %slice3A_516 = vector.extract_strided_slice %get3A_83 {offsets = [10], sizes = [1], strides = [1]} : vector<16xi32> to vector<1xi32>
      %squeeze3A_517 = vector.extract %slice3A_516[0] : i32 from vector<1xi32>
      %shift_right_arithmetic3A_518 = arith.constant 7 : i32
      %shift_right_arithmetic3A_519 = arith.shrsi %squeeze3A_517, %shift_right_arithmetic3A_518 : i32
      %mul3A_520 = arith.constant 128 : i32
      %mul3A_521 = arith.muli %shift_right_arithmetic3A_519, %mul3A_520 : i32
      %multiple_of3A_522 = tpu.assume_multiple %mul3A_521, 128 : i32
      %dma_start3A_523 = arith.constant 0 : i32
      %dma_start3A_524 = tpu.memref_slice %arg4[%dma_start3A_523, %multiple_of3A_522] : memref<64x1000000xf32, #tpu.memory_space<hbm>> -> memref<64x128xf32, #tpu.memory_space<hbm>>
      %dma_start3A_525 = arith.constant 0 : i32
      %dma_start3A_526 = tpu.memref_slice %arg4[%dma_start3A_525, %multiple_of3A_522] : memref<64x1000000xf32, #tpu.memory_space<hbm>> -> memref<64x128xf32, #tpu.memory_space<hbm>>
      tpu.enqueue_dma source(%dma_start3A_526 : memref<64x128xf32, #tpu.memory_space<hbm>>) target(%arg13 : memref<64x128xf32, #tpu.memory_space<vmem>>) target_semaphore(%arg17 : memref<!tpu.dma_semaphore, #tpu.memory_space<semaphore_mem>>)
      %dma_wait3A_527 = arith.constant 0 : i32
      %dma_wait3A_528 = arith.constant 0 : i32
      %dma_wait3A_529 = tpu.memref_slice %arg4[%dma_wait3A_527, %dma_wait3A_528] : memref<64x1000000xf32, #tpu.memory_space<hbm>> -> memref<64x128xf32, #tpu.memory_space<hbm>>
      %dma_wait3A_530 = arith.constant 0 : i32
      %dma_wait3A_531 = arith.constant 0 : i32
      %dma_wait3A_532 = tpu.memref_slice %arg4[%dma_wait3A_530, %dma_wait3A_531] : memref<64x1000000xf32, #tpu.memory_space<hbm>> -> memref<64x128xf32, #tpu.memory_space<hbm>>
      tpu.wait_dma2 semaphore(%arg18 : memref<!tpu.dma_semaphore, #tpu.memory_space<semaphore_mem>>) src(%dma_wait3A_532 : memref<64x128xf32, #tpu.memory_space<hbm>>) dst(%arg14 : memref<64x128xf32, #tpu.memory_space<vmem>>)
      %slice3A_533 = vector.extract_strided_slice %get3A_83 {offsets = [7], sizes = [1], strides = [1]} : vector<16xi32> to vector<1xi32>
      %squeeze3A_534 = vector.extract %slice3A_533[0] : i32 from vector<1xi32>
      %and3A_535 = arith.constant 127 : i32
      %and3A_536 = arith.andi %squeeze3A_534, %and3A_535 : i32
      %broadcast_in_dim3A_537 = vector.broadcast %and3A_536 : i32 to vector<16xi32>
      %iota3A_538 = tpu.iota {dimensions = array<i32: 0>} : vector<16xi32>
      %add3A_539 = arith.constant 0 : i32
      %add3A_540 = vector.broadcast %add3A_539 : i32 to vector<16xi32>
      %add3A_541 = arith.addi %iota3A_538, %add3A_540 : vector<16xi32>
      %gather3A_542 = tpu.vector_load_idx %arg14[%add3A_541, %broadcast_in_dim3A_537] : memref<64x128xf32, #tpu.memory_space<vmem>>[vector<16xi32>, vector<16xi32>], vector<16xf32>,
      %add3A_543 = arith.constant 7 : i32
      %add3A_544 = arith.addi %multiple_of3A_81, %add3A_543 : i32
      %swap3A_545 = arith.index_cast %add3A_544 : i32 to index
      %swap3A_546 = arith.constant 0 : index
      %swap3A_547 = tpu.vector_load %arg10[%swap3A_545, %swap3A_546] {strides = array<i32>} : memref<512x64xf32, #tpu.memory_space<vmem>>, vector<16xf32>,
      tpu.vector_store %arg10[%swap3A_545, %swap3A_546], %gather3A_542 {strides = array<i32>} : memref<512x64xf32, #tpu.memory_space<vmem>>, vector<16xf32>,
      %iota3A_548 = tpu.iota {dimensions = array<i32: 0>} : vector<16xi32>
      %add3A_549 = arith.constant 16 : i32
      %add3A_550 = vector.broadcast %add3A_549 : i32 to vector<16xi32>
      %add3A_551 = arith.addi %iota3A_548, %add3A_550 : vector<16xi32>
      %gather3A_552 = tpu.vector_load_idx %arg14[%add3A_551, %broadcast_in_dim3A_537] : memref<64x128xf32, #tpu.memory_space<vmem>>[vector<16xi32>, vector<16xi32>], vector<16xf32>,
      %add3A_553 = arith.constant 7 : i32
      %add3A_554 = arith.addi %multiple_of3A_81, %add3A_553 : i32
      %swap3A_555 = arith.index_cast %add3A_554 : i32 to index
      %swap3A_556 = arith.constant 16 : index
      %swap3A_557 = tpu.vector_load %arg10[%swap3A_555, %swap3A_556] {strides = array<i32>} : memref<512x64xf32, #tpu.memory_space<vmem>>, vector<16xf32>,
      tpu.vector_store %arg10[%swap3A_555, %swap3A_556], %gather3A_552 {strides = array<i32>} : memref<512x64xf32, #tpu.memory_space<vmem>>, vector<16xf32>,
      %iota3A_558 = tpu.iota {dimensions = array<i32: 0>} : vector<16xi32>
      %add3A_559 = arith.constant 32 : i32
      %add3A_560 = vector.broadcast %add3A_559 : i32 to vector<16xi32>
      %add3A_561 = arith.addi %iota3A_558, %add3A_560 : vector<16xi32>
      %gather3A_562 = tpu.vector_load_idx %arg14[%add3A_561, %broadcast_in_dim3A_537] : memref<64x128xf32, #tpu.memory_space<vmem>>[vector<16xi32>, vector<16xi32>], vector<16xf32>,
      %add3A_563 = arith.constant 7 : i32
      %add3A_564 = arith.addi %multiple_of3A_81, %add3A_563 : i32
      %swap3A_565 = arith.index_cast %add3A_564 : i32 to index
      %swap3A_566 = arith.constant 32 : index
      %swap3A_567 = tpu.vector_load %arg10[%swap3A_565, %swap3A_566] {strides = array<i32>} : memref<512x64xf32, #tpu.memory_space<vmem>>, vector<16xf32>,
      tpu.vector_store %arg10[%swap3A_565, %swap3A_566], %gather3A_562 {strides = array<i32>} : memref<512x64xf32, #tpu.memory_space<vmem>>, vector<16xf32>,
      %iota3A_568 = tpu.iota {dimensions = array<i32: 0>} : vector<16xi32>
      %add3A_569 = arith.constant 48 : i32
      %add3A_570 = vector.broadcast %add3A_569 : i32 to vector<16xi32>
      %add3A_571 = arith.addi %iota3A_568, %add3A_570 : vector<16xi32>
      %gather3A_572 = tpu.vector_load_idx %arg14[%add3A_571, %broadcast_in_dim3A_537] : memref<64x128xf32, #tpu.memory_space<vmem>>[vector<16xi32>, vector<16xi32>], vector<16xf32>,
      %add3A_573 = arith.constant 7 : i32
      %add3A_574 = arith.addi %multiple_of3A_81, %add3A_573 : i32
      %swap3A_575 = arith.index_cast %add3A_574 : i32 to index
      %swap3A_576 = arith.constant 48 : index
      %swap3A_577 = tpu.vector_load %arg10[%swap3A_575, %swap3A_576] {strides = array<i32>} : memref<512x64xf32, #tpu.memory_space<vmem>>, vector<16xf32>,
      tpu.vector_store %arg10[%swap3A_575, %swap3A_576], %gather3A_572 {strides = array<i32>} : memref<512x64xf32, #tpu.memory_space<vmem>>, vector<16xf32>,
      %slice3A_578 = vector.extract_strided_slice %get3A_83 {offsets = [11], sizes = [1], strides = [1]} : vector<16xi32> to vector<1xi32>
      %squeeze3A_579 = vector.extract %slice3A_578[0] : i32 from vector<1xi32>
      %shift_right_arithmetic3A_580 = arith.constant 7 : i32
      %shift_right_arithmetic3A_581 = arith.shrsi %squeeze3A_579, %shift_right_arithmetic3A_580 : i32
      %mul3A_582 = arith.constant 128 : i32
      %mul3A_583 = arith.muli %shift_right_arithmetic3A_581, %mul3A_582 : i32
      %multiple_of3A_584 = tpu.assume_multiple %mul3A_583, 128 : i32
      %dma_start3A_585 = arith.constant 0 : i32
      %dma_start3A_586 = tpu.memref_slice %arg4[%dma_start3A_585, %multiple_of3A_584] : memref<64x1000000xf32, #tpu.memory_space<hbm>> -> memref<64x128xf32, #tpu.memory_space<hbm>>
      %dma_start3A_587 = arith.constant 0 : i32
      %dma_start3A_588 = tpu.memref_slice %arg4[%dma_start3A_587, %multiple_of3A_584] : memref<64x1000000xf32, #tpu.memory_space<hbm>> -> memref<64x128xf32, #tpu.memory_space<hbm>>
      tpu.enqueue_dma source(%dma_start3A_588 : memref<64x128xf32, #tpu.memory_space<hbm>>) target(%arg14 : memref<64x128xf32, #tpu.memory_space<vmem>>) target_semaphore(%arg18 : memref<!tpu.dma_semaphore, #tpu.memory_space<semaphore_mem>>)
      %dma_wait3A_589 = arith.constant 0 : i32
      %dma_wait3A_590 = arith.constant 0 : i32
      %dma_wait3A_591 = tpu.memref_slice %arg4[%dma_wait3A_589, %dma_wait3A_590] : memref<64x1000000xf32, #tpu.memory_space<hbm>> -> memref<64x128xf32, #tpu.memory_space<hbm>>
      %dma_wait3A_592 = arith.constant 0 : i32
      %dma_wait3A_593 = arith.constant 0 : i32
      %dma_wait3A_594 = tpu.memref_slice %arg4[%dma_wait3A_592, %dma_wait3A_593] : memref<64x1000000xf32, #tpu.memory_space<hbm>> -> memref<64x128xf32, #tpu.memory_space<hbm>>
      tpu.wait_dma2 semaphore(%arg15 : memref<!tpu.dma_semaphore, #tpu.memory_space<semaphore_mem>>) src(%dma_wait3A_594 : memref<64x128xf32, #tpu.memory_space<hbm>>) dst(%arg11 : memref<64x128xf32, #tpu.memory_space<vmem>>)
      %slice3A_595 = vector.extract_strided_slice %get3A_83 {offsets = [8], sizes = [1], strides = [1]} : vector<16xi32> to vector<1xi32>
      %squeeze3A_596 = vector.extract %slice3A_595[0] : i32 from vector<1xi32>
      %and3A_597 = arith.constant 127 : i32
      %and3A_598 = arith.andi %squeeze3A_596, %and3A_597 : i32
      %broadcast_in_dim3A_599 = vector.broadcast %and3A_598 : i32 to vector<16xi32>
      %iota3A_600 = tpu.iota {dimensions = array<i32: 0>} : vector<16xi32>
      %add3A_601 = arith.constant 0 : i32
      %add3A_602 = vector.broadcast %add3A_601 : i32 to vector<16xi32>
      %add3A_603 = arith.addi %iota3A_600, %add3A_602 : vector<16xi32>
      %gather3A_604 = tpu.vector_load_idx %arg11[%add3A_603, %broadcast_in_dim3A_599] : memref<64x128xf32, #tpu.memory_space<vmem>>[vector<16xi32>, vector<16xi32>], vector<16xf32>,
      %add3A_605 = arith.constant 8 : i32
      %add3A_606 = arith.addi %multiple_of3A_81, %add3A_605 : i32
      %swap3A_607 = arith.index_cast %add3A_606 : i32 to index
      %swap3A_608 = arith.constant 0 : index
      %swap3A_609 = tpu.vector_load %arg10[%swap3A_607, %swap3A_608] {strides = array<i32>} : memref<512x64xf32, #tpu.memory_space<vmem>>, vector<16xf32>,
      tpu.vector_store %arg10[%swap3A_607, %swap3A_608], %gather3A_604 {strides = array<i32>} : memref<512x64xf32, #tpu.memory_space<vmem>>, vector<16xf32>,
      %iota3A_610 = tpu.iota {dimensions = array<i32: 0>} : vector<16xi32>
      %add3A_611 = arith.constant 16 : i32
      %add3A_612 = vector.broadcast %add3A_611 : i32 to vector<16xi32>
      %add3A_613 = arith.addi %iota3A_610, %add3A_612 : vector<16xi32>
      %gather3A_614 = tpu.vector_load_idx %arg11[%add3A_613, %broadcast_in_dim3A_599] : memref<64x128xf32, #tpu.memory_space<vmem>>[vector<16xi32>, vector<16xi32>], vector<16xf32>,
      %add3A_615 = arith.constant 8 : i32
      %add3A_616 = arith.addi %multiple_of3A_81, %add3A_615 : i32
      %swap3A_617 = arith.index_cast %add3A_616 : i32 to index
      %swap3A_618 = arith.constant 16 : index
      %swap3A_619 = tpu.vector_load %arg10[%swap3A_617, %swap3A_618] {strides = array<i32>} : memref<512x64xf32, #tpu.memory_space<vmem>>, vector<16xf32>,
      tpu.vector_store %arg10[%swap3A_617, %swap3A_618], %gather3A_614 {strides = array<i32>} : memref<512x64xf32, #tpu.memory_space<vmem>>, vector<16xf32>,
      %iota3A_620 = tpu.iota {dimensions = array<i32: 0>} : vector<16xi32>
      %add3A_621 = arith.constant 32 : i32
      %add3A_622 = vector.broadcast %add3A_621 : i32 to vector<16xi32>
      %add3A_623 = arith.addi %iota3A_620, %add3A_622 : vector<16xi32>
      %gather3A_624 = tpu.vector_load_idx %arg11[%add3A_623, %broadcast_in_dim3A_599] : memref<64x128xf32, #tpu.memory_space<vmem>>[vector<16xi32>, vector<16xi32>], vector<16xf32>,
      %add3A_625 = arith.constant 8 : i32
      %add3A_626 = arith.addi %multiple_of3A_81, %add3A_625 : i32
      %swap3A_627 = arith.index_cast %add3A_626 : i32 to index
      %swap3A_628 = arith.constant 32 : index
      %swap3A_629 = tpu.vector_load %arg10[%swap3A_627, %swap3A_628] {strides = array<i32>} : memref<512x64xf32, #tpu.memory_space<vmem>>, vector<16xf32>,
      tpu.vector_store %arg10[%swap3A_627, %swap3A_628], %gather3A_624 {strides = array<i32>} : memref<512x64xf32, #tpu.memory_space<vmem>>, vector<16xf32>,
      %iota3A_630 = tpu.iota {dimensions = array<i32: 0>} : vector<16xi32>
      %add3A_631 = arith.constant 48 : i32
      %add3A_632 = vector.broadcast %add3A_631 : i32 to vector<16xi32>
      %add3A_633 = arith.addi %iota3A_630, %add3A_632 : vector<16xi32>
      %gather3A_634 = tpu.vector_load_idx %arg11[%add3A_633, %broadcast_in_dim3A_599] : memref<64x128xf32, #tpu.memory_space<vmem>>[vector<16xi32>, vector<16xi32>], vector<16xf32>,
      %add3A_635 = arith.constant 8 : i32
      %add3A_636 = arith.addi %multiple_of3A_81, %add3A_635 : i32
      %swap3A_637 = arith.index_cast %add3A_636 : i32 to index
      %swap3A_638 = arith.constant 48 : index
      %swap3A_639 = tpu.vector_load %arg10[%swap3A_637, %swap3A_638] {strides = array<i32>} : memref<512x64xf32, #tpu.memory_space<vmem>>, vector<16xf32>,
      tpu.vector_store %arg10[%swap3A_637, %swap3A_638], %gather3A_634 {strides = array<i32>} : memref<512x64xf32, #tpu.memory_space<vmem>>, vector<16xf32>,
      %slice3A_640 = vector.extract_strided_slice %get3A_83 {offsets = [12], sizes = [1], strides = [1]} : vector<16xi32> to vector<1xi32>
      %squeeze3A_641 = vector.extract %slice3A_640[0] : i32 from vector<1xi32>
      %shift_right_arithmetic3A_642 = arith.constant 7 : i32
      %shift_right_arithmetic3A_643 = arith.shrsi %squeeze3A_641, %shift_right_arithmetic3A_642 : i32
      %mul3A_644 = arith.constant 128 : i32
      %mul3A_645 = arith.muli %shift_right_arithmetic3A_643, %mul3A_644 : i32
      %multiple_of3A_646 = tpu.assume_multiple %mul3A_645, 128 : i32
      %dma_start3A_647 = arith.constant 0 : i32
      %dma_start3A_648 = tpu.memref_slice %arg4[%dma_start3A_647, %multiple_of3A_646] : memref<64x1000000xf32, #tpu.memory_space<hbm>> -> memref<64x128xf32, #tpu.memory_space<hbm>>
      %dma_start3A_649 = arith.constant 0 : i32
      %dma_start3A_650 = tpu.memref_slice %arg4[%dma_start3A_649, %multiple_of3A_646] : memref<64x1000000xf32, #tpu.memory_space<hbm>> -> memref<64x128xf32, #tpu.memory_space<hbm>>
      tpu.enqueue_dma source(%dma_start3A_650 : memref<64x128xf32, #tpu.memory_space<hbm>>) target(%arg11 : memref<64x128xf32, #tpu.memory_space<vmem>>) target_semaphore(%arg15 : memref<!tpu.dma_semaphore, #tpu.memory_space<semaphore_mem>>)
      %dma_wait3A_651 = arith.constant 0 : i32
      %dma_wait3A_652 = arith.constant 0 : i32
      %dma_wait3A_653 = tpu.memref_slice %arg4[%dma_wait3A_651, %dma_wait3A_652] : memref<64x1000000xf32, #tpu.memory_space<hbm>> -> memref<64x128xf32, #tpu.memory_space<hbm>>
      %dma_wait3A_654 = arith.constant 0 : i32
      %dma_wait3A_655 = arith.constant 0 : i32
      %dma_wait3A_656 = tpu.memref_slice %arg4[%dma_wait3A_654, %dma_wait3A_655] : memref<64x1000000xf32, #tpu.memory_space<hbm>> -> memref<64x128xf32, #tpu.memory_space<hbm>>
      tpu.wait_dma2 semaphore(%arg16 : memref<!tpu.dma_semaphore, #tpu.memory_space<semaphore_mem>>) src(%dma_wait3A_656 : memref<64x128xf32, #tpu.memory_space<hbm>>) dst(%arg12 : memref<64x128xf32, #tpu.memory_space<vmem>>)
      %slice3A_657 = vector.extract_strided_slice %get3A_83 {offsets = [9], sizes = [1], strides = [1]} : vector<16xi32> to vector<1xi32>
      %squeeze3A_658 = vector.extract %slice3A_657[0] : i32 from vector<1xi32>
      %and3A_659 = arith.constant 127 : i32
      %and3A_660 = arith.andi %squeeze3A_658, %and3A_659 : i32
      %broadcast_in_dim3A_661 = vector.broadcast %and3A_660 : i32 to vector<16xi32>
      %iota3A_662 = tpu.iota {dimensions = array<i32: 0>} : vector<16xi32>
      %add3A_663 = arith.constant 0 : i32
      %add3A_664 = vector.broadcast %add3A_663 : i32 to vector<16xi32>
      %add3A_665 = arith.addi %iota3A_662, %add3A_664 : vector<16xi32>
      %gather3A_666 = tpu.vector_load_idx %arg12[%add3A_665, %broadcast_in_dim3A_661] : memref<64x128xf32, #tpu.memory_space<vmem>>[vector<16xi32>, vector<16xi32>], vector<16xf32>,
      %add3A_667 = arith.constant 9 : i32
      %add3A_668 = arith.addi %multiple_of3A_81, %add3A_667 : i32
      %swap3A_669 = arith.index_cast %add3A_668 : i32 to index
      %swap3A_670 = arith.constant 0 : index
      %swap3A_671 = tpu.vector_load %arg10[%swap3A_669, %swap3A_670] {strides = array<i32>} : memref<512x64xf32, #tpu.memory_space<vmem>>, vector<16xf32>,
      tpu.vector_store %arg10[%swap3A_669, %swap3A_670], %gather3A_666 {strides = array<i32>} : memref<512x64xf32, #tpu.memory_space<vmem>>, vector<16xf32>,
      %iota3A_672 = tpu.iota {dimensions = array<i32: 0>} : vector<16xi32>
      %add3A_673 = arith.constant 16 : i32
      %add3A_674 = vector.broadcast %add3A_673 : i32 to vector<16xi32>
      %add3A_675 = arith.addi %iota3A_672, %add3A_674 : vector<16xi32>
      %gather3A_676 = tpu.vector_load_idx %arg12[%add3A_675, %broadcast_in_dim3A_661] : memref<64x128xf32, #tpu.memory_space<vmem>>[vector<16xi32>, vector<16xi32>], vector<16xf32>,
      %add3A_677 = arith.constant 9 : i32
      %add3A_678 = arith.addi %multiple_of3A_81, %add3A_677 : i32
      %swap3A_679 = arith.index_cast %add3A_678 : i32 to index
      %swap3A_680 = arith.constant 16 : index
      %swap3A_681 = tpu.vector_load %arg10[%swap3A_679, %swap3A_680] {strides = array<i32>} : memref<512x64xf32, #tpu.memory_space<vmem>>, vector<16xf32>,
      tpu.vector_store %arg10[%swap3A_679, %swap3A_680], %gather3A_676 {strides = array<i32>} : memref<512x64xf32, #tpu.memory_space<vmem>>, vector<16xf32>,
      %iota3A_682 = tpu.iota {dimensions = array<i32: 0>} : vector<16xi32>
      %add3A_683 = arith.constant 32 : i32
      %add3A_684 = vector.broadcast %add3A_683 : i32 to vector<16xi32>
      %add3A_685 = arith.addi %iota3A_682, %add3A_684 : vector<16xi32>
      %gather3A_686 = tpu.vector_load_idx %arg12[%add3A_685, %broadcast_in_dim3A_661] : memref<64x128xf32, #tpu.memory_space<vmem>>[vector<16xi32>, vector<16xi32>], vector<16xf32>,
      %add3A_687 = arith.constant 9 : i32
      %add3A_688 = arith.addi %multiple_of3A_81, %add3A_687 : i32
      %swap3A_689 = arith.index_cast %add3A_688 : i32 to index
      %swap3A_690 = arith.constant 32 : index
      %swap3A_691 = tpu.vector_load %arg10[%swap3A_689, %swap3A_690] {strides = array<i32>} : memref<512x64xf32, #tpu.memory_space<vmem>>, vector<16xf32>,
      tpu.vector_store %arg10[%swap3A_689, %swap3A_690], %gather3A_686 {strides = array<i32>} : memref<512x64xf32, #tpu.memory_space<vmem>>, vector<16xf32>,
      %iota3A_692 = tpu.iota {dimensions = array<i32: 0>} : vector<16xi32>
      %add3A_693 = arith.constant 48 : i32
      %add3A_694 = vector.broadcast %add3A_693 : i32 to vector<16xi32>
      %add3A_695 = arith.addi %iota3A_692, %add3A_694 : vector<16xi32>
      %gather3A_696 = tpu.vector_load_idx %arg12[%add3A_695, %broadcast_in_dim3A_661] : memref<64x128xf32, #tpu.memory_space<vmem>>[vector<16xi32>, vector<16xi32>], vector<16xf32>,
      %add3A_697 = arith.constant 9 : i32
      %add3A_698 = arith.addi %multiple_of3A_81, %add3A_697 : i32
      %swap3A_699 = arith.index_cast %add3A_698 : i32 to index
      %swap3A_700 = arith.constant 48 : index
      %swap3A_701 = tpu.vector_load %arg10[%swap3A_699, %swap3A_700] {strides = array<i32>} : memref<512x64xf32, #tpu.memory_space<vmem>>, vector<16xf32>,
      tpu.vector_store %arg10[%swap3A_699, %swap3A_700], %gather3A_696 {strides = array<i32>} : memref<512x64xf32, #tpu.memory_space<vmem>>, vector<16xf32>,
      %slice3A_702 = vector.extract_strided_slice %get3A_83 {offsets = [13], sizes = [1], strides = [1]} : vector<16xi32> to vector<1xi32>
      %squeeze3A_703 = vector.extract %slice3A_702[0] : i32 from vector<1xi32>
      %shift_right_arithmetic3A_704 = arith.constant 7 : i32
      %shift_right_arithmetic3A_705 = arith.shrsi %squeeze3A_703, %shift_right_arithmetic3A_704 : i32
      %mul3A_706 = arith.constant 128 : i32
      %mul3A_707 = arith.muli %shift_right_arithmetic3A_705, %mul3A_706 : i32
      %multiple_of3A_708 = tpu.assume_multiple %mul3A_707, 128 : i32
      %dma_start3A_709 = arith.constant 0 : i32
      %dma_start3A_710 = tpu.memref_slice %arg4[%dma_start3A_709, %multiple_of3A_708] : memref<64x1000000xf32, #tpu.memory_space<hbm>> -> memref<64x128xf32, #tpu.memory_space<hbm>>
      %dma_start3A_711 = arith.constant 0 : i32
      %dma_start3A_712 = tpu.memref_slice %arg4[%dma_start3A_711, %multiple_of3A_708] : memref<64x1000000xf32, #tpu.memory_space<hbm>> -> memref<64x128xf32, #tpu.memory_space<hbm>>
      tpu.enqueue_dma source(%dma_start3A_712 : memref<64x128xf32, #tpu.memory_space<hbm>>) target(%arg12 : memref<64x128xf32, #tpu.memory_space<vmem>>) target_semaphore(%arg16 : memref<!tpu.dma_semaphore, #tpu.memory_space<semaphore_mem>>)
      %dma_wait3A_713 = arith.constant 0 : i32
      %dma_wait3A_714 = arith.constant 0 : i32
      %dma_wait3A_715 = tpu.memref_slice %arg4[%dma_wait3A_713, %dma_wait3A_714] : memref<64x1000000xf32, #tpu.memory_space<hbm>> -> memref<64x128xf32, #tpu.memory_space<hbm>>
      %dma_wait3A_716 = arith.constant 0 : i32
      %dma_wait3A_717 = arith.constant 0 : i32
      %dma_wait3A_718 = tpu.memref_slice %arg4[%dma_wait3A_716, %dma_wait3A_717] : memref<64x1000000xf32, #tpu.memory_space<hbm>> -> memref<64x128xf32, #tpu.memory_space<hbm>>
      tpu.wait_dma2 semaphore(%arg17 : memref<!tpu.dma_semaphore, #tpu.memory_space<semaphore_mem>>) src(%dma_wait3A_718 : memref<64x128xf32, #tpu.memory_space<hbm>>) dst(%arg13 : memref<64x128xf32, #tpu.memory_space<vmem>>)
      %slice3A_719 = vector.extract_strided_slice %get3A_83 {offsets = [10], sizes = [1], strides = [1]} : vector<16xi32> to vector<1xi32>
      %squeeze3A_720 = vector.extract %slice3A_719[0] : i32 from vector<1xi32>
      %and3A_721 = arith.constant 127 : i32
      %and3A_722 = arith.andi %squeeze3A_720, %and3A_721 : i32
      %broadcast_in_dim3A_723 = vector.broadcast %and3A_722 : i32 to vector<16xi32>
      %iota3A_724 = tpu.iota {dimensions = array<i32: 0>} : vector<16xi32>
      %add3A_725 = arith.constant 0 : i32
      %add3A_726 = vector.broadcast %add3A_725 : i32 to vector<16xi32>
      %add3A_727 = arith.addi %iota3A_724, %add3A_726 : vector<16xi32>
      %gather3A_728 = tpu.vector_load_idx %arg13[%add3A_727, %broadcast_in_dim3A_723] : memref<64x128xf32, #tpu.memory_space<vmem>>[vector<16xi32>, vector<16xi32>], vector<16xf32>,
      %add3A_729 = arith.constant 10 : i32
      %add3A_730 = arith.addi %multiple_of3A_81, %add3A_729 : i32
      %swap3A_731 = arith.index_cast %add3A_730 : i32 to index
      %swap3A_732 = arith.constant 0 : index
      %swap3A_733 = tpu.vector_load %arg10[%swap3A_731, %swap3A_732] {strides = array<i32>} : memref<512x64xf32, #tpu.memory_space<vmem>>, vector<16xf32>,
      tpu.vector_store %arg10[%swap3A_731, %swap3A_732], %gather3A_728 {strides = array<i32>} : memref<512x64xf32, #tpu.memory_space<vmem>>, vector<16xf32>,
      %iota3A_734 = tpu.iota {dimensions = array<i32: 0>} : vector<16xi32>
      %add3A_735 = arith.constant 16 : i32
      %add3A_736 = vector.broadcast %add3A_735 : i32 to vector<16xi32>
      %add3A_737 = arith.addi %iota3A_734, %add3A_736 : vector<16xi32>
      %gather3A_738 = tpu.vector_load_idx %arg13[%add3A_737, %broadcast_in_dim3A_723] : memref<64x128xf32, #tpu.memory_space<vmem>>[vector<16xi32>, vector<16xi32>], vector<16xf32>,
      %add3A_739 = arith.constant 10 : i32
      %add3A_740 = arith.addi %multiple_of3A_81, %add3A_739 : i32
      %swap3A_741 = arith.index_cast %add3A_740 : i32 to index
      %swap3A_742 = arith.constant 16 : index
      %swap3A_743 = tpu.vector_load %arg10[%swap3A_741, %swap3A_742] {strides = array<i32>} : memref<512x64xf32, #tpu.memory_space<vmem>>, vector<16xf32>,
      tpu.vector_store %arg10[%swap3A_741, %swap3A_742], %gather3A_738 {strides = array<i32>} : memref<512x64xf32, #tpu.memory_space<vmem>>, vector<16xf32>,
      %iota3A_744 = tpu.iota {dimensions = array<i32: 0>} : vector<16xi32>
      %add3A_745 = arith.constant 32 : i32
      %add3A_746 = vector.broadcast %add3A_745 : i32 to vector<16xi32>
      %add3A_747 = arith.addi %iota3A_744, %add3A_746 : vector<16xi32>
      %gather3A_748 = tpu.vector_load_idx %arg13[%add3A_747, %broadcast_in_dim3A_723] : memref<64x128xf32, #tpu.memory_space<vmem>>[vector<16xi32>, vector<16xi32>], vector<16xf32>,
      %add3A_749 = arith.constant 10 : i32
      %add3A_750 = arith.addi %multiple_of3A_81, %add3A_749 : i32
      %swap3A_751 = arith.index_cast %add3A_750 : i32 to index
      %swap3A_752 = arith.constant 32 : index
      %swap3A_753 = tpu.vector_load %arg10[%swap3A_751, %swap3A_752] {strides = array<i32>} : memref<512x64xf32, #tpu.memory_space<vmem>>, vector<16xf32>,
      tpu.vector_store %arg10[%swap3A_751, %swap3A_752], %gather3A_748 {strides = array<i32>} : memref<512x64xf32, #tpu.memory_space<vmem>>, vector<16xf32>,
      %iota3A_754 = tpu.iota {dimensions = array<i32: 0>} : vector<16xi32>
      %add3A_755 = arith.constant 48 : i32
      %add3A_756 = vector.broadcast %add3A_755 : i32 to vector<16xi32>
      %add3A_757 = arith.addi %iota3A_754, %add3A_756 : vector<16xi32>
      %gather3A_758 = tpu.vector_load_idx %arg13[%add3A_757, %broadcast_in_dim3A_723] : memref<64x128xf32, #tpu.memory_space<vmem>>[vector<16xi32>, vector<16xi32>], vector<16xf32>,
      %add3A_759 = arith.constant 10 : i32
      %add3A_760 = arith.addi %multiple_of3A_81, %add3A_759 : i32
      %swap3A_761 = arith.index_cast %add3A_760 : i32 to index
      %swap3A_762 = arith.constant 48 : index
      %swap3A_763 = tpu.vector_load %arg10[%swap3A_761, %swap3A_762] {strides = array<i32>} : memref<512x64xf32, #tpu.memory_space<vmem>>, vector<16xf32>,
      tpu.vector_store %arg10[%swap3A_761, %swap3A_762], %gather3A_758 {strides = array<i32>} : memref<512x64xf32, #tpu.memory_space<vmem>>, vector<16xf32>,
      %slice3A_764 = vector.extract_strided_slice %get3A_83 {offsets = [14], sizes = [1], strides = [1]} : vector<16xi32> to vector<1xi32>
      %squeeze3A_765 = vector.extract %slice3A_764[0] : i32 from vector<1xi32>
      %shift_right_arithmetic3A_766 = arith.constant 7 : i32
      %shift_right_arithmetic3A_767 = arith.shrsi %squeeze3A_765, %shift_right_arithmetic3A_766 : i32
      %mul3A_768 = arith.constant 128 : i32
      %mul3A_769 = arith.muli %shift_right_arithmetic3A_767, %mul3A_768 : i32
      %multiple_of3A_770 = tpu.assume_multiple %mul3A_769, 128 : i32
      %dma_start3A_771 = arith.constant 0 : i32
      %dma_start3A_772 = tpu.memref_slice %arg4[%dma_start3A_771, %multiple_of3A_770] : memref<64x1000000xf32, #tpu.memory_space<hbm>> -> memref<64x128xf32, #tpu.memory_space<hbm>>
      %dma_start3A_773 = arith.constant 0 : i32
      %dma_start3A_774 = tpu.memref_slice %arg4[%dma_start3A_773, %multiple_of3A_770] : memref<64x1000000xf32, #tpu.memory_space<hbm>> -> memref<64x128xf32, #tpu.memory_space<hbm>>
      tpu.enqueue_dma source(%dma_start3A_774 : memref<64x128xf32, #tpu.memory_space<hbm>>) target(%arg13 : memref<64x128xf32, #tpu.memory_space<vmem>>) target_semaphore(%arg17 : memref<!tpu.dma_semaphore, #tpu.memory_space<semaphore_mem>>)
      %dma_wait3A_775 = arith.constant 0 : i32
      %dma_wait3A_776 = arith.constant 0 : i32
      %dma_wait3A_777 = tpu.memref_slice %arg4[%dma_wait3A_775, %dma_wait3A_776] : memref<64x1000000xf32, #tpu.memory_space<hbm>> -> memref<64x128xf32, #tpu.memory_space<hbm>>
      %dma_wait3A_778 = arith.constant 0 : i32
      %dma_wait3A_779 = arith.constant 0 : i32
      %dma_wait3A_780 = tpu.memref_slice %arg4[%dma_wait3A_778, %dma_wait3A_779] : memref<64x1000000xf32, #tpu.memory_space<hbm>> -> memref<64x128xf32, #tpu.memory_space<hbm>>
      tpu.wait_dma2 semaphore(%arg18 : memref<!tpu.dma_semaphore, #tpu.memory_space<semaphore_mem>>) src(%dma_wait3A_780 : memref<64x128xf32, #tpu.memory_space<hbm>>) dst(%arg14 : memref<64x128xf32, #tpu.memory_space<vmem>>)
      %slice3A_781 = vector.extract_strided_slice %get3A_83 {offsets = [11], sizes = [1], strides = [1]} : vector<16xi32> to vector<1xi32>
      %squeeze3A_782 = vector.extract %slice3A_781[0] : i32 from vector<1xi32>
      %and3A_783 = arith.constant 127 : i32
      %and3A_784 = arith.andi %squeeze3A_782, %and3A_783 : i32
      %broadcast_in_dim3A_785 = vector.broadcast %and3A_784 : i32 to vector<16xi32>
      %iota3A_786 = tpu.iota {dimensions = array<i32: 0>} : vector<16xi32>
      %add3A_787 = arith.constant 0 : i32
      %add3A_788 = vector.broadcast %add3A_787 : i32 to vector<16xi32>
      %add3A_789 = arith.addi %iota3A_786, %add3A_788 : vector<16xi32>
      %gather3A_790 = tpu.vector_load_idx %arg14[%add3A_789, %broadcast_in_dim3A_785] : memref<64x128xf32, #tpu.memory_space<vmem>>[vector<16xi32>, vector<16xi32>], vector<16xf32>,
      %add3A_791 = arith.constant 11 : i32
      %add3A_792 = arith.addi %multiple_of3A_81, %add3A_791 : i32
      %swap3A_793 = arith.index_cast %add3A_792 : i32 to index
      %swap3A_794 = arith.constant 0 : index
      %swap3A_795 = tpu.vector_load %arg10[%swap3A_793, %swap3A_794] {strides = array<i32>} : memref<512x64xf32, #tpu.memory_space<vmem>>, vector<16xf32>,
      tpu.vector_store %arg10[%swap3A_793, %swap3A_794], %gather3A_790 {strides = array<i32>} : memref<512x64xf32, #tpu.memory_space<vmem>>, vector<16xf32>,
      %iota3A_796 = tpu.iota {dimensions = array<i32: 0>} : vector<16xi32>
      %add3A_797 = arith.constant 16 : i32
      %add3A_798 = vector.broadcast %add3A_797 : i32 to vector<16xi32>
      %add3A_799 = arith.addi %iota3A_796, %add3A_798 : vector<16xi32>
      %gather3A_800 = tpu.vector_load_idx %arg14[%add3A_799, %broadcast_in_dim3A_785] : memref<64x128xf32, #tpu.memory_space<vmem>>[vector<16xi32>, vector<16xi32>], vector<16xf32>,
      %add3A_801 = arith.constant 11 : i32
      %add3A_802 = arith.addi %multiple_of3A_81, %add3A_801 : i32
      %swap3A_803 = arith.index_cast %add3A_802 : i32 to index
      %swap3A_804 = arith.constant 16 : index
      %swap3A_805 = tpu.vector_load %arg10[%swap3A_803, %swap3A_804] {strides = array<i32>} : memref<512x64xf32, #tpu.memory_space<vmem>>, vector<16xf32>,
      tpu.vector_store %arg10[%swap3A_803, %swap3A_804], %gather3A_800 {strides = array<i32>} : memref<512x64xf32, #tpu.memory_space<vmem>>, vector<16xf32>,
      %iota3A_806 = tpu.iota {dimensions = array<i32: 0>} : vector<16xi32>
      %add3A_807 = arith.constant 32 : i32
      %add3A_808 = vector.broadcast %add3A_807 : i32 to vector<16xi32>
      %add3A_809 = arith.addi %iota3A_806, %add3A_808 : vector<16xi32>
      %gather3A_810 = tpu.vector_load_idx %arg14[%add3A_809, %broadcast_in_dim3A_785] : memref<64x128xf32, #tpu.memory_space<vmem>>[vector<16xi32>, vector<16xi32>], vector<16xf32>,
      %add3A_811 = arith.constant 11 : i32
      %add3A_812 = arith.addi %multiple_of3A_81, %add3A_811 : i32
      %swap3A_813 = arith.index_cast %add3A_812 : i32 to index
      %swap3A_814 = arith.constant 32 : index
      %swap3A_815 = tpu.vector_load %arg10[%swap3A_813, %swap3A_814] {strides = array<i32>} : memref<512x64xf32, #tpu.memory_space<vmem>>, vector<16xf32>,
      tpu.vector_store %arg10[%swap3A_813, %swap3A_814], %gather3A_810 {strides = array<i32>} : memref<512x64xf32, #tpu.memory_space<vmem>>, vector<16xf32>,
      %iota3A_816 = tpu.iota {dimensions = array<i32: 0>} : vector<16xi32>
      %add3A_817 = arith.constant 48 : i32
      %add3A_818 = vector.broadcast %add3A_817 : i32 to vector<16xi32>
      %add3A_819 = arith.addi %iota3A_816, %add3A_818 : vector<16xi32>
      %gather3A_820 = tpu.vector_load_idx %arg14[%add3A_819, %broadcast_in_dim3A_785] : memref<64x128xf32, #tpu.memory_space<vmem>>[vector<16xi32>, vector<16xi32>], vector<16xf32>,
      %add3A_821 = arith.constant 11 : i32
      %add3A_822 = arith.addi %multiple_of3A_81, %add3A_821 : i32
      %swap3A_823 = arith.index_cast %add3A_822 : i32 to index
      %swap3A_824 = arith.constant 48 : index
      %swap3A_825 = tpu.vector_load %arg10[%swap3A_823, %swap3A_824] {strides = array<i32>} : memref<512x64xf32, #tpu.memory_space<vmem>>, vector<16xf32>,
      tpu.vector_store %arg10[%swap3A_823, %swap3A_824], %gather3A_820 {strides = array<i32>} : memref<512x64xf32, #tpu.memory_space<vmem>>, vector<16xf32>,
      %slice3A_826 = vector.extract_strided_slice %get3A_83 {offsets = [15], sizes = [1], strides = [1]} : vector<16xi32> to vector<1xi32>
      %squeeze3A_827 = vector.extract %slice3A_826[0] : i32 from vector<1xi32>
      %shift_right_arithmetic3A_828 = arith.constant 7 : i32
      %shift_right_arithmetic3A_829 = arith.shrsi %squeeze3A_827, %shift_right_arithmetic3A_828 : i32
      %mul3A_830 = arith.constant 128 : i32
      %mul3A_831 = arith.muli %shift_right_arithmetic3A_829, %mul3A_830 : i32
      %multiple_of3A_832 = tpu.assume_multiple %mul3A_831, 128 : i32
      %dma_start3A_833 = arith.constant 0 : i32
      %dma_start3A_834 = tpu.memref_slice %arg4[%dma_start3A_833, %multiple_of3A_832] : memref<64x1000000xf32, #tpu.memory_space<hbm>> -> memref<64x128xf32, #tpu.memory_space<hbm>>
      %dma_start3A_835 = arith.constant 0 : i32
      %dma_start3A_836 = tpu.memref_slice %arg4[%dma_start3A_835, %multiple_of3A_832] : memref<64x1000000xf32, #tpu.memory_space<hbm>> -> memref<64x128xf32, #tpu.memory_space<hbm>>
      tpu.enqueue_dma source(%dma_start3A_836 : memref<64x128xf32, #tpu.memory_space<hbm>>) target(%arg14 : memref<64x128xf32, #tpu.memory_space<vmem>>) target_semaphore(%arg18 : memref<!tpu.dma_semaphore, #tpu.memory_space<semaphore_mem>>)
      %dma_wait3A_837 = arith.constant 0 : i32
      %dma_wait3A_838 = arith.constant 0 : i32
      %dma_wait3A_839 = tpu.memref_slice %arg4[%dma_wait3A_837, %dma_wait3A_838] : memref<64x1000000xf32, #tpu.memory_space<hbm>> -> memref<64x128xf32, #tpu.memory_space<hbm>>
      %dma_wait3A_840 = arith.constant 0 : i32
      %dma_wait3A_841 = arith.constant 0 : i32
      %dma_wait3A_842 = tpu.memref_slice %arg4[%dma_wait3A_840, %dma_wait3A_841] : memref<64x1000000xf32, #tpu.memory_space<hbm>> -> memref<64x128xf32, #tpu.memory_space<hbm>>
      tpu.wait_dma2 semaphore(%arg15 : memref<!tpu.dma_semaphore, #tpu.memory_space<semaphore_mem>>) src(%dma_wait3A_842 : memref<64x128xf32, #tpu.memory_space<hbm>>) dst(%arg11 : memref<64x128xf32, #tpu.memory_space<vmem>>)
      %slice3A_843 = vector.extract_strided_slice %get3A_83 {offsets = [12], sizes = [1], strides = [1]} : vector<16xi32> to vector<1xi32>
      %squeeze3A_844 = vector.extract %slice3A_843[0] : i32 from vector<1xi32>
      %and3A_845 = arith.constant 127 : i32
      %and3A_846 = arith.andi %squeeze3A_844, %and3A_845 : i32
      %broadcast_in_dim3A_847 = vector.broadcast %and3A_846 : i32 to vector<16xi32>
      %iota3A_848 = tpu.iota {dimensions = array<i32: 0>} : vector<16xi32>
      %add3A_849 = arith.constant 0 : i32
      %add3A_850 = vector.broadcast %add3A_849 : i32 to vector<16xi32>
      %add3A_851 = arith.addi %iota3A_848, %add3A_850 : vector<16xi32>
      %gather3A_852 = tpu.vector_load_idx %arg11[%add3A_851, %broadcast_in_dim3A_847] : memref<64x128xf32, #tpu.memory_space<vmem>>[vector<16xi32>, vector<16xi32>], vector<16xf32>,
      %add3A_853 = arith.constant 12 : i32
      %add3A_854 = arith.addi %multiple_of3A_81, %add3A_853 : i32
      %swap3A_855 = arith.index_cast %add3A_854 : i32 to index
      %swap3A_856 = arith.constant 0 : index
      %swap3A_857 = tpu.vector_load %arg10[%swap3A_855, %swap3A_856] {strides = array<i32>} : memref<512x64xf32, #tpu.memory_space<vmem>>, vector<16xf32>,
      tpu.vector_store %arg10[%swap3A_855, %swap3A_856], %gather3A_852 {strides = array<i32>} : memref<512x64xf32, #tpu.memory_space<vmem>>, vector<16xf32>,
      %iota3A_858 = tpu.iota {dimensions = array<i32: 0>} : vector<16xi32>
      %add3A_859 = arith.constant 16 : i32
      %add3A_860 = vector.broadcast %add3A_859 : i32 to vector<16xi32>
      %add3A_861 = arith.addi %iota3A_858, %add3A_860 : vector<16xi32>
      %gather3A_862 = tpu.vector_load_idx %arg11[%add3A_861, %broadcast_in_dim3A_847] : memref<64x128xf32, #tpu.memory_space<vmem>>[vector<16xi32>, vector<16xi32>], vector<16xf32>,
      %add3A_863 = arith.constant 12 : i32
      %add3A_864 = arith.addi %multiple_of3A_81, %add3A_863 : i32
      %swap3A_865 = arith.index_cast %add3A_864 : i32 to index
      %swap3A_866 = arith.constant 16 : index
      %swap3A_867 = tpu.vector_load %arg10[%swap3A_865, %swap3A_866] {strides = array<i32>} : memref<512x64xf32, #tpu.memory_space<vmem>>, vector<16xf32>,
      tpu.vector_store %arg10[%swap3A_865, %swap3A_866], %gather3A_862 {strides = array<i32>} : memref<512x64xf32, #tpu.memory_space<vmem>>, vector<16xf32>,
      %iota3A_868 = tpu.iota {dimensions = array<i32: 0>} : vector<16xi32>
      %add3A_869 = arith.constant 32 : i32
      %add3A_870 = vector.broadcast %add3A_869 : i32 to vector<16xi32>
      %add3A_871 = arith.addi %iota3A_868, %add3A_870 : vector<16xi32>
      %gather3A_872 = tpu.vector_load_idx %arg11[%add3A_871, %broadcast_in_dim3A_847] : memref<64x128xf32, #tpu.memory_space<vmem>>[vector<16xi32>, vector<16xi32>], vector<16xf32>,
      %add3A_873 = arith.constant 12 : i32
      %add3A_874 = arith.addi %multiple_of3A_81, %add3A_873 : i32
      %swap3A_875 = arith.index_cast %add3A_874 : i32 to index
      %swap3A_876 = arith.constant 32 : index
      %swap3A_877 = tpu.vector_load %arg10[%swap3A_875, %swap3A_876] {strides = array<i32>} : memref<512x64xf32, #tpu.memory_space<vmem>>, vector<16xf32>,
      tpu.vector_store %arg10[%swap3A_875, %swap3A_876], %gather3A_872 {strides = array<i32>} : memref<512x64xf32, #tpu.memory_space<vmem>>, vector<16xf32>,
      %iota3A_878 = tpu.iota {dimensions = array<i32: 0>} : vector<16xi32>
      %add3A_879 = arith.constant 48 : i32
      %add3A_880 = vector.broadcast %add3A_879 : i32 to vector<16xi32>
      %add3A_881 = arith.addi %iota3A_878, %add3A_880 : vector<16xi32>
      %gather3A_882 = tpu.vector_load_idx %arg11[%add3A_881, %broadcast_in_dim3A_847] : memref<64x128xf32, #tpu.memory_space<vmem>>[vector<16xi32>, vector<16xi32>], vector<16xf32>,
      %add3A_883 = arith.constant 12 : i32
      %add3A_884 = arith.addi %multiple_of3A_81, %add3A_883 : i32
      %swap3A_885 = arith.index_cast %add3A_884 : i32 to index
      %swap3A_886 = arith.constant 48 : index
      %swap3A_887 = tpu.vector_load %arg10[%swap3A_885, %swap3A_886] {strides = array<i32>} : memref<512x64xf32, #tpu.memory_space<vmem>>, vector<16xf32>,
      tpu.vector_store %arg10[%swap3A_885, %swap3A_886], %gather3A_882 {strides = array<i32>} : memref<512x64xf32, #tpu.memory_space<vmem>>, vector<16xf32>,
      %slice3A_888 = vector.extract_strided_slice %get3A_87 {offsets = [0], sizes = [1], strides = [1]} : vector<16xi32> to vector<1xi32>
      %squeeze3A_889 = vector.extract %slice3A_888[0] : i32 from vector<1xi32>
      %add3A_890 = arith.constant 1 : i32
      %add3A_891 = arith.addi %scan3A_78, %add3A_890 : i32
      %lt3A = arith.constant 32 : i32
      %lt3A_892 = arith.cmpi slt, %add3A_891, %lt3A : i32
      %convert_element_type3A = arith.extui %lt3A_892 : i1 to i32
      %cond3A = arith.constant 0 : i32
      %cond3A_893 = arith.cmpi ne, %convert_element_type3A, %cond3A : i32
      scf.if %cond3A_893 {
        %shift_right_arithmetic3A_1065 = arith.constant 7 : i32
        %shift_right_arithmetic3A_1066 = arith.shrsi %squeeze3A_889, %shift_right_arithmetic3A_1065 : i32
        %mul3A_1067 = arith.constant 128 : i32
        %mul3A_1068 = arith.muli %shift_right_arithmetic3A_1066, %mul3A_1067 : i32
        %multiple_of3A_1069 = tpu.assume_multiple %mul3A_1068, 128 : i32
        %dma_start3A_1070 = arith.constant 0 : i32
        %dma_start3A_1071 = tpu.memref_slice %arg4[%dma_start3A_1070, %multiple_of3A_1069] : memref<64x1000000xf32, #tpu.memory_space<hbm>> -> memref<64x128xf32, #tpu.memory_space<hbm>>
        %dma_start3A_1072 = arith.constant 0 : i32
        %dma_start3A_1073 = tpu.memref_slice %arg4[%dma_start3A_1072, %multiple_of3A_1069] : memref<64x1000000xf32, #tpu.memory_space<hbm>> -> memref<64x128xf32, #tpu.memory_space<hbm>>
        tpu.enqueue_dma source(%dma_start3A_1073 : memref<64x128xf32, #tpu.memory_space<hbm>>) target(%arg11 : memref<64x128xf32, #tpu.memory_space<vmem>>) target_semaphore(%arg15 : memref<!tpu.dma_semaphore, #tpu.memory_space<semaphore_mem>>)
      } else {
      }
      %dma_wait3A_894 = arith.constant 0 : i32
      %dma_wait3A_895 = arith.constant 0 : i32
      %dma_wait3A_896 = tpu.memref_slice %arg4[%dma_wait3A_894, %dma_wait3A_895] : memref<64x1000000xf32, #tpu.memory_space<hbm>> -> memref<64x128xf32, #tpu.memory_space<hbm>>
      %dma_wait3A_897 = arith.constant 0 : i32
      %dma_wait3A_898 = arith.constant 0 : i32
      %dma_wait3A_899 = tpu.memref_slice %arg4[%dma_wait3A_897, %dma_wait3A_898] : memref<64x1000000xf32, #tpu.memory_space<hbm>> -> memref<64x128xf32, #tpu.memory_space<hbm>>
      tpu.wait_dma2 semaphore(%arg16 : memref<!tpu.dma_semaphore, #tpu.memory_space<semaphore_mem>>) src(%dma_wait3A_899 : memref<64x128xf32, #tpu.memory_space<hbm>>) dst(%arg12 : memref<64x128xf32, #tpu.memory_space<vmem>>)
      %slice3A_900 = vector.extract_strided_slice %get3A_83 {offsets = [13], sizes = [1], strides = [1]} : vector<16xi32> to vector<1xi32>
      %squeeze3A_901 = vector.extract %slice3A_900[0] : i32 from vector<1xi32>
      %and3A_902 = arith.constant 127 : i32
      %and3A_903 = arith.andi %squeeze3A_901, %and3A_902 : i32
      %broadcast_in_dim3A_904 = vector.broadcast %and3A_903 : i32 to vector<16xi32>
      %iota3A_905 = tpu.iota {dimensions = array<i32: 0>} : vector<16xi32>
      %add3A_906 = arith.constant 0 : i32
      %add3A_907 = vector.broadcast %add3A_906 : i32 to vector<16xi32>
      %add3A_908 = arith.addi %iota3A_905, %add3A_907 : vector<16xi32>
      %gather3A_909 = tpu.vector_load_idx %arg12[%add3A_908, %broadcast_in_dim3A_904] : memref<64x128xf32, #tpu.memory_space<vmem>>[vector<16xi32>, vector<16xi32>], vector<16xf32>,
      %add3A_910 = arith.constant 13 : i32
      %add3A_911 = arith.addi %multiple_of3A_81, %add3A_910 : i32
      %swap3A_912 = arith.index_cast %add3A_911 : i32 to index
      %swap3A_913 = arith.constant 0 : index
      %swap3A_914 = tpu.vector_load %arg10[%swap3A_912, %swap3A_913] {strides = array<i32>} : memref<512x64xf32, #tpu.memory_space<vmem>>, vector<16xf32>,
      tpu.vector_store %arg10[%swap3A_912, %swap3A_913], %gather3A_909 {strides = array<i32>} : memref<512x64xf32, #tpu.memory_space<vmem>>, vector<16xf32>,
      %iota3A_915 = tpu.iota {dimensions = array<i32: 0>} : vector<16xi32>
      %add3A_916 = arith.constant 16 : i32
      %add3A_917 = vector.broadcast %add3A_916 : i32 to vector<16xi32>
      %add3A_918 = arith.addi %iota3A_915, %add3A_917 : vector<16xi32>
      %gather3A_919 = tpu.vector_load_idx %arg12[%add3A_918, %broadcast_in_dim3A_904] : memref<64x128xf32, #tpu.memory_space<vmem>>[vector<16xi32>, vector<16xi32>], vector<16xf32>,
      %add3A_920 = arith.constant 13 : i32
      %add3A_921 = arith.addi %multiple_of3A_81, %add3A_920 : i32
      %swap3A_922 = arith.index_cast %add3A_921 : i32 to index
      %swap3A_923 = arith.constant 16 : index
      %swap3A_924 = tpu.vector_load %arg10[%swap3A_922, %swap3A_923] {strides = array<i32>} : memref<512x64xf32, #tpu.memory_space<vmem>>, vector<16xf32>,
      tpu.vector_store %arg10[%swap3A_922, %swap3A_923], %gather3A_919 {strides = array<i32>} : memref<512x64xf32, #tpu.memory_space<vmem>>, vector<16xf32>,
      %iota3A_925 = tpu.iota {dimensions = array<i32: 0>} : vector<16xi32>
      %add3A_926 = arith.constant 32 : i32
      %add3A_927 = vector.broadcast %add3A_926 : i32 to vector<16xi32>
      %add3A_928 = arith.addi %iota3A_925, %add3A_927 : vector<16xi32>
      %gather3A_929 = tpu.vector_load_idx %arg12[%add3A_928, %broadcast_in_dim3A_904] : memref<64x128xf32, #tpu.memory_space<vmem>>[vector<16xi32>, vector<16xi32>], vector<16xf32>,
      %add3A_930 = arith.constant 13 : i32
      %add3A_931 = arith.addi %multiple_of3A_81, %add3A_930 : i32
      %swap3A_932 = arith.index_cast %add3A_931 : i32 to index
      %swap3A_933 = arith.constant 32 : index
      %swap3A_934 = tpu.vector_load %arg10[%swap3A_932, %swap3A_933] {strides = array<i32>} : memref<512x64xf32, #tpu.memory_space<vmem>>, vector<16xf32>,
      tpu.vector_store %arg10[%swap3A_932, %swap3A_933], %gather3A_929 {strides = array<i32>} : memref<512x64xf32, #tpu.memory_space<vmem>>, vector<16xf32>,
      %iota3A_935 = tpu.iota {dimensions = array<i32: 0>} : vector<16xi32>
      %add3A_936 = arith.constant 48 : i32
      %add3A_937 = vector.broadcast %add3A_936 : i32 to vector<16xi32>
      %add3A_938 = arith.addi %iota3A_935, %add3A_937 : vector<16xi32>
      %gather3A_939 = tpu.vector_load_idx %arg12[%add3A_938, %broadcast_in_dim3A_904] : memref<64x128xf32, #tpu.memory_space<vmem>>[vector<16xi32>, vector<16xi32>], vector<16xf32>,
      %add3A_940 = arith.constant 13 : i32
      %add3A_941 = arith.addi %multiple_of3A_81, %add3A_940 : i32
      %swap3A_942 = arith.index_cast %add3A_941 : i32 to index
      %swap3A_943 = arith.constant 48 : index
      %swap3A_944 = tpu.vector_load %arg10[%swap3A_942, %swap3A_943] {strides = array<i32>} : memref<512x64xf32, #tpu.memory_space<vmem>>, vector<16xf32>,
      tpu.vector_store %arg10[%swap3A_942, %swap3A_943], %gather3A_939 {strides = array<i32>} : memref<512x64xf32, #tpu.memory_space<vmem>>, vector<16xf32>,
      %slice3A_945 = vector.extract_strided_slice %get3A_87 {offsets = [1], sizes = [1], strides = [1]} : vector<16xi32> to vector<1xi32>
      %squeeze3A_946 = vector.extract %slice3A_945[0] : i32 from vector<1xi32>
      %add3A_947 = arith.constant 1 : i32
      %add3A_948 = arith.addi %scan3A_78, %add3A_947 : i32
      %lt3A_949 = arith.constant 32 : i32
      %lt3A_950 = arith.cmpi slt, %add3A_948, %lt3A_949 : i32
      %convert_element_type3A_951 = arith.extui %lt3A_950 : i1 to i32
      %cond3A_952 = arith.constant 0 : i32
      %cond3A_953 = arith.cmpi ne, %convert_element_type3A_951, %cond3A_952 : i32
      scf.if %cond3A_953 {
        %shift_right_arithmetic3A_1065 = arith.constant 7 : i32
        %shift_right_arithmetic3A_1066 = arith.shrsi %squeeze3A_946, %shift_right_arithmetic3A_1065 : i32
        %mul3A_1067 = arith.constant 128 : i32
        %mul3A_1068 = arith.muli %shift_right_arithmetic3A_1066, %mul3A_1067 : i32
        %multiple_of3A_1069 = tpu.assume_multiple %mul3A_1068, 128 : i32
        %dma_start3A_1070 = arith.constant 0 : i32
        %dma_start3A_1071 = tpu.memref_slice %arg4[%dma_start3A_1070, %multiple_of3A_1069] : memref<64x1000000xf32, #tpu.memory_space<hbm>> -> memref<64x128xf32, #tpu.memory_space<hbm>>
        %dma_start3A_1072 = arith.constant 0 : i32
        %dma_start3A_1073 = tpu.memref_slice %arg4[%dma_start3A_1072, %multiple_of3A_1069] : memref<64x1000000xf32, #tpu.memory_space<hbm>> -> memref<64x128xf32, #tpu.memory_space<hbm>>
        tpu.enqueue_dma source(%dma_start3A_1073 : memref<64x128xf32, #tpu.memory_space<hbm>>) target(%arg12 : memref<64x128xf32, #tpu.memory_space<vmem>>) target_semaphore(%arg16 : memref<!tpu.dma_semaphore, #tpu.memory_space<semaphore_mem>>)
      } else {
      }
      %dma_wait3A_954 = arith.constant 0 : i32
      %dma_wait3A_955 = arith.constant 0 : i32
      %dma_wait3A_956 = tpu.memref_slice %arg4[%dma_wait3A_954, %dma_wait3A_955] : memref<64x1000000xf32, #tpu.memory_space<hbm>> -> memref<64x128xf32, #tpu.memory_space<hbm>>
      %dma_wait3A_957 = arith.constant 0 : i32
      %dma_wait3A_958 = arith.constant 0 : i32
      %dma_wait3A_959 = tpu.memref_slice %arg4[%dma_wait3A_957, %dma_wait3A_958] : memref<64x1000000xf32, #tpu.memory_space<hbm>> -> memref<64x128xf32, #tpu.memory_space<hbm>>
      tpu.wait_dma2 semaphore(%arg17 : memref<!tpu.dma_semaphore, #tpu.memory_space<semaphore_mem>>) src(%dma_wait3A_959 : memref<64x128xf32, #tpu.memory_space<hbm>>) dst(%arg13 : memref<64x128xf32, #tpu.memory_space<vmem>>)
      %slice3A_960 = vector.extract_strided_slice %get3A_83 {offsets = [14], sizes = [1], strides = [1]} : vector<16xi32> to vector<1xi32>
      %squeeze3A_961 = vector.extract %slice3A_960[0] : i32 from vector<1xi32>
      %and3A_962 = arith.constant 127 : i32
      %and3A_963 = arith.andi %squeeze3A_961, %and3A_962 : i32
      %broadcast_in_dim3A_964 = vector.broadcast %and3A_963 : i32 to vector<16xi32>
      %iota3A_965 = tpu.iota {dimensions = array<i32: 0>} : vector<16xi32>
      %add3A_966 = arith.constant 0 : i32
      %add3A_967 = vector.broadcast %add3A_966 : i32 to vector<16xi32>
      %add3A_968 = arith.addi %iota3A_965, %add3A_967 : vector<16xi32>
      %gather3A_969 = tpu.vector_load_idx %arg13[%add3A_968, %broadcast_in_dim3A_964] : memref<64x128xf32, #tpu.memory_space<vmem>>[vector<16xi32>, vector<16xi32>], vector<16xf32>,
      %add3A_970 = arith.constant 14 : i32
      %add3A_971 = arith.addi %multiple_of3A_81, %add3A_970 : i32
      %swap3A_972 = arith.index_cast %add3A_971 : i32 to index
      %swap3A_973 = arith.constant 0 : index
      %swap3A_974 = tpu.vector_load %arg10[%swap3A_972, %swap3A_973] {strides = array<i32>} : memref<512x64xf32, #tpu.memory_space<vmem>>, vector<16xf32>,
      tpu.vector_store %arg10[%swap3A_972, %swap3A_973], %gather3A_969 {strides = array<i32>} : memref<512x64xf32, #tpu.memory_space<vmem>>, vector<16xf32>,
      %iota3A_975 = tpu.iota {dimensions = array<i32: 0>} : vector<16xi32>
      %add3A_976 = arith.constant 16 : i32
      %add3A_977 = vector.broadcast %add3A_976 : i32 to vector<16xi32>
      %add3A_978 = arith.addi %iota3A_975, %add3A_977 : vector<16xi32>
      %gather3A_979 = tpu.vector_load_idx %arg13[%add3A_978, %broadcast_in_dim3A_964] : memref<64x128xf32, #tpu.memory_space<vmem>>[vector<16xi32>, vector<16xi32>], vector<16xf32>,
      %add3A_980 = arith.constant 14 : i32
      %add3A_981 = arith.addi %multiple_of3A_81, %add3A_980 : i32
      %swap3A_982 = arith.index_cast %add3A_981 : i32 to index
      %swap3A_983 = arith.constant 16 : index
      %swap3A_984 = tpu.vector_load %arg10[%swap3A_982, %swap3A_983] {strides = array<i32>} : memref<512x64xf32, #tpu.memory_space<vmem>>, vector<16xf32>,
      tpu.vector_store %arg10[%swap3A_982, %swap3A_983], %gather3A_979 {strides = array<i32>} : memref<512x64xf32, #tpu.memory_space<vmem>>, vector<16xf32>,
      %iota3A_985 = tpu.iota {dimensions = array<i32: 0>} : vector<16xi32>
      %add3A_986 = arith.constant 32 : i32
      %add3A_987 = vector.broadcast %add3A_986 : i32 to vector<16xi32>
      %add3A_988 = arith.addi %iota3A_985, %add3A_987 : vector<16xi32>
      %gather3A_989 = tpu.vector_load_idx %arg13[%add3A_988, %broadcast_in_dim3A_964] : memref<64x128xf32, #tpu.memory_space<vmem>>[vector<16xi32>, vector<16xi32>], vector<16xf32>,
      %add3A_990 = arith.constant 14 : i32
      %add3A_991 = arith.addi %multiple_of3A_81, %add3A_990 : i32
      %swap3A_992 = arith.index_cast %add3A_991 : i32 to index
      %swap3A_993 = arith.constant 32 : index
      %swap3A_994 = tpu.vector_load %arg10[%swap3A_992, %swap3A_993] {strides = array<i32>} : memref<512x64xf32, #tpu.memory_space<vmem>>, vector<16xf32>,
      tpu.vector_store %arg10[%swap3A_992, %swap3A_993], %gather3A_989 {strides = array<i32>} : memref<512x64xf32, #tpu.memory_space<vmem>>, vector<16xf32>,
      %iota3A_995 = tpu.iota {dimensions = array<i32: 0>} : vector<16xi32>
      %add3A_996 = arith.constant 48 : i32
      %add3A_997 = vector.broadcast %add3A_996 : i32 to vector<16xi32>
      %add3A_998 = arith.addi %iota3A_995, %add3A_997 : vector<16xi32>
      %gather3A_999 = tpu.vector_load_idx %arg13[%add3A_998, %broadcast_in_dim3A_964] : memref<64x128xf32, #tpu.memory_space<vmem>>[vector<16xi32>, vector<16xi32>], vector<16xf32>,
      %add3A_1000 = arith.constant 14 : i32
      %add3A_1001 = arith.addi %multiple_of3A_81, %add3A_1000 : i32
      %swap3A_1002 = arith.index_cast %add3A_1001 : i32 to index
      %swap3A_1003 = arith.constant 48 : index
      %swap3A_1004 = tpu.vector_load %arg10[%swap3A_1002, %swap3A_1003] {strides = array<i32>} : memref<512x64xf32, #tpu.memory_space<vmem>>, vector<16xf32>,
      tpu.vector_store %arg10[%swap3A_1002, %swap3A_1003], %gather3A_999 {strides = array<i32>} : memref<512x64xf32, #tpu.memory_space<vmem>>, vector<16xf32>,
      %slice3A_1005 = vector.extract_strided_slice %get3A_87 {offsets = [2], sizes = [1], strides = [1]} : vector<16xi32> to vector<1xi32>
      %squeeze3A_1006 = vector.extract %slice3A_1005[0] : i32 from vector<1xi32>
      %add3A_1007 = arith.constant 1 : i32
      %add3A_1008 = arith.addi %scan3A_78, %add3A_1007 : i32
      %lt3A_1009 = arith.constant 32 : i32
      %lt3A_1010 = arith.cmpi slt, %add3A_1008, %lt3A_1009 : i32
      %convert_element_type3A_1011 = arith.extui %lt3A_1010 : i1 to i32
      %cond3A_1012 = arith.constant 0 : i32
      %cond3A_1013 = arith.cmpi ne, %convert_element_type3A_1011, %cond3A_1012 : i32
      scf.if %cond3A_1013 {
        %shift_right_arithmetic3A_1065 = arith.constant 7 : i32
        %shift_right_arithmetic3A_1066 = arith.shrsi %squeeze3A_1006, %shift_right_arithmetic3A_1065 : i32
        %mul3A_1067 = arith.constant 128 : i32
        %mul3A_1068 = arith.muli %shift_right_arithmetic3A_1066, %mul3A_1067 : i32
        %multiple_of3A_1069 = tpu.assume_multiple %mul3A_1068, 128 : i32
        %dma_start3A_1070 = arith.constant 0 : i32
        %dma_start3A_1071 = tpu.memref_slice %arg4[%dma_start3A_1070, %multiple_of3A_1069] : memref<64x1000000xf32, #tpu.memory_space<hbm>> -> memref<64x128xf32, #tpu.memory_space<hbm>>
        %dma_start3A_1072 = arith.constant 0 : i32
        %dma_start3A_1073 = tpu.memref_slice %arg4[%dma_start3A_1072, %multiple_of3A_1069] : memref<64x1000000xf32, #tpu.memory_space<hbm>> -> memref<64x128xf32, #tpu.memory_space<hbm>>
        tpu.enqueue_dma source(%dma_start3A_1073 : memref<64x128xf32, #tpu.memory_space<hbm>>) target(%arg13 : memref<64x128xf32, #tpu.memory_space<vmem>>) target_semaphore(%arg17 : memref<!tpu.dma_semaphore, #tpu.memory_space<semaphore_mem>>)
      } else {
      }
      %dma_wait3A_1014 = arith.constant 0 : i32
      %dma_wait3A_1015 = arith.constant 0 : i32
      %dma_wait3A_1016 = tpu.memref_slice %arg4[%dma_wait3A_1014, %dma_wait3A_1015] : memref<64x1000000xf32, #tpu.memory_space<hbm>> -> memref<64x128xf32, #tpu.memory_space<hbm>>
      %dma_wait3A_1017 = arith.constant 0 : i32
      %dma_wait3A_1018 = arith.constant 0 : i32
      %dma_wait3A_1019 = tpu.memref_slice %arg4[%dma_wait3A_1017, %dma_wait3A_1018] : memref<64x1000000xf32, #tpu.memory_space<hbm>> -> memref<64x128xf32, #tpu.memory_space<hbm>>
      tpu.wait_dma2 semaphore(%arg18 : memref<!tpu.dma_semaphore, #tpu.memory_space<semaphore_mem>>) src(%dma_wait3A_1019 : memref<64x128xf32, #tpu.memory_space<hbm>>) dst(%arg14 : memref<64x128xf32, #tpu.memory_space<vmem>>)
      %slice3A_1020 = vector.extract_strided_slice %get3A_83 {offsets = [15], sizes = [1], strides = [1]} : vector<16xi32> to vector<1xi32>
      %squeeze3A_1021 = vector.extract %slice3A_1020[0] : i32 from vector<1xi32>
      %and3A_1022 = arith.constant 127 : i32
      %and3A_1023 = arith.andi %squeeze3A_1021, %and3A_1022 : i32
      %broadcast_in_dim3A_1024 = vector.broadcast %and3A_1023 : i32 to vector<16xi32>
      %iota3A_1025 = tpu.iota {dimensions = array<i32: 0>} : vector<16xi32>
      %add3A_1026 = arith.constant 0 : i32
      %add3A_1027 = vector.broadcast %add3A_1026 : i32 to vector<16xi32>
      %add3A_1028 = arith.addi %iota3A_1025, %add3A_1027 : vector<16xi32>
      %gather3A_1029 = tpu.vector_load_idx %arg14[%add3A_1028, %broadcast_in_dim3A_1024] : memref<64x128xf32, #tpu.memory_space<vmem>>[vector<16xi32>, vector<16xi32>], vector<16xf32>,
      %add3A_1030 = arith.constant 15 : i32
      %add3A_1031 = arith.addi %multiple_of3A_81, %add3A_1030 : i32
      %swap3A_1032 = arith.index_cast %add3A_1031 : i32 to index
      %swap3A_1033 = arith.constant 0 : index
      %swap3A_1034 = tpu.vector_load %arg10[%swap3A_1032, %swap3A_1033] {strides = array<i32>} : memref<512x64xf32, #tpu.memory_space<vmem>>, vector<16xf32>,
      tpu.vector_store %arg10[%swap3A_1032, %swap3A_1033], %gather3A_1029 {strides = array<i32>} : memref<512x64xf32, #tpu.memory_space<vmem>>, vector<16xf32>,
      %iota3A_1035 = tpu.iota {dimensions = array<i32: 0>} : vector<16xi32>
      %add3A_1036 = arith.constant 16 : i32
      %add3A_1037 = vector.broadcast %add3A_1036 : i32 to vector<16xi32>
      %add3A_1038 = arith.addi %iota3A_1035, %add3A_1037 : vector<16xi32>
      %gather3A_1039 = tpu.vector_load_idx %arg14[%add3A_1038, %broadcast_in_dim3A_1024] : memref<64x128xf32, #tpu.memory_space<vmem>>[vector<16xi32>, vector<16xi32>], vector<16xf32>,
      %add3A_1040 = arith.constant 15 : i32
      %add3A_1041 = arith.addi %multiple_of3A_81, %add3A_1040 : i32
      %swap3A_1042 = arith.index_cast %add3A_1041 : i32 to index
      %swap3A_1043 = arith.constant 16 : index
      %swap3A_1044 = tpu.vector_load %arg10[%swap3A_1042, %swap3A_1043] {strides = array<i32>} : memref<512x64xf32, #tpu.memory_space<vmem>>, vector<16xf32>,
      tpu.vector_store %arg10[%swap3A_1042, %swap3A_1043], %gather3A_1039 {strides = array<i32>} : memref<512x64xf32, #tpu.memory_space<vmem>>, vector<16xf32>,
      %iota3A_1045 = tpu.iota {dimensions = array<i32: 0>} : vector<16xi32>
      %add3A_1046 = arith.constant 32 : i32
      %add3A_1047 = vector.broadcast %add3A_1046 : i32 to vector<16xi32>
      %add3A_1048 = arith.addi %iota3A_1045, %add3A_1047 : vector<16xi32>
      %gather3A_1049 = tpu.vector_load_idx %arg14[%add3A_1048, %broadcast_in_dim3A_1024] : memref<64x128xf32, #tpu.memory_space<vmem>>[vector<16xi32>, vector<16xi32>], vector<16xf32>,
      %add3A_1050 = arith.constant 15 : i32
      %add3A_1051 = arith.addi %multiple_of3A_81, %add3A_1050 : i32
      %swap3A_1052 = arith.index_cast %add3A_1051 : i32 to index
      %swap3A_1053 = arith.constant 32 : index
      %swap3A_1054 = tpu.vector_load %arg10[%swap3A_1052, %swap3A_1053] {strides = array<i32>} : memref<512x64xf32, #tpu.memory_space<vmem>>, vector<16xf32>,
      tpu.vector_store %arg10[%swap3A_1052, %swap3A_1053], %gather3A_1049 {strides = array<i32>} : memref<512x64xf32, #tpu.memory_space<vmem>>, vector<16xf32>,
      %iota3A_1055 = tpu.iota {dimensions = array<i32: 0>} : vector<16xi32>
      %add3A_1056 = arith.constant 48 : i32
      %add3A_1057 = vector.broadcast %add3A_1056 : i32 to vector<16xi32>
      %add3A_1058 = arith.addi %iota3A_1055, %add3A_1057 : vector<16xi32>
      %gather3A_1059 = tpu.vector_load_idx %arg14[%add3A_1058, %broadcast_in_dim3A_1024] : memref<64x128xf32, #tpu.memory_space<vmem>>[vector<16xi32>, vector<16xi32>], vector<16xf32>,
      %add3A_1060 = arith.constant 15 : i32
      %add3A_1061 = arith.addi %multiple_of3A_81, %add3A_1060 : i32
      %swap3A_1062 = arith.index_cast %add3A_1061 : i32 to index
      %swap3A_1063 = arith.constant 48 : index
      %swap3A_1064 = tpu.vector_load %arg10[%swap3A_1062, %swap3A_1063] {strides = array<i32>} : memref<512x64xf32, #tpu.memory_space<vmem>>, vector<16xf32>,
      tpu.vector_store %arg10[%swap3A_1062, %swap3A_1063], %gather3A_1059 {strides = array<i32>} : memref<512x64xf32, #tpu.memory_space<vmem>>, vector<16xf32>,
    }
    %scan3A_36 = arith.constant 32 : i32
    "tpu.region"() ({
      %run_scoped3A = tpu.sem_alloc : memref<!tpu.dma_semaphore, #tpu.memory_space<semaphore_mem>>
      %dma_start3A_78 = arith.constant 0 : i32
      %dma_start3A_79 = tpu.memref_slice %arg6[%mul3A_2, %dma_start3A_78] : memref<16384x64xf32, #tpu.memory_space<hbm>> -> memref<512x64xf32, #tpu.memory_space<hbm>>
      %dma_start3A_80 = arith.constant 0 : i32
      %dma_start3A_81 = tpu.memref_slice %arg6[%mul3A_2, %dma_start3A_80] : memref<16384x64xf32, #tpu.memory_space<hbm>> -> memref<512x64xf32, #tpu.memory_space<hbm>>
      tpu.enqueue_dma source(%arg10 : memref<512x64xf32, #tpu.memory_space<vmem>>) target(%dma_start3A_81 : memref<512x64xf32, #tpu.memory_space<hbm>>) target_semaphore(%run_scoped3A : memref<!tpu.dma_semaphore, #tpu.memory_space<semaphore_mem>>)
      %dma_wait3A = arith.constant 0 : i32
      %dma_wait3A_82 = tpu.memref_slice %arg6[%mul3A_2, %dma_wait3A] : memref<16384x64xf32, #tpu.memory_space<hbm>> -> memref<512x64xf32, #tpu.memory_space<hbm>>
      %dma_wait3A_83 = arith.constant 0 : i32
      %dma_wait3A_84 = tpu.memref_slice %arg6[%mul3A_2, %dma_wait3A_83] : memref<16384x64xf32, #tpu.memory_space<hbm>> -> memref<512x64xf32, #tpu.memory_space<hbm>>
      tpu.wait_dma2 semaphore(%run_scoped3A : memref<!tpu.dma_semaphore, #tpu.memory_space<semaphore_mem>>) src(%arg10 : memref<512x64xf32, #tpu.memory_space<vmem>>) dst(%dma_wait3A_84 : memref<512x64xf32, #tpu.memory_space<hbm>>)
      tpu.yield
    }) : () -> ()
    %get3A_37 = arith.constant 0 : index
    %get3A_38 = tpu.vector_load %arg9[%get3A_37] {strides = array<i32>} : memref<528xi32, #tpu.memory_space<vmem>>, vector<16xi32>,
    %slice3A_39 = vector.extract_strided_slice %get3A_38 {offsets = [0], sizes = [1], strides = [1]} : vector<16xi32> to vector<1xi32>
    %squeeze3A_40 = vector.extract %slice3A_39[0] : i32 from vector<1xi32>
    %shift_right_arithmetic3A_41 = arith.constant 7 : i32
    %shift_right_arithmetic3A_42 = arith.shrsi %squeeze3A_40, %shift_right_arithmetic3A_41 : i32
    %mul3A_43 = arith.constant 128 : i32
    %mul3A_44 = arith.muli %shift_right_arithmetic3A_42, %mul3A_43 : i32
    %multiple_of3A_45 = tpu.assume_multiple %mul3A_44, 128 : i32
    %dma_start3A_46 = arith.constant 0 : i32
    %dma_start3A_47 = tpu.memref_slice %arg5[%dma_start3A_46, %multiple_of3A_45] : memref<64x1000000xf32, #tpu.memory_space<hbm>> -> memref<64x128xf32, #tpu.memory_space<hbm>>
    %dma_start3A_48 = arith.constant 0 : i32
    %dma_start3A_49 = tpu.memref_slice %arg5[%dma_start3A_48, %multiple_of3A_45] : memref<64x1000000xf32, #tpu.memory_space<hbm>> -> memref<64x128xf32, #tpu.memory_space<hbm>>
    tpu.enqueue_dma source(%dma_start3A_49 : memref<64x128xf32, #tpu.memory_space<hbm>>) target(%arg11 : memref<64x128xf32, #tpu.memory_space<vmem>>) target_semaphore(%arg15 : memref<!tpu.dma_semaphore, #tpu.memory_space<semaphore_mem>>)
    %slice3A_50 = vector.extract_strided_slice %get3A_38 {offsets = [1], sizes = [1], strides = [1]} : vector<16xi32> to vector<1xi32>
    %squeeze3A_51 = vector.extract %slice3A_50[0] : i32 from vector<1xi32>
    %shift_right_arithmetic3A_52 = arith.constant 7 : i32
    %shift_right_arithmetic3A_53 = arith.shrsi %squeeze3A_51, %shift_right_arithmetic3A_52 : i32
    %mul3A_54 = arith.constant 128 : i32
    %mul3A_55 = arith.muli %shift_right_arithmetic3A_53, %mul3A_54 : i32
    %multiple_of3A_56 = tpu.assume_multiple %mul3A_55, 128 : i32
    %dma_start3A_57 = arith.constant 0 : i32
    %dma_start3A_58 = tpu.memref_slice %arg5[%dma_start3A_57, %multiple_of3A_56] : memref<64x1000000xf32, #tpu.memory_space<hbm>> -> memref<64x128xf32, #tpu.memory_space<hbm>>
    %dma_start3A_59 = arith.constant 0 : i32
    %dma_start3A_60 = tpu.memref_slice %arg5[%dma_start3A_59, %multiple_of3A_56] : memref<64x1000000xf32, #tpu.memory_space<hbm>> -> memref<64x128xf32, #tpu.memory_space<hbm>>
    tpu.enqueue_dma source(%dma_start3A_60 : memref<64x128xf32, #tpu.memory_space<hbm>>) target(%arg12 : memref<64x128xf32, #tpu.memory_space<vmem>>) target_semaphore(%arg16 : memref<!tpu.dma_semaphore, #tpu.memory_space<semaphore_mem>>)
    %slice3A_61 = vector.extract_strided_slice %get3A_38 {offsets = [2], sizes = [1], strides = [1]} : vector<16xi32> to vector<1xi32>
    %squeeze3A_62 = vector.extract %slice3A_61[0] : i32 from vector<1xi32>
    %shift_right_arithmetic3A_63 = arith.constant 7 : i32
    %shift_right_arithmetic3A_64 = arith.shrsi %squeeze3A_62, %shift_right_arithmetic3A_63 : i32
    %mul3A_65 = arith.constant 128 : i32
    %mul3A_66 = arith.muli %shift_right_arithmetic3A_64, %mul3A_65 : i32
    %multiple_of3A_67 = tpu.assume_multiple %mul3A_66, 128 : i32
    %dma_start3A_68 = arith.constant 0 : i32
    %dma_start3A_69 = tpu.memref_slice %arg5[%dma_start3A_68, %multiple_of3A_67] : memref<64x1000000xf32, #tpu.memory_space<hbm>> -> memref<64x128xf32, #tpu.memory_space<hbm>>
    %dma_start3A_70 = arith.constant 0 : i32
    %dma_start3A_71 = tpu.memref_slice %arg5[%dma_start3A_70, %multiple_of3A_67] : memref<64x1000000xf32, #tpu.memory_space<hbm>> -> memref<64x128xf32, #tpu.memory_space<hbm>>
    tpu.enqueue_dma source(%dma_start3A_71 : memref<64x128xf32, #tpu.memory_space<hbm>>) target(%arg13 : memref<64x128xf32, #tpu.memory_space<vmem>>) target_semaphore(%arg17 : memref<!tpu.dma_semaphore, #tpu.memory_space<semaphore_mem>>)
    %scan3A_72 = arith.constant 0 : i32
    %scan3A_73 = arith.constant 0 : i32
    %scan3A_74 = arith.constant 32 : i32
    %scan3A_75 = arith.addi %scan3A_73, %scan3A_74 : i32
    %scan3A_76 = arith.constant 1 : i32
    scf.for %scan3A_78 = %scan3A_73 to %scan3A_75 step %scan3A_76  : i32 {
      %mul3A_79 = arith.constant 16 : i32
      %mul3A_80 = arith.muli %scan3A_78, %mul3A_79 : i32
      %multiple_of3A_81 = tpu.assume_multiple %mul3A_80, 16 : i32
      %get3A_82 = arith.index_cast %multiple_of3A_81 : i32 to index
      %get3A_83 = tpu.vector_load %arg9[%get3A_82] {strides = array<i32>} : memref<528xi32, #tpu.memory_space<vmem>>, vector<16xi32>,
      %add3A_84 = arith.constant 16 : i32
      %add3A_85 = arith.addi %multiple_of3A_81, %add3A_84 : i32
      %get3A_86 = arith.index_cast %add3A_85 : i32 to index
      %get3A_87 = tpu.vector_load %arg9[%get3A_86] {strides = array<i32>} : memref<528xi32, #tpu.memory_space<vmem>>, vector<16xi32>,
      %slice3A_88 = vector.extract_strided_slice %get3A_83 {offsets = [3], sizes = [1], strides = [1]} : vector<16xi32> to vector<1xi32>
      %squeeze3A_89 = vector.extract %slice3A_88[0] : i32 from vector<1xi32>
      %shift_right_arithmetic3A_90 = arith.constant 7 : i32
      %shift_right_arithmetic3A_91 = arith.shrsi %squeeze3A_89, %shift_right_arithmetic3A_90 : i32
      %mul3A_92 = arith.constant 128 : i32
      %mul3A_93 = arith.muli %shift_right_arithmetic3A_91, %mul3A_92 : i32
      %multiple_of3A_94 = tpu.assume_multiple %mul3A_93, 128 : i32
      %dma_start3A_95 = arith.constant 0 : i32
      %dma_start3A_96 = tpu.memref_slice %arg5[%dma_start3A_95, %multiple_of3A_94] : memref<64x1000000xf32, #tpu.memory_space<hbm>> -> memref<64x128xf32, #tpu.memory_space<hbm>>
      %dma_start3A_97 = arith.constant 0 : i32
      %dma_start3A_98 = tpu.memref_slice %arg5[%dma_start3A_97, %multiple_of3A_94] : memref<64x1000000xf32, #tpu.memory_space<hbm>> -> memref<64x128xf32, #tpu.memory_space<hbm>>
      tpu.enqueue_dma source(%dma_start3A_98 : memref<64x128xf32, #tpu.memory_space<hbm>>) target(%arg14 : memref<64x128xf32, #tpu.memory_space<vmem>>) target_semaphore(%arg18 : memref<!tpu.dma_semaphore, #tpu.memory_space<semaphore_mem>>)
      %dma_wait3A = arith.constant 0 : i32
      %dma_wait3A_99 = arith.constant 0 : i32
      %dma_wait3A_100 = tpu.memref_slice %arg5[%dma_wait3A, %dma_wait3A_99] : memref<64x1000000xf32, #tpu.memory_space<hbm>> -> memref<64x128xf32, #tpu.memory_space<hbm>>
      %dma_wait3A_101 = arith.constant 0 : i32
      %dma_wait3A_102 = arith.constant 0 : i32
      %dma_wait3A_103 = tpu.memref_slice %arg5[%dma_wait3A_101, %dma_wait3A_102] : memref<64x1000000xf32, #tpu.memory_space<hbm>> -> memref<64x128xf32, #tpu.memory_space<hbm>>
      tpu.wait_dma2 semaphore(%arg15 : memref<!tpu.dma_semaphore, #tpu.memory_space<semaphore_mem>>) src(%dma_wait3A_103 : memref<64x128xf32, #tpu.memory_space<hbm>>) dst(%arg11 : memref<64x128xf32, #tpu.memory_space<vmem>>)
      %slice3A_104 = vector.extract_strided_slice %get3A_83 {offsets = [0], sizes = [1], strides = [1]} : vector<16xi32> to vector<1xi32>
      %squeeze3A_105 = vector.extract %slice3A_104[0] : i32 from vector<1xi32>
      %and3A = arith.constant 127 : i32
      %and3A_106 = arith.andi %squeeze3A_105, %and3A : i32
      %broadcast_in_dim3A = vector.broadcast %and3A_106 : i32 to vector<16xi32>
      %iota3A = tpu.iota {dimensions = array<i32: 0>} : vector<16xi32>
      %add3A_107 = arith.constant 0 : i32
      %add3A_108 = vector.broadcast %add3A_107 : i32 to vector<16xi32>
      %add3A_109 = arith.addi %iota3A, %add3A_108 : vector<16xi32>
      %gather3A = tpu.vector_load_idx %arg11[%add3A_109, %broadcast_in_dim3A] : memref<64x128xf32, #tpu.memory_space<vmem>>[vector<16xi32>, vector<16xi32>], vector<16xf32>,
      %add3A_110 = arith.constant 0 : i32
      %add3A_111 = arith.addi %multiple_of3A_81, %add3A_110 : i32
      %swap3A = arith.index_cast %add3A_111 : i32 to index
      %swap3A_112 = arith.constant 0 : index
      %swap3A_113 = tpu.vector_load %arg10[%swap3A, %swap3A_112] {strides = array<i32>} : memref<512x64xf32, #tpu.memory_space<vmem>>, vector<16xf32>,
      tpu.vector_store %arg10[%swap3A, %swap3A_112], %gather3A {strides = array<i32>} : memref<512x64xf32, #tpu.memory_space<vmem>>, vector<16xf32>,
      %iota3A_114 = tpu.iota {dimensions = array<i32: 0>} : vector<16xi32>
      %add3A_115 = arith.constant 16 : i32
      %add3A_116 = vector.broadcast %add3A_115 : i32 to vector<16xi32>
      %add3A_117 = arith.addi %iota3A_114, %add3A_116 : vector<16xi32>
      %gather3A_118 = tpu.vector_load_idx %arg11[%add3A_117, %broadcast_in_dim3A] : memref<64x128xf32, #tpu.memory_space<vmem>>[vector<16xi32>, vector<16xi32>], vector<16xf32>,
      %add3A_119 = arith.constant 0 : i32
      %add3A_120 = arith.addi %multiple_of3A_81, %add3A_119 : i32
      %swap3A_121 = arith.index_cast %add3A_120 : i32 to index
      %swap3A_122 = arith.constant 16 : index
      %swap3A_123 = tpu.vector_load %arg10[%swap3A_121, %swap3A_122] {strides = array<i32>} : memref<512x64xf32, #tpu.memory_space<vmem>>, vector<16xf32>,
      tpu.vector_store %arg10[%swap3A_121, %swap3A_122], %gather3A_118 {strides = array<i32>} : memref<512x64xf32, #tpu.memory_space<vmem>>, vector<16xf32>,
      %iota3A_124 = tpu.iota {dimensions = array<i32: 0>} : vector<16xi32>
      %add3A_125 = arith.constant 32 : i32
      %add3A_126 = vector.broadcast %add3A_125 : i32 to vector<16xi32>
      %add3A_127 = arith.addi %iota3A_124, %add3A_126 : vector<16xi32>
      %gather3A_128 = tpu.vector_load_idx %arg11[%add3A_127, %broadcast_in_dim3A] : memref<64x128xf32, #tpu.memory_space<vmem>>[vector<16xi32>, vector<16xi32>], vector<16xf32>,
      %add3A_129 = arith.constant 0 : i32
      %add3A_130 = arith.addi %multiple_of3A_81, %add3A_129 : i32
      %swap3A_131 = arith.index_cast %add3A_130 : i32 to index
      %swap3A_132 = arith.constant 32 : index
      %swap3A_133 = tpu.vector_load %arg10[%swap3A_131, %swap3A_132] {strides = array<i32>} : memref<512x64xf32, #tpu.memory_space<vmem>>, vector<16xf32>,
      tpu.vector_store %arg10[%swap3A_131, %swap3A_132], %gather3A_128 {strides = array<i32>} : memref<512x64xf32, #tpu.memory_space<vmem>>, vector<16xf32>,
      %iota3A_134 = tpu.iota {dimensions = array<i32: 0>} : vector<16xi32>
      %add3A_135 = arith.constant 48 : i32
      %add3A_136 = vector.broadcast %add3A_135 : i32 to vector<16xi32>
      %add3A_137 = arith.addi %iota3A_134, %add3A_136 : vector<16xi32>
      %gather3A_138 = tpu.vector_load_idx %arg11[%add3A_137, %broadcast_in_dim3A] : memref<64x128xf32, #tpu.memory_space<vmem>>[vector<16xi32>, vector<16xi32>], vector<16xf32>,
      %add3A_139 = arith.constant 0 : i32
      %add3A_140 = arith.addi %multiple_of3A_81, %add3A_139 : i32
      %swap3A_141 = arith.index_cast %add3A_140 : i32 to index
      %swap3A_142 = arith.constant 48 : index
      %swap3A_143 = tpu.vector_load %arg10[%swap3A_141, %swap3A_142] {strides = array<i32>} : memref<512x64xf32, #tpu.memory_space<vmem>>, vector<16xf32>,
      tpu.vector_store %arg10[%swap3A_141, %swap3A_142], %gather3A_138 {strides = array<i32>} : memref<512x64xf32, #tpu.memory_space<vmem>>, vector<16xf32>,
      %slice3A_144 = vector.extract_strided_slice %get3A_83 {offsets = [4], sizes = [1], strides = [1]} : vector<16xi32> to vector<1xi32>
      %squeeze3A_145 = vector.extract %slice3A_144[0] : i32 from vector<1xi32>
      %shift_right_arithmetic3A_146 = arith.constant 7 : i32
      %shift_right_arithmetic3A_147 = arith.shrsi %squeeze3A_145, %shift_right_arithmetic3A_146 : i32
      %mul3A_148 = arith.constant 128 : i32
      %mul3A_149 = arith.muli %shift_right_arithmetic3A_147, %mul3A_148 : i32
      %multiple_of3A_150 = tpu.assume_multiple %mul3A_149, 128 : i32
      %dma_start3A_151 = arith.constant 0 : i32
      %dma_start3A_152 = tpu.memref_slice %arg5[%dma_start3A_151, %multiple_of3A_150] : memref<64x1000000xf32, #tpu.memory_space<hbm>> -> memref<64x128xf32, #tpu.memory_space<hbm>>
      %dma_start3A_153 = arith.constant 0 : i32
      %dma_start3A_154 = tpu.memref_slice %arg5[%dma_start3A_153, %multiple_of3A_150] : memref<64x1000000xf32, #tpu.memory_space<hbm>> -> memref<64x128xf32, #tpu.memory_space<hbm>>
      tpu.enqueue_dma source(%dma_start3A_154 : memref<64x128xf32, #tpu.memory_space<hbm>>) target(%arg11 : memref<64x128xf32, #tpu.memory_space<vmem>>) target_semaphore(%arg15 : memref<!tpu.dma_semaphore, #tpu.memory_space<semaphore_mem>>)
      %dma_wait3A_155 = arith.constant 0 : i32
      %dma_wait3A_156 = arith.constant 0 : i32
      %dma_wait3A_157 = tpu.memref_slice %arg5[%dma_wait3A_155, %dma_wait3A_156] : memref<64x1000000xf32, #tpu.memory_space<hbm>> -> memref<64x128xf32, #tpu.memory_space<hbm>>
      %dma_wait3A_158 = arith.constant 0 : i32
      %dma_wait3A_159 = arith.constant 0 : i32
      %dma_wait3A_160 = tpu.memref_slice %arg5[%dma_wait3A_158, %dma_wait3A_159] : memref<64x1000000xf32, #tpu.memory_space<hbm>> -> memref<64x128xf32, #tpu.memory_space<hbm>>
      tpu.wait_dma2 semaphore(%arg16 : memref<!tpu.dma_semaphore, #tpu.memory_space<semaphore_mem>>) src(%dma_wait3A_160 : memref<64x128xf32, #tpu.memory_space<hbm>>) dst(%arg12 : memref<64x128xf32, #tpu.memory_space<vmem>>)
      %slice3A_161 = vector.extract_strided_slice %get3A_83 {offsets = [1], sizes = [1], strides = [1]} : vector<16xi32> to vector<1xi32>
      %squeeze3A_162 = vector.extract %slice3A_161[0] : i32 from vector<1xi32>
      %and3A_163 = arith.constant 127 : i32
      %and3A_164 = arith.andi %squeeze3A_162, %and3A_163 : i32
      %broadcast_in_dim3A_165 = vector.broadcast %and3A_164 : i32 to vector<16xi32>
      %iota3A_166 = tpu.iota {dimensions = array<i32: 0>} : vector<16xi32>
      %add3A_167 = arith.constant 0 : i32
      %add3A_168 = vector.broadcast %add3A_167 : i32 to vector<16xi32>
      %add3A_169 = arith.addi %iota3A_166, %add3A_168 : vector<16xi32>
      %gather3A_170 = tpu.vector_load_idx %arg12[%add3A_169, %broadcast_in_dim3A_165] : memref<64x128xf32, #tpu.memory_space<vmem>>[vector<16xi32>, vector<16xi32>], vector<16xf32>,
      %add3A_171 = arith.constant 1 : i32
      %add3A_172 = arith.addi %multiple_of3A_81, %add3A_171 : i32
      %swap3A_173 = arith.index_cast %add3A_172 : i32 to index
      %swap3A_174 = arith.constant 0 : index
      %swap3A_175 = tpu.vector_load %arg10[%swap3A_173, %swap3A_174] {strides = array<i32>} : memref<512x64xf32, #tpu.memory_space<vmem>>, vector<16xf32>,
      tpu.vector_store %arg10[%swap3A_173, %swap3A_174], %gather3A_170 {strides = array<i32>} : memref<512x64xf32, #tpu.memory_space<vmem>>, vector<16xf32>,
      %iota3A_176 = tpu.iota {dimensions = array<i32: 0>} : vector<16xi32>
      %add3A_177 = arith.constant 16 : i32
      %add3A_178 = vector.broadcast %add3A_177 : i32 to vector<16xi32>
      %add3A_179 = arith.addi %iota3A_176, %add3A_178 : vector<16xi32>
      %gather3A_180 = tpu.vector_load_idx %arg12[%add3A_179, %broadcast_in_dim3A_165] : memref<64x128xf32, #tpu.memory_space<vmem>>[vector<16xi32>, vector<16xi32>], vector<16xf32>,
      %add3A_181 = arith.constant 1 : i32
      %add3A_182 = arith.addi %multiple_of3A_81, %add3A_181 : i32
      %swap3A_183 = arith.index_cast %add3A_182 : i32 to index
      %swap3A_184 = arith.constant 16 : index
      %swap3A_185 = tpu.vector_load %arg10[%swap3A_183, %swap3A_184] {strides = array<i32>} : memref<512x64xf32, #tpu.memory_space<vmem>>, vector<16xf32>,
      tpu.vector_store %arg10[%swap3A_183, %swap3A_184], %gather3A_180 {strides = array<i32>} : memref<512x64xf32, #tpu.memory_space<vmem>>, vector<16xf32>,
      %iota3A_186 = tpu.iota {dimensions = array<i32: 0>} : vector<16xi32>
      %add3A_187 = arith.constant 32 : i32
      %add3A_188 = vector.broadcast %add3A_187 : i32 to vector<16xi32>
      %add3A_189 = arith.addi %iota3A_186, %add3A_188 : vector<16xi32>
      %gather3A_190 = tpu.vector_load_idx %arg12[%add3A_189, %broadcast_in_dim3A_165] : memref<64x128xf32, #tpu.memory_space<vmem>>[vector<16xi32>, vector<16xi32>], vector<16xf32>,
      %add3A_191 = arith.constant 1 : i32
      %add3A_192 = arith.addi %multiple_of3A_81, %add3A_191 : i32
      %swap3A_193 = arith.index_cast %add3A_192 : i32 to index
      %swap3A_194 = arith.constant 32 : index
      %swap3A_195 = tpu.vector_load %arg10[%swap3A_193, %swap3A_194] {strides = array<i32>} : memref<512x64xf32, #tpu.memory_space<vmem>>, vector<16xf32>,
      tpu.vector_store %arg10[%swap3A_193, %swap3A_194], %gather3A_190 {strides = array<i32>} : memref<512x64xf32, #tpu.memory_space<vmem>>, vector<16xf32>,
      %iota3A_196 = tpu.iota {dimensions = array<i32: 0>} : vector<16xi32>
      %add3A_197 = arith.constant 48 : i32
      %add3A_198 = vector.broadcast %add3A_197 : i32 to vector<16xi32>
      %add3A_199 = arith.addi %iota3A_196, %add3A_198 : vector<16xi32>
      %gather3A_200 = tpu.vector_load_idx %arg12[%add3A_199, %broadcast_in_dim3A_165] : memref<64x128xf32, #tpu.memory_space<vmem>>[vector<16xi32>, vector<16xi32>], vector<16xf32>,
      %add3A_201 = arith.constant 1 : i32
      %add3A_202 = arith.addi %multiple_of3A_81, %add3A_201 : i32
      %swap3A_203 = arith.index_cast %add3A_202 : i32 to index
      %swap3A_204 = arith.constant 48 : index
      %swap3A_205 = tpu.vector_load %arg10[%swap3A_203, %swap3A_204] {strides = array<i32>} : memref<512x64xf32, #tpu.memory_space<vmem>>, vector<16xf32>,
      tpu.vector_store %arg10[%swap3A_203, %swap3A_204], %gather3A_200 {strides = array<i32>} : memref<512x64xf32, #tpu.memory_space<vmem>>, vector<16xf32>,
      %slice3A_206 = vector.extract_strided_slice %get3A_83 {offsets = [5], sizes = [1], strides = [1]} : vector<16xi32> to vector<1xi32>
      %squeeze3A_207 = vector.extract %slice3A_206[0] : i32 from vector<1xi32>
      %shift_right_arithmetic3A_208 = arith.constant 7 : i32
      %shift_right_arithmetic3A_209 = arith.shrsi %squeeze3A_207, %shift_right_arithmetic3A_208 : i32
      %mul3A_210 = arith.constant 128 : i32
      %mul3A_211 = arith.muli %shift_right_arithmetic3A_209, %mul3A_210 : i32
      %multiple_of3A_212 = tpu.assume_multiple %mul3A_211, 128 : i32
      %dma_start3A_213 = arith.constant 0 : i32
      %dma_start3A_214 = tpu.memref_slice %arg5[%dma_start3A_213, %multiple_of3A_212] : memref<64x1000000xf32, #tpu.memory_space<hbm>> -> memref<64x128xf32, #tpu.memory_space<hbm>>
      %dma_start3A_215 = arith.constant 0 : i32
      %dma_start3A_216 = tpu.memref_slice %arg5[%dma_start3A_215, %multiple_of3A_212] : memref<64x1000000xf32, #tpu.memory_space<hbm>> -> memref<64x128xf32, #tpu.memory_space<hbm>>
      tpu.enqueue_dma source(%dma_start3A_216 : memref<64x128xf32, #tpu.memory_space<hbm>>) target(%arg12 : memref<64x128xf32, #tpu.memory_space<vmem>>) target_semaphore(%arg16 : memref<!tpu.dma_semaphore, #tpu.memory_space<semaphore_mem>>)
      %dma_wait3A_217 = arith.constant 0 : i32
      %dma_wait3A_218 = arith.constant 0 : i32
      %dma_wait3A_219 = tpu.memref_slice %arg5[%dma_wait3A_217, %dma_wait3A_218] : memref<64x1000000xf32, #tpu.memory_space<hbm>> -> memref<64x128xf32, #tpu.memory_space<hbm>>
      %dma_wait3A_220 = arith.constant 0 : i32
      %dma_wait3A_221 = arith.constant 0 : i32
      %dma_wait3A_222 = tpu.memref_slice %arg5[%dma_wait3A_220, %dma_wait3A_221] : memref<64x1000000xf32, #tpu.memory_space<hbm>> -> memref<64x128xf32, #tpu.memory_space<hbm>>
      tpu.wait_dma2 semaphore(%arg17 : memref<!tpu.dma_semaphore, #tpu.memory_space<semaphore_mem>>) src(%dma_wait3A_222 : memref<64x128xf32, #tpu.memory_space<hbm>>) dst(%arg13 : memref<64x128xf32, #tpu.memory_space<vmem>>)
      %slice3A_223 = vector.extract_strided_slice %get3A_83 {offsets = [2], sizes = [1], strides = [1]} : vector<16xi32> to vector<1xi32>
      %squeeze3A_224 = vector.extract %slice3A_223[0] : i32 from vector<1xi32>
      %and3A_225 = arith.constant 127 : i32
      %and3A_226 = arith.andi %squeeze3A_224, %and3A_225 : i32
      %broadcast_in_dim3A_227 = vector.broadcast %and3A_226 : i32 to vector<16xi32>
      %iota3A_228 = tpu.iota {dimensions = array<i32: 0>} : vector<16xi32>
      %add3A_229 = arith.constant 0 : i32
      %add3A_230 = vector.broadcast %add3A_229 : i32 to vector<16xi32>
      %add3A_231 = arith.addi %iota3A_228, %add3A_230 : vector<16xi32>
      %gather3A_232 = tpu.vector_load_idx %arg13[%add3A_231, %broadcast_in_dim3A_227] : memref<64x128xf32, #tpu.memory_space<vmem>>[vector<16xi32>, vector<16xi32>], vector<16xf32>,
      %add3A_233 = arith.constant 2 : i32
      %add3A_234 = arith.addi %multiple_of3A_81, %add3A_233 : i32
      %swap3A_235 = arith.index_cast %add3A_234 : i32 to index
      %swap3A_236 = arith.constant 0 : index
      %swap3A_237 = tpu.vector_load %arg10[%swap3A_235, %swap3A_236] {strides = array<i32>} : memref<512x64xf32, #tpu.memory_space<vmem>>, vector<16xf32>,
      tpu.vector_store %arg10[%swap3A_235, %swap3A_236], %gather3A_232 {strides = array<i32>} : memref<512x64xf32, #tpu.memory_space<vmem>>, vector<16xf32>,
      %iota3A_238 = tpu.iota {dimensions = array<i32: 0>} : vector<16xi32>
      %add3A_239 = arith.constant 16 : i32
      %add3A_240 = vector.broadcast %add3A_239 : i32 to vector<16xi32>
      %add3A_241 = arith.addi %iota3A_238, %add3A_240 : vector<16xi32>
      %gather3A_242 = tpu.vector_load_idx %arg13[%add3A_241, %broadcast_in_dim3A_227] : memref<64x128xf32, #tpu.memory_space<vmem>>[vector<16xi32>, vector<16xi32>], vector<16xf32>,
      %add3A_243 = arith.constant 2 : i32
      %add3A_244 = arith.addi %multiple_of3A_81, %add3A_243 : i32
      %swap3A_245 = arith.index_cast %add3A_244 : i32 to index
      %swap3A_246 = arith.constant 16 : index
      %swap3A_247 = tpu.vector_load %arg10[%swap3A_245, %swap3A_246] {strides = array<i32>} : memref<512x64xf32, #tpu.memory_space<vmem>>, vector<16xf32>,
      tpu.vector_store %arg10[%swap3A_245, %swap3A_246], %gather3A_242 {strides = array<i32>} : memref<512x64xf32, #tpu.memory_space<vmem>>, vector<16xf32>,
      %iota3A_248 = tpu.iota {dimensions = array<i32: 0>} : vector<16xi32>
      %add3A_249 = arith.constant 32 : i32
      %add3A_250 = vector.broadcast %add3A_249 : i32 to vector<16xi32>
      %add3A_251 = arith.addi %iota3A_248, %add3A_250 : vector<16xi32>
      %gather3A_252 = tpu.vector_load_idx %arg13[%add3A_251, %broadcast_in_dim3A_227] : memref<64x128xf32, #tpu.memory_space<vmem>>[vector<16xi32>, vector<16xi32>], vector<16xf32>,
      %add3A_253 = arith.constant 2 : i32
      %add3A_254 = arith.addi %multiple_of3A_81, %add3A_253 : i32
      %swap3A_255 = arith.index_cast %add3A_254 : i32 to index
      %swap3A_256 = arith.constant 32 : index
      %swap3A_257 = tpu.vector_load %arg10[%swap3A_255, %swap3A_256] {strides = array<i32>} : memref<512x64xf32, #tpu.memory_space<vmem>>, vector<16xf32>,
      tpu.vector_store %arg10[%swap3A_255, %swap3A_256], %gather3A_252 {strides = array<i32>} : memref<512x64xf32, #tpu.memory_space<vmem>>, vector<16xf32>,
      %iota3A_258 = tpu.iota {dimensions = array<i32: 0>} : vector<16xi32>
      %add3A_259 = arith.constant 48 : i32
      %add3A_260 = vector.broadcast %add3A_259 : i32 to vector<16xi32>
      %add3A_261 = arith.addi %iota3A_258, %add3A_260 : vector<16xi32>
      %gather3A_262 = tpu.vector_load_idx %arg13[%add3A_261, %broadcast_in_dim3A_227] : memref<64x128xf32, #tpu.memory_space<vmem>>[vector<16xi32>, vector<16xi32>], vector<16xf32>,
      %add3A_263 = arith.constant 2 : i32
      %add3A_264 = arith.addi %multiple_of3A_81, %add3A_263 : i32
      %swap3A_265 = arith.index_cast %add3A_264 : i32 to index
      %swap3A_266 = arith.constant 48 : index
      %swap3A_267 = tpu.vector_load %arg10[%swap3A_265, %swap3A_266] {strides = array<i32>} : memref<512x64xf32, #tpu.memory_space<vmem>>, vector<16xf32>,
      tpu.vector_store %arg10[%swap3A_265, %swap3A_266], %gather3A_262 {strides = array<i32>} : memref<512x64xf32, #tpu.memory_space<vmem>>, vector<16xf32>,
      %slice3A_268 = vector.extract_strided_slice %get3A_83 {offsets = [6], sizes = [1], strides = [1]} : vector<16xi32> to vector<1xi32>
      %squeeze3A_269 = vector.extract %slice3A_268[0] : i32 from vector<1xi32>
      %shift_right_arithmetic3A_270 = arith.constant 7 : i32
      %shift_right_arithmetic3A_271 = arith.shrsi %squeeze3A_269, %shift_right_arithmetic3A_270 : i32
      %mul3A_272 = arith.constant 128 : i32
      %mul3A_273 = arith.muli %shift_right_arithmetic3A_271, %mul3A_272 : i32
      %multiple_of3A_274 = tpu.assume_multiple %mul3A_273, 128 : i32
      %dma_start3A_275 = arith.constant 0 : i32
      %dma_start3A_276 = tpu.memref_slice %arg5[%dma_start3A_275, %multiple_of3A_274] : memref<64x1000000xf32, #tpu.memory_space<hbm>> -> memref<64x128xf32, #tpu.memory_space<hbm>>
      %dma_start3A_277 = arith.constant 0 : i32
      %dma_start3A_278 = tpu.memref_slice %arg5[%dma_start3A_277, %multiple_of3A_274] : memref<64x1000000xf32, #tpu.memory_space<hbm>> -> memref<64x128xf32, #tpu.memory_space<hbm>>
      tpu.enqueue_dma source(%dma_start3A_278 : memref<64x128xf32, #tpu.memory_space<hbm>>) target(%arg13 : memref<64x128xf32, #tpu.memory_space<vmem>>) target_semaphore(%arg17 : memref<!tpu.dma_semaphore, #tpu.memory_space<semaphore_mem>>)
      %dma_wait3A_279 = arith.constant 0 : i32
      %dma_wait3A_280 = arith.constant 0 : i32
      %dma_wait3A_281 = tpu.memref_slice %arg5[%dma_wait3A_279, %dma_wait3A_280] : memref<64x1000000xf32, #tpu.memory_space<hbm>> -> memref<64x128xf32, #tpu.memory_space<hbm>>
      %dma_wait3A_282 = arith.constant 0 : i32
      %dma_wait3A_283 = arith.constant 0 : i32
      %dma_wait3A_284 = tpu.memref_slice %arg5[%dma_wait3A_282, %dma_wait3A_283] : memref<64x1000000xf32, #tpu.memory_space<hbm>> -> memref<64x128xf32, #tpu.memory_space<hbm>>
      tpu.wait_dma2 semaphore(%arg18 : memref<!tpu.dma_semaphore, #tpu.memory_space<semaphore_mem>>) src(%dma_wait3A_284 : memref<64x128xf32, #tpu.memory_space<hbm>>) dst(%arg14 : memref<64x128xf32, #tpu.memory_space<vmem>>)
      %slice3A_285 = vector.extract_strided_slice %get3A_83 {offsets = [3], sizes = [1], strides = [1]} : vector<16xi32> to vector<1xi32>
      %squeeze3A_286 = vector.extract %slice3A_285[0] : i32 from vector<1xi32>
      %and3A_287 = arith.constant 127 : i32
      %and3A_288 = arith.andi %squeeze3A_286, %and3A_287 : i32
      %broadcast_in_dim3A_289 = vector.broadcast %and3A_288 : i32 to vector<16xi32>
      %iota3A_290 = tpu.iota {dimensions = array<i32: 0>} : vector<16xi32>
      %add3A_291 = arith.constant 0 : i32
      %add3A_292 = vector.broadcast %add3A_291 : i32 to vector<16xi32>
      %add3A_293 = arith.addi %iota3A_290, %add3A_292 : vector<16xi32>
      %gather3A_294 = tpu.vector_load_idx %arg14[%add3A_293, %broadcast_in_dim3A_289] : memref<64x128xf32, #tpu.memory_space<vmem>>[vector<16xi32>, vector<16xi32>], vector<16xf32>,
      %add3A_295 = arith.constant 3 : i32
      %add3A_296 = arith.addi %multiple_of3A_81, %add3A_295 : i32
      %swap3A_297 = arith.index_cast %add3A_296 : i32 to index
      %swap3A_298 = arith.constant 0 : index
      %swap3A_299 = tpu.vector_load %arg10[%swap3A_297, %swap3A_298] {strides = array<i32>} : memref<512x64xf32, #tpu.memory_space<vmem>>, vector<16xf32>,
      tpu.vector_store %arg10[%swap3A_297, %swap3A_298], %gather3A_294 {strides = array<i32>} : memref<512x64xf32, #tpu.memory_space<vmem>>, vector<16xf32>,
      %iota3A_300 = tpu.iota {dimensions = array<i32: 0>} : vector<16xi32>
      %add3A_301 = arith.constant 16 : i32
      %add3A_302 = vector.broadcast %add3A_301 : i32 to vector<16xi32>
      %add3A_303 = arith.addi %iota3A_300, %add3A_302 : vector<16xi32>
      %gather3A_304 = tpu.vector_load_idx %arg14[%add3A_303, %broadcast_in_dim3A_289] : memref<64x128xf32, #tpu.memory_space<vmem>>[vector<16xi32>, vector<16xi32>], vector<16xf32>,
      %add3A_305 = arith.constant 3 : i32
      %add3A_306 = arith.addi %multiple_of3A_81, %add3A_305 : i32
      %swap3A_307 = arith.index_cast %add3A_306 : i32 to index
      %swap3A_308 = arith.constant 16 : index
      %swap3A_309 = tpu.vector_load %arg10[%swap3A_307, %swap3A_308] {strides = array<i32>} : memref<512x64xf32, #tpu.memory_space<vmem>>, vector<16xf32>,
      tpu.vector_store %arg10[%swap3A_307, %swap3A_308], %gather3A_304 {strides = array<i32>} : memref<512x64xf32, #tpu.memory_space<vmem>>, vector<16xf32>,
      %iota3A_310 = tpu.iota {dimensions = array<i32: 0>} : vector<16xi32>
      %add3A_311 = arith.constant 32 : i32
      %add3A_312 = vector.broadcast %add3A_311 : i32 to vector<16xi32>
      %add3A_313 = arith.addi %iota3A_310, %add3A_312 : vector<16xi32>
      %gather3A_314 = tpu.vector_load_idx %arg14[%add3A_313, %broadcast_in_dim3A_289] : memref<64x128xf32, #tpu.memory_space<vmem>>[vector<16xi32>, vector<16xi32>], vector<16xf32>,
      %add3A_315 = arith.constant 3 : i32
      %add3A_316 = arith.addi %multiple_of3A_81, %add3A_315 : i32
      %swap3A_317 = arith.index_cast %add3A_316 : i32 to index
      %swap3A_318 = arith.constant 32 : index
      %swap3A_319 = tpu.vector_load %arg10[%swap3A_317, %swap3A_318] {strides = array<i32>} : memref<512x64xf32, #tpu.memory_space<vmem>>, vector<16xf32>,
      tpu.vector_store %arg10[%swap3A_317, %swap3A_318], %gather3A_314 {strides = array<i32>} : memref<512x64xf32, #tpu.memory_space<vmem>>, vector<16xf32>,
      %iota3A_320 = tpu.iota {dimensions = array<i32: 0>} : vector<16xi32>
      %add3A_321 = arith.constant 48 : i32
      %add3A_322 = vector.broadcast %add3A_321 : i32 to vector<16xi32>
      %add3A_323 = arith.addi %iota3A_320, %add3A_322 : vector<16xi32>
      %gather3A_324 = tpu.vector_load_idx %arg14[%add3A_323, %broadcast_in_dim3A_289] : memref<64x128xf32, #tpu.memory_space<vmem>>[vector<16xi32>, vector<16xi32>], vector<16xf32>,
      %add3A_325 = arith.constant 3 : i32
      %add3A_326 = arith.addi %multiple_of3A_81, %add3A_325 : i32
      %swap3A_327 = arith.index_cast %add3A_326 : i32 to index
      %swap3A_328 = arith.constant 48 : index
      %swap3A_329 = tpu.vector_load %arg10[%swap3A_327, %swap3A_328] {strides = array<i32>} : memref<512x64xf32, #tpu.memory_space<vmem>>, vector<16xf32>,
      tpu.vector_store %arg10[%swap3A_327, %swap3A_328], %gather3A_324 {strides = array<i32>} : memref<512x64xf32, #tpu.memory_space<vmem>>, vector<16xf32>,
      %slice3A_330 = vector.extract_strided_slice %get3A_83 {offsets = [7], sizes = [1], strides = [1]} : vector<16xi32> to vector<1xi32>
      %squeeze3A_331 = vector.extract %slice3A_330[0] : i32 from vector<1xi32>
      %shift_right_arithmetic3A_332 = arith.constant 7 : i32
      %shift_right_arithmetic3A_333 = arith.shrsi %squeeze3A_331, %shift_right_arithmetic3A_332 : i32
      %mul3A_334 = arith.constant 128 : i32
      %mul3A_335 = arith.muli %shift_right_arithmetic3A_333, %mul3A_334 : i32
      %multiple_of3A_336 = tpu.assume_multiple %mul3A_335, 128 : i32
      %dma_start3A_337 = arith.constant 0 : i32
      %dma_start3A_338 = tpu.memref_slice %arg5[%dma_start3A_337, %multiple_of3A_336] : memref<64x1000000xf32, #tpu.memory_space<hbm>> -> memref<64x128xf32, #tpu.memory_space<hbm>>
      %dma_start3A_339 = arith.constant 0 : i32
      %dma_start3A_340 = tpu.memref_slice %arg5[%dma_start3A_339, %multiple_of3A_336] : memref<64x1000000xf32, #tpu.memory_space<hbm>> -> memref<64x128xf32, #tpu.memory_space<hbm>>
      tpu.enqueue_dma source(%dma_start3A_340 : memref<64x128xf32, #tpu.memory_space<hbm>>) target(%arg14 : memref<64x128xf32, #tpu.memory_space<vmem>>) target_semaphore(%arg18 : memref<!tpu.dma_semaphore, #tpu.memory_space<semaphore_mem>>)
      %dma_wait3A_341 = arith.constant 0 : i32
      %dma_wait3A_342 = arith.constant 0 : i32
      %dma_wait3A_343 = tpu.memref_slice %arg5[%dma_wait3A_341, %dma_wait3A_342] : memref<64x1000000xf32, #tpu.memory_space<hbm>> -> memref<64x128xf32, #tpu.memory_space<hbm>>
      %dma_wait3A_344 = arith.constant 0 : i32
      %dma_wait3A_345 = arith.constant 0 : i32
      %dma_wait3A_346 = tpu.memref_slice %arg5[%dma_wait3A_344, %dma_wait3A_345] : memref<64x1000000xf32, #tpu.memory_space<hbm>> -> memref<64x128xf32, #tpu.memory_space<hbm>>
      tpu.wait_dma2 semaphore(%arg15 : memref<!tpu.dma_semaphore, #tpu.memory_space<semaphore_mem>>) src(%dma_wait3A_346 : memref<64x128xf32, #tpu.memory_space<hbm>>) dst(%arg11 : memref<64x128xf32, #tpu.memory_space<vmem>>)
      %slice3A_347 = vector.extract_strided_slice %get3A_83 {offsets = [4], sizes = [1], strides = [1]} : vector<16xi32> to vector<1xi32>
      %squeeze3A_348 = vector.extract %slice3A_347[0] : i32 from vector<1xi32>
      %and3A_349 = arith.constant 127 : i32
      %and3A_350 = arith.andi %squeeze3A_348, %and3A_349 : i32
      %broadcast_in_dim3A_351 = vector.broadcast %and3A_350 : i32 to vector<16xi32>
      %iota3A_352 = tpu.iota {dimensions = array<i32: 0>} : vector<16xi32>
      %add3A_353 = arith.constant 0 : i32
      %add3A_354 = vector.broadcast %add3A_353 : i32 to vector<16xi32>
      %add3A_355 = arith.addi %iota3A_352, %add3A_354 : vector<16xi32>
      %gather3A_356 = tpu.vector_load_idx %arg11[%add3A_355, %broadcast_in_dim3A_351] : memref<64x128xf32, #tpu.memory_space<vmem>>[vector<16xi32>, vector<16xi32>], vector<16xf32>,
      %add3A_357 = arith.constant 4 : i32
      %add3A_358 = arith.addi %multiple_of3A_81, %add3A_357 : i32
      %swap3A_359 = arith.index_cast %add3A_358 : i32 to index
      %swap3A_360 = arith.constant 0 : index
      %swap3A_361 = tpu.vector_load %arg10[%swap3A_359, %swap3A_360] {strides = array<i32>} : memref<512x64xf32, #tpu.memory_space<vmem>>, vector<16xf32>,
      tpu.vector_store %arg10[%swap3A_359, %swap3A_360], %gather3A_356 {strides = array<i32>} : memref<512x64xf32, #tpu.memory_space<vmem>>, vector<16xf32>,
      %iota3A_362 = tpu.iota {dimensions = array<i32: 0>} : vector<16xi32>
      %add3A_363 = arith.constant 16 : i32
      %add3A_364 = vector.broadcast %add3A_363 : i32 to vector<16xi32>
      %add3A_365 = arith.addi %iota3A_362, %add3A_364 : vector<16xi32>
      %gather3A_366 = tpu.vector_load_idx %arg11[%add3A_365, %broadcast_in_dim3A_351] : memref<64x128xf32, #tpu.memory_space<vmem>>[vector<16xi32>, vector<16xi32>], vector<16xf32>,
      %add3A_367 = arith.constant 4 : i32
      %add3A_368 = arith.addi %multiple_of3A_81, %add3A_367 : i32
      %swap3A_369 = arith.index_cast %add3A_368 : i32 to index
      %swap3A_370 = arith.constant 16 : index
      %swap3A_371 = tpu.vector_load %arg10[%swap3A_369, %swap3A_370] {strides = array<i32>} : memref<512x64xf32, #tpu.memory_space<vmem>>, vector<16xf32>,
      tpu.vector_store %arg10[%swap3A_369, %swap3A_370], %gather3A_366 {strides = array<i32>} : memref<512x64xf32, #tpu.memory_space<vmem>>, vector<16xf32>,
      %iota3A_372 = tpu.iota {dimensions = array<i32: 0>} : vector<16xi32>
      %add3A_373 = arith.constant 32 : i32
      %add3A_374 = vector.broadcast %add3A_373 : i32 to vector<16xi32>
      %add3A_375 = arith.addi %iota3A_372, %add3A_374 : vector<16xi32>
      %gather3A_376 = tpu.vector_load_idx %arg11[%add3A_375, %broadcast_in_dim3A_351] : memref<64x128xf32, #tpu.memory_space<vmem>>[vector<16xi32>, vector<16xi32>], vector<16xf32>,
      %add3A_377 = arith.constant 4 : i32
      %add3A_378 = arith.addi %multiple_of3A_81, %add3A_377 : i32
      %swap3A_379 = arith.index_cast %add3A_378 : i32 to index
      %swap3A_380 = arith.constant 32 : index
      %swap3A_381 = tpu.vector_load %arg10[%swap3A_379, %swap3A_380] {strides = array<i32>} : memref<512x64xf32, #tpu.memory_space<vmem>>, vector<16xf32>,
      tpu.vector_store %arg10[%swap3A_379, %swap3A_380], %gather3A_376 {strides = array<i32>} : memref<512x64xf32, #tpu.memory_space<vmem>>, vector<16xf32>,
      %iota3A_382 = tpu.iota {dimensions = array<i32: 0>} : vector<16xi32>
      %add3A_383 = arith.constant 48 : i32
      %add3A_384 = vector.broadcast %add3A_383 : i32 to vector<16xi32>
      %add3A_385 = arith.addi %iota3A_382, %add3A_384 : vector<16xi32>
      %gather3A_386 = tpu.vector_load_idx %arg11[%add3A_385, %broadcast_in_dim3A_351] : memref<64x128xf32, #tpu.memory_space<vmem>>[vector<16xi32>, vector<16xi32>], vector<16xf32>,
      %add3A_387 = arith.constant 4 : i32
      %add3A_388 = arith.addi %multiple_of3A_81, %add3A_387 : i32
      %swap3A_389 = arith.index_cast %add3A_388 : i32 to index
      %swap3A_390 = arith.constant 48 : index
      %swap3A_391 = tpu.vector_load %arg10[%swap3A_389, %swap3A_390] {strides = array<i32>} : memref<512x64xf32, #tpu.memory_space<vmem>>, vector<16xf32>,
      tpu.vector_store %arg10[%swap3A_389, %swap3A_390], %gather3A_386 {strides = array<i32>} : memref<512x64xf32, #tpu.memory_space<vmem>>, vector<16xf32>,
      %slice3A_392 = vector.extract_strided_slice %get3A_83 {offsets = [8], sizes = [1], strides = [1]} : vector<16xi32> to vector<1xi32>
      %squeeze3A_393 = vector.extract %slice3A_392[0] : i32 from vector<1xi32>
      %shift_right_arithmetic3A_394 = arith.constant 7 : i32
      %shift_right_arithmetic3A_395 = arith.shrsi %squeeze3A_393, %shift_right_arithmetic3A_394 : i32
      %mul3A_396 = arith.constant 128 : i32
      %mul3A_397 = arith.muli %shift_right_arithmetic3A_395, %mul3A_396 : i32
      %multiple_of3A_398 = tpu.assume_multiple %mul3A_397, 128 : i32
      %dma_start3A_399 = arith.constant 0 : i32
      %dma_start3A_400 = tpu.memref_slice %arg5[%dma_start3A_399, %multiple_of3A_398] : memref<64x1000000xf32, #tpu.memory_space<hbm>> -> memref<64x128xf32, #tpu.memory_space<hbm>>
      %dma_start3A_401 = arith.constant 0 : i32
      %dma_start3A_402 = tpu.memref_slice %arg5[%dma_start3A_401, %multiple_of3A_398] : memref<64x1000000xf32, #tpu.memory_space<hbm>> -> memref<64x128xf32, #tpu.memory_space<hbm>>
      tpu.enqueue_dma source(%dma_start3A_402 : memref<64x128xf32, #tpu.memory_space<hbm>>) target(%arg11 : memref<64x128xf32, #tpu.memory_space<vmem>>) target_semaphore(%arg15 : memref<!tpu.dma_semaphore, #tpu.memory_space<semaphore_mem>>)
      %dma_wait3A_403 = arith.constant 0 : i32
      %dma_wait3A_404 = arith.constant 0 : i32
      %dma_wait3A_405 = tpu.memref_slice %arg5[%dma_wait3A_403, %dma_wait3A_404] : memref<64x1000000xf32, #tpu.memory_space<hbm>> -> memref<64x128xf32, #tpu.memory_space<hbm>>
      %dma_wait3A_406 = arith.constant 0 : i32
      %dma_wait3A_407 = arith.constant 0 : i32
      %dma_wait3A_408 = tpu.memref_slice %arg5[%dma_wait3A_406, %dma_wait3A_407] : memref<64x1000000xf32, #tpu.memory_space<hbm>> -> memref<64x128xf32, #tpu.memory_space<hbm>>
      tpu.wait_dma2 semaphore(%arg16 : memref<!tpu.dma_semaphore, #tpu.memory_space<semaphore_mem>>) src(%dma_wait3A_408 : memref<64x128xf32, #tpu.memory_space<hbm>>) dst(%arg12 : memref<64x128xf32, #tpu.memory_space<vmem>>)
      %slice3A_409 = vector.extract_strided_slice %get3A_83 {offsets = [5], sizes = [1], strides = [1]} : vector<16xi32> to vector<1xi32>
      %squeeze3A_410 = vector.extract %slice3A_409[0] : i32 from vector<1xi32>
      %and3A_411 = arith.constant 127 : i32
      %and3A_412 = arith.andi %squeeze3A_410, %and3A_411 : i32
      %broadcast_in_dim3A_413 = vector.broadcast %and3A_412 : i32 to vector<16xi32>
      %iota3A_414 = tpu.iota {dimensions = array<i32: 0>} : vector<16xi32>
      %add3A_415 = arith.constant 0 : i32
      %add3A_416 = vector.broadcast %add3A_415 : i32 to vector<16xi32>
      %add3A_417 = arith.addi %iota3A_414, %add3A_416 : vector<16xi32>
      %gather3A_418 = tpu.vector_load_idx %arg12[%add3A_417, %broadcast_in_dim3A_413] : memref<64x128xf32, #tpu.memory_space<vmem>>[vector<16xi32>, vector<16xi32>], vector<16xf32>,
      %add3A_419 = arith.constant 5 : i32
      %add3A_420 = arith.addi %multiple_of3A_81, %add3A_419 : i32
      %swap3A_421 = arith.index_cast %add3A_420 : i32 to index
      %swap3A_422 = arith.constant 0 : index
      %swap3A_423 = tpu.vector_load %arg10[%swap3A_421, %swap3A_422] {strides = array<i32>} : memref<512x64xf32, #tpu.memory_space<vmem>>, vector<16xf32>,
      tpu.vector_store %arg10[%swap3A_421, %swap3A_422], %gather3A_418 {strides = array<i32>} : memref<512x64xf32, #tpu.memory_space<vmem>>, vector<16xf32>,
      %iota3A_424 = tpu.iota {dimensions = array<i32: 0>} : vector<16xi32>
      %add3A_425 = arith.constant 16 : i32
      %add3A_426 = vector.broadcast %add3A_425 : i32 to vector<16xi32>
      %add3A_427 = arith.addi %iota3A_424, %add3A_426 : vector<16xi32>
      %gather3A_428 = tpu.vector_load_idx %arg12[%add3A_427, %broadcast_in_dim3A_413] : memref<64x128xf32, #tpu.memory_space<vmem>>[vector<16xi32>, vector<16xi32>], vector<16xf32>,
      %add3A_429 = arith.constant 5 : i32
      %add3A_430 = arith.addi %multiple_of3A_81, %add3A_429 : i32
      %swap3A_431 = arith.index_cast %add3A_430 : i32 to index
      %swap3A_432 = arith.constant 16 : index
      %swap3A_433 = tpu.vector_load %arg10[%swap3A_431, %swap3A_432] {strides = array<i32>} : memref<512x64xf32, #tpu.memory_space<vmem>>, vector<16xf32>,
      tpu.vector_store %arg10[%swap3A_431, %swap3A_432], %gather3A_428 {strides = array<i32>} : memref<512x64xf32, #tpu.memory_space<vmem>>, vector<16xf32>,
      %iota3A_434 = tpu.iota {dimensions = array<i32: 0>} : vector<16xi32>
      %add3A_435 = arith.constant 32 : i32
      %add3A_436 = vector.broadcast %add3A_435 : i32 to vector<16xi32>
      %add3A_437 = arith.addi %iota3A_434, %add3A_436 : vector<16xi32>
      %gather3A_438 = tpu.vector_load_idx %arg12[%add3A_437, %broadcast_in_dim3A_413] : memref<64x128xf32, #tpu.memory_space<vmem>>[vector<16xi32>, vector<16xi32>], vector<16xf32>,
      %add3A_439 = arith.constant 5 : i32
      %add3A_440 = arith.addi %multiple_of3A_81, %add3A_439 : i32
      %swap3A_441 = arith.index_cast %add3A_440 : i32 to index
      %swap3A_442 = arith.constant 32 : index
      %swap3A_443 = tpu.vector_load %arg10[%swap3A_441, %swap3A_442] {strides = array<i32>} : memref<512x64xf32, #tpu.memory_space<vmem>>, vector<16xf32>,
      tpu.vector_store %arg10[%swap3A_441, %swap3A_442], %gather3A_438 {strides = array<i32>} : memref<512x64xf32, #tpu.memory_space<vmem>>, vector<16xf32>,
      %iota3A_444 = tpu.iota {dimensions = array<i32: 0>} : vector<16xi32>
      %add3A_445 = arith.constant 48 : i32
      %add3A_446 = vector.broadcast %add3A_445 : i32 to vector<16xi32>
      %add3A_447 = arith.addi %iota3A_444, %add3A_446 : vector<16xi32>
      %gather3A_448 = tpu.vector_load_idx %arg12[%add3A_447, %broadcast_in_dim3A_413] : memref<64x128xf32, #tpu.memory_space<vmem>>[vector<16xi32>, vector<16xi32>], vector<16xf32>,
      %add3A_449 = arith.constant 5 : i32
      %add3A_450 = arith.addi %multiple_of3A_81, %add3A_449 : i32
      %swap3A_451 = arith.index_cast %add3A_450 : i32 to index
      %swap3A_452 = arith.constant 48 : index
      %swap3A_453 = tpu.vector_load %arg10[%swap3A_451, %swap3A_452] {strides = array<i32>} : memref<512x64xf32, #tpu.memory_space<vmem>>, vector<16xf32>,
      tpu.vector_store %arg10[%swap3A_451, %swap3A_452], %gather3A_448 {strides = array<i32>} : memref<512x64xf32, #tpu.memory_space<vmem>>, vector<16xf32>,
      %slice3A_454 = vector.extract_strided_slice %get3A_83 {offsets = [9], sizes = [1], strides = [1]} : vector<16xi32> to vector<1xi32>
      %squeeze3A_455 = vector.extract %slice3A_454[0] : i32 from vector<1xi32>
      %shift_right_arithmetic3A_456 = arith.constant 7 : i32
      %shift_right_arithmetic3A_457 = arith.shrsi %squeeze3A_455, %shift_right_arithmetic3A_456 : i32
      %mul3A_458 = arith.constant 128 : i32
      %mul3A_459 = arith.muli %shift_right_arithmetic3A_457, %mul3A_458 : i32
      %multiple_of3A_460 = tpu.assume_multiple %mul3A_459, 128 : i32
      %dma_start3A_461 = arith.constant 0 : i32
      %dma_start3A_462 = tpu.memref_slice %arg5[%dma_start3A_461, %multiple_of3A_460] : memref<64x1000000xf32, #tpu.memory_space<hbm>> -> memref<64x128xf32, #tpu.memory_space<hbm>>
      %dma_start3A_463 = arith.constant 0 : i32
      %dma_start3A_464 = tpu.memref_slice %arg5[%dma_start3A_463, %multiple_of3A_460] : memref<64x1000000xf32, #tpu.memory_space<hbm>> -> memref<64x128xf32, #tpu.memory_space<hbm>>
      tpu.enqueue_dma source(%dma_start3A_464 : memref<64x128xf32, #tpu.memory_space<hbm>>) target(%arg12 : memref<64x128xf32, #tpu.memory_space<vmem>>) target_semaphore(%arg16 : memref<!tpu.dma_semaphore, #tpu.memory_space<semaphore_mem>>)
      %dma_wait3A_465 = arith.constant 0 : i32
      %dma_wait3A_466 = arith.constant 0 : i32
      %dma_wait3A_467 = tpu.memref_slice %arg5[%dma_wait3A_465, %dma_wait3A_466] : memref<64x1000000xf32, #tpu.memory_space<hbm>> -> memref<64x128xf32, #tpu.memory_space<hbm>>
      %dma_wait3A_468 = arith.constant 0 : i32
      %dma_wait3A_469 = arith.constant 0 : i32
      %dma_wait3A_470 = tpu.memref_slice %arg5[%dma_wait3A_468, %dma_wait3A_469] : memref<64x1000000xf32, #tpu.memory_space<hbm>> -> memref<64x128xf32, #tpu.memory_space<hbm>>
      tpu.wait_dma2 semaphore(%arg17 : memref<!tpu.dma_semaphore, #tpu.memory_space<semaphore_mem>>) src(%dma_wait3A_470 : memref<64x128xf32, #tpu.memory_space<hbm>>) dst(%arg13 : memref<64x128xf32, #tpu.memory_space<vmem>>)
      %slice3A_471 = vector.extract_strided_slice %get3A_83 {offsets = [6], sizes = [1], strides = [1]} : vector<16xi32> to vector<1xi32>
      %squeeze3A_472 = vector.extract %slice3A_471[0] : i32 from vector<1xi32>
      %and3A_473 = arith.constant 127 : i32
      %and3A_474 = arith.andi %squeeze3A_472, %and3A_473 : i32
      %broadcast_in_dim3A_475 = vector.broadcast %and3A_474 : i32 to vector<16xi32>
      %iota3A_476 = tpu.iota {dimensions = array<i32: 0>} : vector<16xi32>
      %add3A_477 = arith.constant 0 : i32
      %add3A_478 = vector.broadcast %add3A_477 : i32 to vector<16xi32>
      %add3A_479 = arith.addi %iota3A_476, %add3A_478 : vector<16xi32>
      %gather3A_480 = tpu.vector_load_idx %arg13[%add3A_479, %broadcast_in_dim3A_475] : memref<64x128xf32, #tpu.memory_space<vmem>>[vector<16xi32>, vector<16xi32>], vector<16xf32>,
      %add3A_481 = arith.constant 6 : i32
      %add3A_482 = arith.addi %multiple_of3A_81, %add3A_481 : i32
      %swap3A_483 = arith.index_cast %add3A_482 : i32 to index
      %swap3A_484 = arith.constant 0 : index
      %swap3A_485 = tpu.vector_load %arg10[%swap3A_483, %swap3A_484] {strides = array<i32>} : memref<512x64xf32, #tpu.memory_space<vmem>>, vector<16xf32>,
      tpu.vector_store %arg10[%swap3A_483, %swap3A_484], %gather3A_480 {strides = array<i32>} : memref<512x64xf32, #tpu.memory_space<vmem>>, vector<16xf32>,
      %iota3A_486 = tpu.iota {dimensions = array<i32: 0>} : vector<16xi32>
      %add3A_487 = arith.constant 16 : i32
      %add3A_488 = vector.broadcast %add3A_487 : i32 to vector<16xi32>
      %add3A_489 = arith.addi %iota3A_486, %add3A_488 : vector<16xi32>
      %gather3A_490 = tpu.vector_load_idx %arg13[%add3A_489, %broadcast_in_dim3A_475] : memref<64x128xf32, #tpu.memory_space<vmem>>[vector<16xi32>, vector<16xi32>], vector<16xf32>,
      %add3A_491 = arith.constant 6 : i32
      %add3A_492 = arith.addi %multiple_of3A_81, %add3A_491 : i32
      %swap3A_493 = arith.index_cast %add3A_492 : i32 to index
      %swap3A_494 = arith.constant 16 : index
      %swap3A_495 = tpu.vector_load %arg10[%swap3A_493, %swap3A_494] {strides = array<i32>} : memref<512x64xf32, #tpu.memory_space<vmem>>, vector<16xf32>,
      tpu.vector_store %arg10[%swap3A_493, %swap3A_494], %gather3A_490 {strides = array<i32>} : memref<512x64xf32, #tpu.memory_space<vmem>>, vector<16xf32>,
      %iota3A_496 = tpu.iota {dimensions = array<i32: 0>} : vector<16xi32>
      %add3A_497 = arith.constant 32 : i32
      %add3A_498 = vector.broadcast %add3A_497 : i32 to vector<16xi32>
      %add3A_499 = arith.addi %iota3A_496, %add3A_498 : vector<16xi32>
      %gather3A_500 = tpu.vector_load_idx %arg13[%add3A_499, %broadcast_in_dim3A_475] : memref<64x128xf32, #tpu.memory_space<vmem>>[vector<16xi32>, vector<16xi32>], vector<16xf32>,
      %add3A_501 = arith.constant 6 : i32
      %add3A_502 = arith.addi %multiple_of3A_81, %add3A_501 : i32
      %swap3A_503 = arith.index_cast %add3A_502 : i32 to index
      %swap3A_504 = arith.constant 32 : index
      %swap3A_505 = tpu.vector_load %arg10[%swap3A_503, %swap3A_504] {strides = array<i32>} : memref<512x64xf32, #tpu.memory_space<vmem>>, vector<16xf32>,
      tpu.vector_store %arg10[%swap3A_503, %swap3A_504], %gather3A_500 {strides = array<i32>} : memref<512x64xf32, #tpu.memory_space<vmem>>, vector<16xf32>,
      %iota3A_506 = tpu.iota {dimensions = array<i32: 0>} : vector<16xi32>
      %add3A_507 = arith.constant 48 : i32
      %add3A_508 = vector.broadcast %add3A_507 : i32 to vector<16xi32>
      %add3A_509 = arith.addi %iota3A_506, %add3A_508 : vector<16xi32>
      %gather3A_510 = tpu.vector_load_idx %arg13[%add3A_509, %broadcast_in_dim3A_475] : memref<64x128xf32, #tpu.memory_space<vmem>>[vector<16xi32>, vector<16xi32>], vector<16xf32>,
      %add3A_511 = arith.constant 6 : i32
      %add3A_512 = arith.addi %multiple_of3A_81, %add3A_511 : i32
      %swap3A_513 = arith.index_cast %add3A_512 : i32 to index
      %swap3A_514 = arith.constant 48 : index
      %swap3A_515 = tpu.vector_load %arg10[%swap3A_513, %swap3A_514] {strides = array<i32>} : memref<512x64xf32, #tpu.memory_space<vmem>>, vector<16xf32>,
      tpu.vector_store %arg10[%swap3A_513, %swap3A_514], %gather3A_510 {strides = array<i32>} : memref<512x64xf32, #tpu.memory_space<vmem>>, vector<16xf32>,
      %slice3A_516 = vector.extract_strided_slice %get3A_83 {offsets = [10], sizes = [1], strides = [1]} : vector<16xi32> to vector<1xi32>
      %squeeze3A_517 = vector.extract %slice3A_516[0] : i32 from vector<1xi32>
      %shift_right_arithmetic3A_518 = arith.constant 7 : i32
      %shift_right_arithmetic3A_519 = arith.shrsi %squeeze3A_517, %shift_right_arithmetic3A_518 : i32
      %mul3A_520 = arith.constant 128 : i32
      %mul3A_521 = arith.muli %shift_right_arithmetic3A_519, %mul3A_520 : i32
      %multiple_of3A_522 = tpu.assume_multiple %mul3A_521, 128 : i32
      %dma_start3A_523 = arith.constant 0 : i32
      %dma_start3A_524 = tpu.memref_slice %arg5[%dma_start3A_523, %multiple_of3A_522] : memref<64x1000000xf32, #tpu.memory_space<hbm>> -> memref<64x128xf32, #tpu.memory_space<hbm>>
      %dma_start3A_525 = arith.constant 0 : i32
      %dma_start3A_526 = tpu.memref_slice %arg5[%dma_start3A_525, %multiple_of3A_522] : memref<64x1000000xf32, #tpu.memory_space<hbm>> -> memref<64x128xf32, #tpu.memory_space<hbm>>
      tpu.enqueue_dma source(%dma_start3A_526 : memref<64x128xf32, #tpu.memory_space<hbm>>) target(%arg13 : memref<64x128xf32, #tpu.memory_space<vmem>>) target_semaphore(%arg17 : memref<!tpu.dma_semaphore, #tpu.memory_space<semaphore_mem>>)
      %dma_wait3A_527 = arith.constant 0 : i32
      %dma_wait3A_528 = arith.constant 0 : i32
      %dma_wait3A_529 = tpu.memref_slice %arg5[%dma_wait3A_527, %dma_wait3A_528] : memref<64x1000000xf32, #tpu.memory_space<hbm>> -> memref<64x128xf32, #tpu.memory_space<hbm>>
      %dma_wait3A_530 = arith.constant 0 : i32
      %dma_wait3A_531 = arith.constant 0 : i32
      %dma_wait3A_532 = tpu.memref_slice %arg5[%dma_wait3A_530, %dma_wait3A_531] : memref<64x1000000xf32, #tpu.memory_space<hbm>> -> memref<64x128xf32, #tpu.memory_space<hbm>>
      tpu.wait_dma2 semaphore(%arg18 : memref<!tpu.dma_semaphore, #tpu.memory_space<semaphore_mem>>) src(%dma_wait3A_532 : memref<64x128xf32, #tpu.memory_space<hbm>>) dst(%arg14 : memref<64x128xf32, #tpu.memory_space<vmem>>)
      %slice3A_533 = vector.extract_strided_slice %get3A_83 {offsets = [7], sizes = [1], strides = [1]} : vector<16xi32> to vector<1xi32>
      %squeeze3A_534 = vector.extract %slice3A_533[0] : i32 from vector<1xi32>
      %and3A_535 = arith.constant 127 : i32
      %and3A_536 = arith.andi %squeeze3A_534, %and3A_535 : i32
      %broadcast_in_dim3A_537 = vector.broadcast %and3A_536 : i32 to vector<16xi32>
      %iota3A_538 = tpu.iota {dimensions = array<i32: 0>} : vector<16xi32>
      %add3A_539 = arith.constant 0 : i32
      %add3A_540 = vector.broadcast %add3A_539 : i32 to vector<16xi32>
      %add3A_541 = arith.addi %iota3A_538, %add3A_540 : vector<16xi32>
      %gather3A_542 = tpu.vector_load_idx %arg14[%add3A_541, %broadcast_in_dim3A_537] : memref<64x128xf32, #tpu.memory_space<vmem>>[vector<16xi32>, vector<16xi32>], vector<16xf32>,
      %add3A_543 = arith.constant 7 : i32
      %add3A_544 = arith.addi %multiple_of3A_81, %add3A_543 : i32
      %swap3A_545 = arith.index_cast %add3A_544 : i32 to index
      %swap3A_546 = arith.constant 0 : index
      %swap3A_547 = tpu.vector_load %arg10[%swap3A_545, %swap3A_546] {strides = array<i32>} : memref<512x64xf32, #tpu.memory_space<vmem>>, vector<16xf32>,
      tpu.vector_store %arg10[%swap3A_545, %swap3A_546], %gather3A_542 {strides = array<i32>} : memref<512x64xf32, #tpu.memory_space<vmem>>, vector<16xf32>,
      %iota3A_548 = tpu.iota {dimensions = array<i32: 0>} : vector<16xi32>
      %add3A_549 = arith.constant 16 : i32
      %add3A_550 = vector.broadcast %add3A_549 : i32 to vector<16xi32>
      %add3A_551 = arith.addi %iota3A_548, %add3A_550 : vector<16xi32>
      %gather3A_552 = tpu.vector_load_idx %arg14[%add3A_551, %broadcast_in_dim3A_537] : memref<64x128xf32, #tpu.memory_space<vmem>>[vector<16xi32>, vector<16xi32>], vector<16xf32>,
      %add3A_553 = arith.constant 7 : i32
      %add3A_554 = arith.addi %multiple_of3A_81, %add3A_553 : i32
      %swap3A_555 = arith.index_cast %add3A_554 : i32 to index
      %swap3A_556 = arith.constant 16 : index
      %swap3A_557 = tpu.vector_load %arg10[%swap3A_555, %swap3A_556] {strides = array<i32>} : memref<512x64xf32, #tpu.memory_space<vmem>>, vector<16xf32>,
      tpu.vector_store %arg10[%swap3A_555, %swap3A_556], %gather3A_552 {strides = array<i32>} : memref<512x64xf32, #tpu.memory_space<vmem>>, vector<16xf32>,
      %iota3A_558 = tpu.iota {dimensions = array<i32: 0>} : vector<16xi32>
      %add3A_559 = arith.constant 32 : i32
      %add3A_560 = vector.broadcast %add3A_559 : i32 to vector<16xi32>
      %add3A_561 = arith.addi %iota3A_558, %add3A_560 : vector<16xi32>
      %gather3A_562 = tpu.vector_load_idx %arg14[%add3A_561, %broadcast_in_dim3A_537] : memref<64x128xf32, #tpu.memory_space<vmem>>[vector<16xi32>, vector<16xi32>], vector<16xf32>,
      %add3A_563 = arith.constant 7 : i32
      %add3A_564 = arith.addi %multiple_of3A_81, %add3A_563 : i32
      %swap3A_565 = arith.index_cast %add3A_564 : i32 to index
      %swap3A_566 = arith.constant 32 : index
      %swap3A_567 = tpu.vector_load %arg10[%swap3A_565, %swap3A_566] {strides = array<i32>} : memref<512x64xf32, #tpu.memory_space<vmem>>, vector<16xf32>,
      tpu.vector_store %arg10[%swap3A_565, %swap3A_566], %gather3A_562 {strides = array<i32>} : memref<512x64xf32, #tpu.memory_space<vmem>>, vector<16xf32>,
      %iota3A_568 = tpu.iota {dimensions = array<i32: 0>} : vector<16xi32>
      %add3A_569 = arith.constant 48 : i32
      %add3A_570 = vector.broadcast %add3A_569 : i32 to vector<16xi32>
      %add3A_571 = arith.addi %iota3A_568, %add3A_570 : vector<16xi32>
      %gather3A_572 = tpu.vector_load_idx %arg14[%add3A_571, %broadcast_in_dim3A_537] : memref<64x128xf32, #tpu.memory_space<vmem>>[vector<16xi32>, vector<16xi32>], vector<16xf32>,
      %add3A_573 = arith.constant 7 : i32
      %add3A_574 = arith.addi %multiple_of3A_81, %add3A_573 : i32
      %swap3A_575 = arith.index_cast %add3A_574 : i32 to index
      %swap3A_576 = arith.constant 48 : index
      %swap3A_577 = tpu.vector_load %arg10[%swap3A_575, %swap3A_576] {strides = array<i32>} : memref<512x64xf32, #tpu.memory_space<vmem>>, vector<16xf32>,
      tpu.vector_store %arg10[%swap3A_575, %swap3A_576], %gather3A_572 {strides = array<i32>} : memref<512x64xf32, #tpu.memory_space<vmem>>, vector<16xf32>,
      %slice3A_578 = vector.extract_strided_slice %get3A_83 {offsets = [11], sizes = [1], strides = [1]} : vector<16xi32> to vector<1xi32>
      %squeeze3A_579 = vector.extract %slice3A_578[0] : i32 from vector<1xi32>
      %shift_right_arithmetic3A_580 = arith.constant 7 : i32
      %shift_right_arithmetic3A_581 = arith.shrsi %squeeze3A_579, %shift_right_arithmetic3A_580 : i32
      %mul3A_582 = arith.constant 128 : i32
      %mul3A_583 = arith.muli %shift_right_arithmetic3A_581, %mul3A_582 : i32
      %multiple_of3A_584 = tpu.assume_multiple %mul3A_583, 128 : i32
      %dma_start3A_585 = arith.constant 0 : i32
      %dma_start3A_586 = tpu.memref_slice %arg5[%dma_start3A_585, %multiple_of3A_584] : memref<64x1000000xf32, #tpu.memory_space<hbm>> -> memref<64x128xf32, #tpu.memory_space<hbm>>
      %dma_start3A_587 = arith.constant 0 : i32
      %dma_start3A_588 = tpu.memref_slice %arg5[%dma_start3A_587, %multiple_of3A_584] : memref<64x1000000xf32, #tpu.memory_space<hbm>> -> memref<64x128xf32, #tpu.memory_space<hbm>>
      tpu.enqueue_dma source(%dma_start3A_588 : memref<64x128xf32, #tpu.memory_space<hbm>>) target(%arg14 : memref<64x128xf32, #tpu.memory_space<vmem>>) target_semaphore(%arg18 : memref<!tpu.dma_semaphore, #tpu.memory_space<semaphore_mem>>)
      %dma_wait3A_589 = arith.constant 0 : i32
      %dma_wait3A_590 = arith.constant 0 : i32
      %dma_wait3A_591 = tpu.memref_slice %arg5[%dma_wait3A_589, %dma_wait3A_590] : memref<64x1000000xf32, #tpu.memory_space<hbm>> -> memref<64x128xf32, #tpu.memory_space<hbm>>
      %dma_wait3A_592 = arith.constant 0 : i32
      %dma_wait3A_593 = arith.constant 0 : i32
      %dma_wait3A_594 = tpu.memref_slice %arg5[%dma_wait3A_592, %dma_wait3A_593] : memref<64x1000000xf32, #tpu.memory_space<hbm>> -> memref<64x128xf32, #tpu.memory_space<hbm>>
      tpu.wait_dma2 semaphore(%arg15 : memref<!tpu.dma_semaphore, #tpu.memory_space<semaphore_mem>>) src(%dma_wait3A_594 : memref<64x128xf32, #tpu.memory_space<hbm>>) dst(%arg11 : memref<64x128xf32, #tpu.memory_space<vmem>>)
      %slice3A_595 = vector.extract_strided_slice %get3A_83 {offsets = [8], sizes = [1], strides = [1]} : vector<16xi32> to vector<1xi32>
      %squeeze3A_596 = vector.extract %slice3A_595[0] : i32 from vector<1xi32>
      %and3A_597 = arith.constant 127 : i32
      %and3A_598 = arith.andi %squeeze3A_596, %and3A_597 : i32
      %broadcast_in_dim3A_599 = vector.broadcast %and3A_598 : i32 to vector<16xi32>
      %iota3A_600 = tpu.iota {dimensions = array<i32: 0>} : vector<16xi32>
      %add3A_601 = arith.constant 0 : i32
      %add3A_602 = vector.broadcast %add3A_601 : i32 to vector<16xi32>
      %add3A_603 = arith.addi %iota3A_600, %add3A_602 : vector<16xi32>
      %gather3A_604 = tpu.vector_load_idx %arg11[%add3A_603, %broadcast_in_dim3A_599] : memref<64x128xf32, #tpu.memory_space<vmem>>[vector<16xi32>, vector<16xi32>], vector<16xf32>,
      %add3A_605 = arith.constant 8 : i32
      %add3A_606 = arith.addi %multiple_of3A_81, %add3A_605 : i32
      %swap3A_607 = arith.index_cast %add3A_606 : i32 to index
      %swap3A_608 = arith.constant 0 : index
      %swap3A_609 = tpu.vector_load %arg10[%swap3A_607, %swap3A_608] {strides = array<i32>} : memref<512x64xf32, #tpu.memory_space<vmem>>, vector<16xf32>,
      tpu.vector_store %arg10[%swap3A_607, %swap3A_608], %gather3A_604 {strides = array<i32>} : memref<512x64xf32, #tpu.memory_space<vmem>>, vector<16xf32>,
      %iota3A_610 = tpu.iota {dimensions = array<i32: 0>} : vector<16xi32>
      %add3A_611 = arith.constant 16 : i32
      %add3A_612 = vector.broadcast %add3A_611 : i32 to vector<16xi32>
      %add3A_613 = arith.addi %iota3A_610, %add3A_612 : vector<16xi32>
      %gather3A_614 = tpu.vector_load_idx %arg11[%add3A_613, %broadcast_in_dim3A_599] : memref<64x128xf32, #tpu.memory_space<vmem>>[vector<16xi32>, vector<16xi32>], vector<16xf32>,
      %add3A_615 = arith.constant 8 : i32
      %add3A_616 = arith.addi %multiple_of3A_81, %add3A_615 : i32
      %swap3A_617 = arith.index_cast %add3A_616 : i32 to index
      %swap3A_618 = arith.constant 16 : index
      %swap3A_619 = tpu.vector_load %arg10[%swap3A_617, %swap3A_618] {strides = array<i32>} : memref<512x64xf32, #tpu.memory_space<vmem>>, vector<16xf32>,
      tpu.vector_store %arg10[%swap3A_617, %swap3A_618], %gather3A_614 {strides = array<i32>} : memref<512x64xf32, #tpu.memory_space<vmem>>, vector<16xf32>,
      %iota3A_620 = tpu.iota {dimensions = array<i32: 0>} : vector<16xi32>
      %add3A_621 = arith.constant 32 : i32
      %add3A_622 = vector.broadcast %add3A_621 : i32 to vector<16xi32>
      %add3A_623 = arith.addi %iota3A_620, %add3A_622 : vector<16xi32>
      %gather3A_624 = tpu.vector_load_idx %arg11[%add3A_623, %broadcast_in_dim3A_599] : memref<64x128xf32, #tpu.memory_space<vmem>>[vector<16xi32>, vector<16xi32>], vector<16xf32>,
      %add3A_625 = arith.constant 8 : i32
      %add3A_626 = arith.addi %multiple_of3A_81, %add3A_625 : i32
      %swap3A_627 = arith.index_cast %add3A_626 : i32 to index
      %swap3A_628 = arith.constant 32 : index
      %swap3A_629 = tpu.vector_load %arg10[%swap3A_627, %swap3A_628] {strides = array<i32>} : memref<512x64xf32, #tpu.memory_space<vmem>>, vector<16xf32>,
      tpu.vector_store %arg10[%swap3A_627, %swap3A_628], %gather3A_624 {strides = array<i32>} : memref<512x64xf32, #tpu.memory_space<vmem>>, vector<16xf32>,
      %iota3A_630 = tpu.iota {dimensions = array<i32: 0>} : vector<16xi32>
      %add3A_631 = arith.constant 48 : i32
      %add3A_632 = vector.broadcast %add3A_631 : i32 to vector<16xi32>
      %add3A_633 = arith.addi %iota3A_630, %add3A_632 : vector<16xi32>
      %gather3A_634 = tpu.vector_load_idx %arg11[%add3A_633, %broadcast_in_dim3A_599] : memref<64x128xf32, #tpu.memory_space<vmem>>[vector<16xi32>, vector<16xi32>], vector<16xf32>,
      %add3A_635 = arith.constant 8 : i32
      %add3A_636 = arith.addi %multiple_of3A_81, %add3A_635 : i32
      %swap3A_637 = arith.index_cast %add3A_636 : i32 to index
      %swap3A_638 = arith.constant 48 : index
      %swap3A_639 = tpu.vector_load %arg10[%swap3A_637, %swap3A_638] {strides = array<i32>} : memref<512x64xf32, #tpu.memory_space<vmem>>, vector<16xf32>,
      tpu.vector_store %arg10[%swap3A_637, %swap3A_638], %gather3A_634 {strides = array<i32>} : memref<512x64xf32, #tpu.memory_space<vmem>>, vector<16xf32>,
      %slice3A_640 = vector.extract_strided_slice %get3A_83 {offsets = [12], sizes = [1], strides = [1]} : vector<16xi32> to vector<1xi32>
      %squeeze3A_641 = vector.extract %slice3A_640[0] : i32 from vector<1xi32>
      %shift_right_arithmetic3A_642 = arith.constant 7 : i32
      %shift_right_arithmetic3A_643 = arith.shrsi %squeeze3A_641, %shift_right_arithmetic3A_642 : i32
      %mul3A_644 = arith.constant 128 : i32
      %mul3A_645 = arith.muli %shift_right_arithmetic3A_643, %mul3A_644 : i32
      %multiple_of3A_646 = tpu.assume_multiple %mul3A_645, 128 : i32
      %dma_start3A_647 = arith.constant 0 : i32
      %dma_start3A_648 = tpu.memref_slice %arg5[%dma_start3A_647, %multiple_of3A_646] : memref<64x1000000xf32, #tpu.memory_space<hbm>> -> memref<64x128xf32, #tpu.memory_space<hbm>>
      %dma_start3A_649 = arith.constant 0 : i32
      %dma_start3A_650 = tpu.memref_slice %arg5[%dma_start3A_649, %multiple_of3A_646] : memref<64x1000000xf32, #tpu.memory_space<hbm>> -> memref<64x128xf32, #tpu.memory_space<hbm>>
      tpu.enqueue_dma source(%dma_start3A_650 : memref<64x128xf32, #tpu.memory_space<hbm>>) target(%arg11 : memref<64x128xf32, #tpu.memory_space<vmem>>) target_semaphore(%arg15 : memref<!tpu.dma_semaphore, #tpu.memory_space<semaphore_mem>>)
      %dma_wait3A_651 = arith.constant 0 : i32
      %dma_wait3A_652 = arith.constant 0 : i32
      %dma_wait3A_653 = tpu.memref_slice %arg5[%dma_wait3A_651, %dma_wait3A_652] : memref<64x1000000xf32, #tpu.memory_space<hbm>> -> memref<64x128xf32, #tpu.memory_space<hbm>>
      %dma_wait3A_654 = arith.constant 0 : i32
      %dma_wait3A_655 = arith.constant 0 : i32
      %dma_wait3A_656 = tpu.memref_slice %arg5[%dma_wait3A_654, %dma_wait3A_655] : memref<64x1000000xf32, #tpu.memory_space<hbm>> -> memref<64x128xf32, #tpu.memory_space<hbm>>
      tpu.wait_dma2 semaphore(%arg16 : memref<!tpu.dma_semaphore, #tpu.memory_space<semaphore_mem>>) src(%dma_wait3A_656 : memref<64x128xf32, #tpu.memory_space<hbm>>) dst(%arg12 : memref<64x128xf32, #tpu.memory_space<vmem>>)
      %slice3A_657 = vector.extract_strided_slice %get3A_83 {offsets = [9], sizes = [1], strides = [1]} : vector<16xi32> to vector<1xi32>
      %squeeze3A_658 = vector.extract %slice3A_657[0] : i32 from vector<1xi32>
      %and3A_659 = arith.constant 127 : i32
      %and3A_660 = arith.andi %squeeze3A_658, %and3A_659 : i32
      %broadcast_in_dim3A_661 = vector.broadcast %and3A_660 : i32 to vector<16xi32>
      %iota3A_662 = tpu.iota {dimensions = array<i32: 0>} : vector<16xi32>
      %add3A_663 = arith.constant 0 : i32
      %add3A_664 = vector.broadcast %add3A_663 : i32 to vector<16xi32>
      %add3A_665 = arith.addi %iota3A_662, %add3A_664 : vector<16xi32>
      %gather3A_666 = tpu.vector_load_idx %arg12[%add3A_665, %broadcast_in_dim3A_661] : memref<64x128xf32, #tpu.memory_space<vmem>>[vector<16xi32>, vector<16xi32>], vector<16xf32>,
      %add3A_667 = arith.constant 9 : i32
      %add3A_668 = arith.addi %multiple_of3A_81, %add3A_667 : i32
      %swap3A_669 = arith.index_cast %add3A_668 : i32 to index
      %swap3A_670 = arith.constant 0 : index
      %swap3A_671 = tpu.vector_load %arg10[%swap3A_669, %swap3A_670] {strides = array<i32>} : memref<512x64xf32, #tpu.memory_space<vmem>>, vector<16xf32>,
      tpu.vector_store %arg10[%swap3A_669, %swap3A_670], %gather3A_666 {strides = array<i32>} : memref<512x64xf32, #tpu.memory_space<vmem>>, vector<16xf32>,
      %iota3A_672 = tpu.iota {dimensions = array<i32: 0>} : vector<16xi32>
      %add3A_673 = arith.constant 16 : i32
      %add3A_674 = vector.broadcast %add3A_673 : i32 to vector<16xi32>
      %add3A_675 = arith.addi %iota3A_672, %add3A_674 : vector<16xi32>
      %gather3A_676 = tpu.vector_load_idx %arg12[%add3A_675, %broadcast_in_dim3A_661] : memref<64x128xf32, #tpu.memory_space<vmem>>[vector<16xi32>, vector<16xi32>], vector<16xf32>,
      %add3A_677 = arith.constant 9 : i32
      %add3A_678 = arith.addi %multiple_of3A_81, %add3A_677 : i32
      %swap3A_679 = arith.index_cast %add3A_678 : i32 to index
      %swap3A_680 = arith.constant 16 : index
      %swap3A_681 = tpu.vector_load %arg10[%swap3A_679, %swap3A_680] {strides = array<i32>} : memref<512x64xf32, #tpu.memory_space<vmem>>, vector<16xf32>,
      tpu.vector_store %arg10[%swap3A_679, %swap3A_680], %gather3A_676 {strides = array<i32>} : memref<512x64xf32, #tpu.memory_space<vmem>>, vector<16xf32>,
      %iota3A_682 = tpu.iota {dimensions = array<i32: 0>} : vector<16xi32>
      %add3A_683 = arith.constant 32 : i32
      %add3A_684 = vector.broadcast %add3A_683 : i32 to vector<16xi32>
      %add3A_685 = arith.addi %iota3A_682, %add3A_684 : vector<16xi32>
      %gather3A_686 = tpu.vector_load_idx %arg12[%add3A_685, %broadcast_in_dim3A_661] : memref<64x128xf32, #tpu.memory_space<vmem>>[vector<16xi32>, vector<16xi32>], vector<16xf32>,
      %add3A_687 = arith.constant 9 : i32
      %add3A_688 = arith.addi %multiple_of3A_81, %add3A_687 : i32
      %swap3A_689 = arith.index_cast %add3A_688 : i32 to index
      %swap3A_690 = arith.constant 32 : index
      %swap3A_691 = tpu.vector_load %arg10[%swap3A_689, %swap3A_690] {strides = array<i32>} : memref<512x64xf32, #tpu.memory_space<vmem>>, vector<16xf32>,
      tpu.vector_store %arg10[%swap3A_689, %swap3A_690], %gather3A_686 {strides = array<i32>} : memref<512x64xf32, #tpu.memory_space<vmem>>, vector<16xf32>,
      %iota3A_692 = tpu.iota {dimensions = array<i32: 0>} : vector<16xi32>
      %add3A_693 = arith.constant 48 : i32
      %add3A_694 = vector.broadcast %add3A_693 : i32 to vector<16xi32>
      %add3A_695 = arith.addi %iota3A_692, %add3A_694 : vector<16xi32>
      %gather3A_696 = tpu.vector_load_idx %arg12[%add3A_695, %broadcast_in_dim3A_661] : memref<64x128xf32, #tpu.memory_space<vmem>>[vector<16xi32>, vector<16xi32>], vector<16xf32>,
      %add3A_697 = arith.constant 9 : i32
      %add3A_698 = arith.addi %multiple_of3A_81, %add3A_697 : i32
      %swap3A_699 = arith.index_cast %add3A_698 : i32 to index
      %swap3A_700 = arith.constant 48 : index
      %swap3A_701 = tpu.vector_load %arg10[%swap3A_699, %swap3A_700] {strides = array<i32>} : memref<512x64xf32, #tpu.memory_space<vmem>>, vector<16xf32>,
      tpu.vector_store %arg10[%swap3A_699, %swap3A_700], %gather3A_696 {strides = array<i32>} : memref<512x64xf32, #tpu.memory_space<vmem>>, vector<16xf32>,
      %slice3A_702 = vector.extract_strided_slice %get3A_83 {offsets = [13], sizes = [1], strides = [1]} : vector<16xi32> to vector<1xi32>
      %squeeze3A_703 = vector.extract %slice3A_702[0] : i32 from vector<1xi32>
      %shift_right_arithmetic3A_704 = arith.constant 7 : i32
      %shift_right_arithmetic3A_705 = arith.shrsi %squeeze3A_703, %shift_right_arithmetic3A_704 : i32
      %mul3A_706 = arith.constant 128 : i32
      %mul3A_707 = arith.muli %shift_right_arithmetic3A_705, %mul3A_706 : i32
      %multiple_of3A_708 = tpu.assume_multiple %mul3A_707, 128 : i32
      %dma_start3A_709 = arith.constant 0 : i32
      %dma_start3A_710 = tpu.memref_slice %arg5[%dma_start3A_709, %multiple_of3A_708] : memref<64x1000000xf32, #tpu.memory_space<hbm>> -> memref<64x128xf32, #tpu.memory_space<hbm>>
      %dma_start3A_711 = arith.constant 0 : i32
      %dma_start3A_712 = tpu.memref_slice %arg5[%dma_start3A_711, %multiple_of3A_708] : memref<64x1000000xf32, #tpu.memory_space<hbm>> -> memref<64x128xf32, #tpu.memory_space<hbm>>
      tpu.enqueue_dma source(%dma_start3A_712 : memref<64x128xf32, #tpu.memory_space<hbm>>) target(%arg12 : memref<64x128xf32, #tpu.memory_space<vmem>>) target_semaphore(%arg16 : memref<!tpu.dma_semaphore, #tpu.memory_space<semaphore_mem>>)
      %dma_wait3A_713 = arith.constant 0 : i32
      %dma_wait3A_714 = arith.constant 0 : i32
      %dma_wait3A_715 = tpu.memref_slice %arg5[%dma_wait3A_713, %dma_wait3A_714] : memref<64x1000000xf32, #tpu.memory_space<hbm>> -> memref<64x128xf32, #tpu.memory_space<hbm>>
      %dma_wait3A_716 = arith.constant 0 : i32
      %dma_wait3A_717 = arith.constant 0 : i32
      %dma_wait3A_718 = tpu.memref_slice %arg5[%dma_wait3A_716, %dma_wait3A_717] : memref<64x1000000xf32, #tpu.memory_space<hbm>> -> memref<64x128xf32, #tpu.memory_space<hbm>>
      tpu.wait_dma2 semaphore(%arg17 : memref<!tpu.dma_semaphore, #tpu.memory_space<semaphore_mem>>) src(%dma_wait3A_718 : memref<64x128xf32, #tpu.memory_space<hbm>>) dst(%arg13 : memref<64x128xf32, #tpu.memory_space<vmem>>)
      %slice3A_719 = vector.extract_strided_slice %get3A_83 {offsets = [10], sizes = [1], strides = [1]} : vector<16xi32> to vector<1xi32>
      %squeeze3A_720 = vector.extract %slice3A_719[0] : i32 from vector<1xi32>
      %and3A_721 = arith.constant 127 : i32
      %and3A_722 = arith.andi %squeeze3A_720, %and3A_721 : i32
      %broadcast_in_dim3A_723 = vector.broadcast %and3A_722 : i32 to vector<16xi32>
      %iota3A_724 = tpu.iota {dimensions = array<i32: 0>} : vector<16xi32>
      %add3A_725 = arith.constant 0 : i32
      %add3A_726 = vector.broadcast %add3A_725 : i32 to vector<16xi32>
      %add3A_727 = arith.addi %iota3A_724, %add3A_726 : vector<16xi32>
      %gather3A_728 = tpu.vector_load_idx %arg13[%add3A_727, %broadcast_in_dim3A_723] : memref<64x128xf32, #tpu.memory_space<vmem>>[vector<16xi32>, vector<16xi32>], vector<16xf32>,
      %add3A_729 = arith.constant 10 : i32
      %add3A_730 = arith.addi %multiple_of3A_81, %add3A_729 : i32
      %swap3A_731 = arith.index_cast %add3A_730 : i32 to index
      %swap3A_732 = arith.constant 0 : index
      %swap3A_733 = tpu.vector_load %arg10[%swap3A_731, %swap3A_732] {strides = array<i32>} : memref<512x64xf32, #tpu.memory_space<vmem>>, vector<16xf32>,
      tpu.vector_store %arg10[%swap3A_731, %swap3A_732], %gather3A_728 {strides = array<i32>} : memref<512x64xf32, #tpu.memory_space<vmem>>, vector<16xf32>,
      %iota3A_734 = tpu.iota {dimensions = array<i32: 0>} : vector<16xi32>
      %add3A_735 = arith.constant 16 : i32
      %add3A_736 = vector.broadcast %add3A_735 : i32 to vector<16xi32>
      %add3A_737 = arith.addi %iota3A_734, %add3A_736 : vector<16xi32>
      %gather3A_738 = tpu.vector_load_idx %arg13[%add3A_737, %broadcast_in_dim3A_723] : memref<64x128xf32, #tpu.memory_space<vmem>>[vector<16xi32>, vector<16xi32>], vector<16xf32>,
      %add3A_739 = arith.constant 10 : i32
      %add3A_740 = arith.addi %multiple_of3A_81, %add3A_739 : i32
      %swap3A_741 = arith.index_cast %add3A_740 : i32 to index
      %swap3A_742 = arith.constant 16 : index
      %swap3A_743 = tpu.vector_load %arg10[%swap3A_741, %swap3A_742] {strides = array<i32>} : memref<512x64xf32, #tpu.memory_space<vmem>>, vector<16xf32>,
      tpu.vector_store %arg10[%swap3A_741, %swap3A_742], %gather3A_738 {strides = array<i32>} : memref<512x64xf32, #tpu.memory_space<vmem>>, vector<16xf32>,
      %iota3A_744 = tpu.iota {dimensions = array<i32: 0>} : vector<16xi32>
      %add3A_745 = arith.constant 32 : i32
      %add3A_746 = vector.broadcast %add3A_745 : i32 to vector<16xi32>
      %add3A_747 = arith.addi %iota3A_744, %add3A_746 : vector<16xi32>
      %gather3A_748 = tpu.vector_load_idx %arg13[%add3A_747, %broadcast_in_dim3A_723] : memref<64x128xf32, #tpu.memory_space<vmem>>[vector<16xi32>, vector<16xi32>], vector<16xf32>,
      %add3A_749 = arith.constant 10 : i32
      %add3A_750 = arith.addi %multiple_of3A_81, %add3A_749 : i32
      %swap3A_751 = arith.index_cast %add3A_750 : i32 to index
      %swap3A_752 = arith.constant 32 : index
      %swap3A_753 = tpu.vector_load %arg10[%swap3A_751, %swap3A_752] {strides = array<i32>} : memref<512x64xf32, #tpu.memory_space<vmem>>, vector<16xf32>,
      tpu.vector_store %arg10[%swap3A_751, %swap3A_752], %gather3A_748 {strides = array<i32>} : memref<512x64xf32, #tpu.memory_space<vmem>>, vector<16xf32>,
      %iota3A_754 = tpu.iota {dimensions = array<i32: 0>} : vector<16xi32>
      %add3A_755 = arith.constant 48 : i32
      %add3A_756 = vector.broadcast %add3A_755 : i32 to vector<16xi32>
      %add3A_757 = arith.addi %iota3A_754, %add3A_756 : vector<16xi32>
      %gather3A_758 = tpu.vector_load_idx %arg13[%add3A_757, %broadcast_in_dim3A_723] : memref<64x128xf32, #tpu.memory_space<vmem>>[vector<16xi32>, vector<16xi32>], vector<16xf32>,
      %add3A_759 = arith.constant 10 : i32
      %add3A_760 = arith.addi %multiple_of3A_81, %add3A_759 : i32
      %swap3A_761 = arith.index_cast %add3A_760 : i32 to index
      %swap3A_762 = arith.constant 48 : index
      %swap3A_763 = tpu.vector_load %arg10[%swap3A_761, %swap3A_762] {strides = array<i32>} : memref<512x64xf32, #tpu.memory_space<vmem>>, vector<16xf32>,
      tpu.vector_store %arg10[%swap3A_761, %swap3A_762], %gather3A_758 {strides = array<i32>} : memref<512x64xf32, #tpu.memory_space<vmem>>, vector<16xf32>,
      %slice3A_764 = vector.extract_strided_slice %get3A_83 {offsets = [14], sizes = [1], strides = [1]} : vector<16xi32> to vector<1xi32>
      %squeeze3A_765 = vector.extract %slice3A_764[0] : i32 from vector<1xi32>
      %shift_right_arithmetic3A_766 = arith.constant 7 : i32
      %shift_right_arithmetic3A_767 = arith.shrsi %squeeze3A_765, %shift_right_arithmetic3A_766 : i32
      %mul3A_768 = arith.constant 128 : i32
      %mul3A_769 = arith.muli %shift_right_arithmetic3A_767, %mul3A_768 : i32
      %multiple_of3A_770 = tpu.assume_multiple %mul3A_769, 128 : i32
      %dma_start3A_771 = arith.constant 0 : i32
      %dma_start3A_772 = tpu.memref_slice %arg5[%dma_start3A_771, %multiple_of3A_770] : memref<64x1000000xf32, #tpu.memory_space<hbm>> -> memref<64x128xf32, #tpu.memory_space<hbm>>
      %dma_start3A_773 = arith.constant 0 : i32
      %dma_start3A_774 = tpu.memref_slice %arg5[%dma_start3A_773, %multiple_of3A_770] : memref<64x1000000xf32, #tpu.memory_space<hbm>> -> memref<64x128xf32, #tpu.memory_space<hbm>>
      tpu.enqueue_dma source(%dma_start3A_774 : memref<64x128xf32, #tpu.memory_space<hbm>>) target(%arg13 : memref<64x128xf32, #tpu.memory_space<vmem>>) target_semaphore(%arg17 : memref<!tpu.dma_semaphore, #tpu.memory_space<semaphore_mem>>)
      %dma_wait3A_775 = arith.constant 0 : i32
      %dma_wait3A_776 = arith.constant 0 : i32
      %dma_wait3A_777 = tpu.memref_slice %arg5[%dma_wait3A_775, %dma_wait3A_776] : memref<64x1000000xf32, #tpu.memory_space<hbm>> -> memref<64x128xf32, #tpu.memory_space<hbm>>
      %dma_wait3A_778 = arith.constant 0 : i32
      %dma_wait3A_779 = arith.constant 0 : i32
      %dma_wait3A_780 = tpu.memref_slice %arg5[%dma_wait3A_778, %dma_wait3A_779] : memref<64x1000000xf32, #tpu.memory_space<hbm>> -> memref<64x128xf32, #tpu.memory_space<hbm>>
      tpu.wait_dma2 semaphore(%arg18 : memref<!tpu.dma_semaphore, #tpu.memory_space<semaphore_mem>>) src(%dma_wait3A_780 : memref<64x128xf32, #tpu.memory_space<hbm>>) dst(%arg14 : memref<64x128xf32, #tpu.memory_space<vmem>>)
      %slice3A_781 = vector.extract_strided_slice %get3A_83 {offsets = [11], sizes = [1], strides = [1]} : vector<16xi32> to vector<1xi32>
      %squeeze3A_782 = vector.extract %slice3A_781[0] : i32 from vector<1xi32>
      %and3A_783 = arith.constant 127 : i32
      %and3A_784 = arith.andi %squeeze3A_782, %and3A_783 : i32
      %broadcast_in_dim3A_785 = vector.broadcast %and3A_784 : i32 to vector<16xi32>
      %iota3A_786 = tpu.iota {dimensions = array<i32: 0>} : vector<16xi32>
      %add3A_787 = arith.constant 0 : i32
      %add3A_788 = vector.broadcast %add3A_787 : i32 to vector<16xi32>
      %add3A_789 = arith.addi %iota3A_786, %add3A_788 : vector<16xi32>
      %gather3A_790 = tpu.vector_load_idx %arg14[%add3A_789, %broadcast_in_dim3A_785] : memref<64x128xf32, #tpu.memory_space<vmem>>[vector<16xi32>, vector<16xi32>], vector<16xf32>,
      %add3A_791 = arith.constant 11 : i32
      %add3A_792 = arith.addi %multiple_of3A_81, %add3A_791 : i32
      %swap3A_793 = arith.index_cast %add3A_792 : i32 to index
      %swap3A_794 = arith.constant 0 : index
      %swap3A_795 = tpu.vector_load %arg10[%swap3A_793, %swap3A_794] {strides = array<i32>} : memref<512x64xf32, #tpu.memory_space<vmem>>, vector<16xf32>,
      tpu.vector_store %arg10[%swap3A_793, %swap3A_794], %gather3A_790 {strides = array<i32>} : memref<512x64xf32, #tpu.memory_space<vmem>>, vector<16xf32>,
      %iota3A_796 = tpu.iota {dimensions = array<i32: 0>} : vector<16xi32>
      %add3A_797 = arith.constant 16 : i32
      %add3A_798 = vector.broadcast %add3A_797 : i32 to vector<16xi32>
      %add3A_799 = arith.addi %iota3A_796, %add3A_798 : vector<16xi32>
      %gather3A_800 = tpu.vector_load_idx %arg14[%add3A_799, %broadcast_in_dim3A_785] : memref<64x128xf32, #tpu.memory_space<vmem>>[vector<16xi32>, vector<16xi32>], vector<16xf32>,
      %add3A_801 = arith.constant 11 : i32
      %add3A_802 = arith.addi %multiple_of3A_81, %add3A_801 : i32
      %swap3A_803 = arith.index_cast %add3A_802 : i32 to index
      %swap3A_804 = arith.constant 16 : index
      %swap3A_805 = tpu.vector_load %arg10[%swap3A_803, %swap3A_804] {strides = array<i32>} : memref<512x64xf32, #tpu.memory_space<vmem>>, vector<16xf32>,
      tpu.vector_store %arg10[%swap3A_803, %swap3A_804], %gather3A_800 {strides = array<i32>} : memref<512x64xf32, #tpu.memory_space<vmem>>, vector<16xf32>,
      %iota3A_806 = tpu.iota {dimensions = array<i32: 0>} : vector<16xi32>
      %add3A_807 = arith.constant 32 : i32
      %add3A_808 = vector.broadcast %add3A_807 : i32 to vector<16xi32>
      %add3A_809 = arith.addi %iota3A_806, %add3A_808 : vector<16xi32>
      %gather3A_810 = tpu.vector_load_idx %arg14[%add3A_809, %broadcast_in_dim3A_785] : memref<64x128xf32, #tpu.memory_space<vmem>>[vector<16xi32>, vector<16xi32>], vector<16xf32>,
      %add3A_811 = arith.constant 11 : i32
      %add3A_812 = arith.addi %multiple_of3A_81, %add3A_811 : i32
      %swap3A_813 = arith.index_cast %add3A_812 : i32 to index
      %swap3A_814 = arith.constant 32 : index
      %swap3A_815 = tpu.vector_load %arg10[%swap3A_813, %swap3A_814] {strides = array<i32>} : memref<512x64xf32, #tpu.memory_space<vmem>>, vector<16xf32>,
      tpu.vector_store %arg10[%swap3A_813, %swap3A_814], %gather3A_810 {strides = array<i32>} : memref<512x64xf32, #tpu.memory_space<vmem>>, vector<16xf32>,
      %iota3A_816 = tpu.iota {dimensions = array<i32: 0>} : vector<16xi32>
      %add3A_817 = arith.constant 48 : i32
      %add3A_818 = vector.broadcast %add3A_817 : i32 to vector<16xi32>
      %add3A_819 = arith.addi %iota3A_816, %add3A_818 : vector<16xi32>
      %gather3A_820 = tpu.vector_load_idx %arg14[%add3A_819, %broadcast_in_dim3A_785] : memref<64x128xf32, #tpu.memory_space<vmem>>[vector<16xi32>, vector<16xi32>], vector<16xf32>,
      %add3A_821 = arith.constant 11 : i32
      %add3A_822 = arith.addi %multiple_of3A_81, %add3A_821 : i32
      %swap3A_823 = arith.index_cast %add3A_822 : i32 to index
      %swap3A_824 = arith.constant 48 : index
      %swap3A_825 = tpu.vector_load %arg10[%swap3A_823, %swap3A_824] {strides = array<i32>} : memref<512x64xf32, #tpu.memory_space<vmem>>, vector<16xf32>,
      tpu.vector_store %arg10[%swap3A_823, %swap3A_824], %gather3A_820 {strides = array<i32>} : memref<512x64xf32, #tpu.memory_space<vmem>>, vector<16xf32>,
      %slice3A_826 = vector.extract_strided_slice %get3A_83 {offsets = [15], sizes = [1], strides = [1]} : vector<16xi32> to vector<1xi32>
      %squeeze3A_827 = vector.extract %slice3A_826[0] : i32 from vector<1xi32>
      %shift_right_arithmetic3A_828 = arith.constant 7 : i32
      %shift_right_arithmetic3A_829 = arith.shrsi %squeeze3A_827, %shift_right_arithmetic3A_828 : i32
      %mul3A_830 = arith.constant 128 : i32
      %mul3A_831 = arith.muli %shift_right_arithmetic3A_829, %mul3A_830 : i32
      %multiple_of3A_832 = tpu.assume_multiple %mul3A_831, 128 : i32
      %dma_start3A_833 = arith.constant 0 : i32
      %dma_start3A_834 = tpu.memref_slice %arg5[%dma_start3A_833, %multiple_of3A_832] : memref<64x1000000xf32, #tpu.memory_space<hbm>> -> memref<64x128xf32, #tpu.memory_space<hbm>>
      %dma_start3A_835 = arith.constant 0 : i32
      %dma_start3A_836 = tpu.memref_slice %arg5[%dma_start3A_835, %multiple_of3A_832] : memref<64x1000000xf32, #tpu.memory_space<hbm>> -> memref<64x128xf32, #tpu.memory_space<hbm>>
      tpu.enqueue_dma source(%dma_start3A_836 : memref<64x128xf32, #tpu.memory_space<hbm>>) target(%arg14 : memref<64x128xf32, #tpu.memory_space<vmem>>) target_semaphore(%arg18 : memref<!tpu.dma_semaphore, #tpu.memory_space<semaphore_mem>>)
      %dma_wait3A_837 = arith.constant 0 : i32
      %dma_wait3A_838 = arith.constant 0 : i32
      %dma_wait3A_839 = tpu.memref_slice %arg5[%dma_wait3A_837, %dma_wait3A_838] : memref<64x1000000xf32, #tpu.memory_space<hbm>> -> memref<64x128xf32, #tpu.memory_space<hbm>>
      %dma_wait3A_840 = arith.constant 0 : i32
      %dma_wait3A_841 = arith.constant 0 : i32
      %dma_wait3A_842 = tpu.memref_slice %arg5[%dma_wait3A_840, %dma_wait3A_841] : memref<64x1000000xf32, #tpu.memory_space<hbm>> -> memref<64x128xf32, #tpu.memory_space<hbm>>
      tpu.wait_dma2 semaphore(%arg15 : memref<!tpu.dma_semaphore, #tpu.memory_space<semaphore_mem>>) src(%dma_wait3A_842 : memref<64x128xf32, #tpu.memory_space<hbm>>) dst(%arg11 : memref<64x128xf32, #tpu.memory_space<vmem>>)
      %slice3A_843 = vector.extract_strided_slice %get3A_83 {offsets = [12], sizes = [1], strides = [1]} : vector<16xi32> to vector<1xi32>
      %squeeze3A_844 = vector.extract %slice3A_843[0] : i32 from vector<1xi32>
      %and3A_845 = arith.constant 127 : i32
      %and3A_846 = arith.andi %squeeze3A_844, %and3A_845 : i32
      %broadcast_in_dim3A_847 = vector.broadcast %and3A_846 : i32 to vector<16xi32>
      %iota3A_848 = tpu.iota {dimensions = array<i32: 0>} : vector<16xi32>
      %add3A_849 = arith.constant 0 : i32
      %add3A_850 = vector.broadcast %add3A_849 : i32 to vector<16xi32>
      %add3A_851 = arith.addi %iota3A_848, %add3A_850 : vector<16xi32>
      %gather3A_852 = tpu.vector_load_idx %arg11[%add3A_851, %broadcast_in_dim3A_847] : memref<64x128xf32, #tpu.memory_space<vmem>>[vector<16xi32>, vector<16xi32>], vector<16xf32>,
      %add3A_853 = arith.constant 12 : i32
      %add3A_854 = arith.addi %multiple_of3A_81, %add3A_853 : i32
      %swap3A_855 = arith.index_cast %add3A_854 : i32 to index
      %swap3A_856 = arith.constant 0 : index
      %swap3A_857 = tpu.vector_load %arg10[%swap3A_855, %swap3A_856] {strides = array<i32>} : memref<512x64xf32, #tpu.memory_space<vmem>>, vector<16xf32>,
      tpu.vector_store %arg10[%swap3A_855, %swap3A_856], %gather3A_852 {strides = array<i32>} : memref<512x64xf32, #tpu.memory_space<vmem>>, vector<16xf32>,
      %iota3A_858 = tpu.iota {dimensions = array<i32: 0>} : vector<16xi32>
      %add3A_859 = arith.constant 16 : i32
      %add3A_860 = vector.broadcast %add3A_859 : i32 to vector<16xi32>
      %add3A_861 = arith.addi %iota3A_858, %add3A_860 : vector<16xi32>
      %gather3A_862 = tpu.vector_load_idx %arg11[%add3A_861, %broadcast_in_dim3A_847] : memref<64x128xf32, #tpu.memory_space<vmem>>[vector<16xi32>, vector<16xi32>], vector<16xf32>,
      %add3A_863 = arith.constant 12 : i32
      %add3A_864 = arith.addi %multiple_of3A_81, %add3A_863 : i32
      %swap3A_865 = arith.index_cast %add3A_864 : i32 to index
      %swap3A_866 = arith.constant 16 : index
      %swap3A_867 = tpu.vector_load %arg10[%swap3A_865, %swap3A_866] {strides = array<i32>} : memref<512x64xf32, #tpu.memory_space<vmem>>, vector<16xf32>,
      tpu.vector_store %arg10[%swap3A_865, %swap3A_866], %gather3A_862 {strides = array<i32>} : memref<512x64xf32, #tpu.memory_space<vmem>>, vector<16xf32>,
      %iota3A_868 = tpu.iota {dimensions = array<i32: 0>} : vector<16xi32>
      %add3A_869 = arith.constant 32 : i32
      %add3A_870 = vector.broadcast %add3A_869 : i32 to vector<16xi32>
      %add3A_871 = arith.addi %iota3A_868, %add3A_870 : vector<16xi32>
      %gather3A_872 = tpu.vector_load_idx %arg11[%add3A_871, %broadcast_in_dim3A_847] : memref<64x128xf32, #tpu.memory_space<vmem>>[vector<16xi32>, vector<16xi32>], vector<16xf32>,
      %add3A_873 = arith.constant 12 : i32
      %add3A_874 = arith.addi %multiple_of3A_81, %add3A_873 : i32
      %swap3A_875 = arith.index_cast %add3A_874 : i32 to index
      %swap3A_876 = arith.constant 32 : index
      %swap3A_877 = tpu.vector_load %arg10[%swap3A_875, %swap3A_876] {strides = array<i32>} : memref<512x64xf32, #tpu.memory_space<vmem>>, vector<16xf32>,
      tpu.vector_store %arg10[%swap3A_875, %swap3A_876], %gather3A_872 {strides = array<i32>} : memref<512x64xf32, #tpu.memory_space<vmem>>, vector<16xf32>,
      %iota3A_878 = tpu.iota {dimensions = array<i32: 0>} : vector<16xi32>
      %add3A_879 = arith.constant 48 : i32
      %add3A_880 = vector.broadcast %add3A_879 : i32 to vector<16xi32>
      %add3A_881 = arith.addi %iota3A_878, %add3A_880 : vector<16xi32>
      %gather3A_882 = tpu.vector_load_idx %arg11[%add3A_881, %broadcast_in_dim3A_847] : memref<64x128xf32, #tpu.memory_space<vmem>>[vector<16xi32>, vector<16xi32>], vector<16xf32>,
      %add3A_883 = arith.constant 12 : i32
      %add3A_884 = arith.addi %multiple_of3A_81, %add3A_883 : i32
      %swap3A_885 = arith.index_cast %add3A_884 : i32 to index
      %swap3A_886 = arith.constant 48 : index
      %swap3A_887 = tpu.vector_load %arg10[%swap3A_885, %swap3A_886] {strides = array<i32>} : memref<512x64xf32, #tpu.memory_space<vmem>>, vector<16xf32>,
      tpu.vector_store %arg10[%swap3A_885, %swap3A_886], %gather3A_882 {strides = array<i32>} : memref<512x64xf32, #tpu.memory_space<vmem>>, vector<16xf32>,
      %slice3A_888 = vector.extract_strided_slice %get3A_87 {offsets = [0], sizes = [1], strides = [1]} : vector<16xi32> to vector<1xi32>
      %squeeze3A_889 = vector.extract %slice3A_888[0] : i32 from vector<1xi32>
      %add3A_890 = arith.constant 1 : i32
      %add3A_891 = arith.addi %scan3A_78, %add3A_890 : i32
      %lt3A = arith.constant 32 : i32
      %lt3A_892 = arith.cmpi slt, %add3A_891, %lt3A : i32
      %convert_element_type3A = arith.extui %lt3A_892 : i1 to i32
      %cond3A = arith.constant 0 : i32
      %cond3A_893 = arith.cmpi ne, %convert_element_type3A, %cond3A : i32
      scf.if %cond3A_893 {
        %shift_right_arithmetic3A_1065 = arith.constant 7 : i32
        %shift_right_arithmetic3A_1066 = arith.shrsi %squeeze3A_889, %shift_right_arithmetic3A_1065 : i32
        %mul3A_1067 = arith.constant 128 : i32
        %mul3A_1068 = arith.muli %shift_right_arithmetic3A_1066, %mul3A_1067 : i32
        %multiple_of3A_1069 = tpu.assume_multiple %mul3A_1068, 128 : i32
        %dma_start3A_1070 = arith.constant 0 : i32
        %dma_start3A_1071 = tpu.memref_slice %arg5[%dma_start3A_1070, %multiple_of3A_1069] : memref<64x1000000xf32, #tpu.memory_space<hbm>> -> memref<64x128xf32, #tpu.memory_space<hbm>>
        %dma_start3A_1072 = arith.constant 0 : i32
        %dma_start3A_1073 = tpu.memref_slice %arg5[%dma_start3A_1072, %multiple_of3A_1069] : memref<64x1000000xf32, #tpu.memory_space<hbm>> -> memref<64x128xf32, #tpu.memory_space<hbm>>
        tpu.enqueue_dma source(%dma_start3A_1073 : memref<64x128xf32, #tpu.memory_space<hbm>>) target(%arg11 : memref<64x128xf32, #tpu.memory_space<vmem>>) target_semaphore(%arg15 : memref<!tpu.dma_semaphore, #tpu.memory_space<semaphore_mem>>)
      } else {
      }
      %dma_wait3A_894 = arith.constant 0 : i32
      %dma_wait3A_895 = arith.constant 0 : i32
      %dma_wait3A_896 = tpu.memref_slice %arg5[%dma_wait3A_894, %dma_wait3A_895] : memref<64x1000000xf32, #tpu.memory_space<hbm>> -> memref<64x128xf32, #tpu.memory_space<hbm>>
      %dma_wait3A_897 = arith.constant 0 : i32
      %dma_wait3A_898 = arith.constant 0 : i32
      %dma_wait3A_899 = tpu.memref_slice %arg5[%dma_wait3A_897, %dma_wait3A_898] : memref<64x1000000xf32, #tpu.memory_space<hbm>> -> memref<64x128xf32, #tpu.memory_space<hbm>>
      tpu.wait_dma2 semaphore(%arg16 : memref<!tpu.dma_semaphore, #tpu.memory_space<semaphore_mem>>) src(%dma_wait3A_899 : memref<64x128xf32, #tpu.memory_space<hbm>>) dst(%arg12 : memref<64x128xf32, #tpu.memory_space<vmem>>)
      %slice3A_900 = vector.extract_strided_slice %get3A_83 {offsets = [13], sizes = [1], strides = [1]} : vector<16xi32> to vector<1xi32>
      %squeeze3A_901 = vector.extract %slice3A_900[0] : i32 from vector<1xi32>
      %and3A_902 = arith.constant 127 : i32
      %and3A_903 = arith.andi %squeeze3A_901, %and3A_902 : i32
      %broadcast_in_dim3A_904 = vector.broadcast %and3A_903 : i32 to vector<16xi32>
      %iota3A_905 = tpu.iota {dimensions = array<i32: 0>} : vector<16xi32>
      %add3A_906 = arith.constant 0 : i32
      %add3A_907 = vector.broadcast %add3A_906 : i32 to vector<16xi32>
      %add3A_908 = arith.addi %iota3A_905, %add3A_907 : vector<16xi32>
      %gather3A_909 = tpu.vector_load_idx %arg12[%add3A_908, %broadcast_in_dim3A_904] : memref<64x128xf32, #tpu.memory_space<vmem>>[vector<16xi32>, vector<16xi32>], vector<16xf32>,
      %add3A_910 = arith.constant 13 : i32
      %add3A_911 = arith.addi %multiple_of3A_81, %add3A_910 : i32
      %swap3A_912 = arith.index_cast %add3A_911 : i32 to index
      %swap3A_913 = arith.constant 0 : index
      %swap3A_914 = tpu.vector_load %arg10[%swap3A_912, %swap3A_913] {strides = array<i32>} : memref<512x64xf32, #tpu.memory_space<vmem>>, vector<16xf32>,
      tpu.vector_store %arg10[%swap3A_912, %swap3A_913], %gather3A_909 {strides = array<i32>} : memref<512x64xf32, #tpu.memory_space<vmem>>, vector<16xf32>,
      %iota3A_915 = tpu.iota {dimensions = array<i32: 0>} : vector<16xi32>
      %add3A_916 = arith.constant 16 : i32
      %add3A_917 = vector.broadcast %add3A_916 : i32 to vector<16xi32>
      %add3A_918 = arith.addi %iota3A_915, %add3A_917 : vector<16xi32>
      %gather3A_919 = tpu.vector_load_idx %arg12[%add3A_918, %broadcast_in_dim3A_904] : memref<64x128xf32, #tpu.memory_space<vmem>>[vector<16xi32>, vector<16xi32>], vector<16xf32>,
      %add3A_920 = arith.constant 13 : i32
      %add3A_921 = arith.addi %multiple_of3A_81, %add3A_920 : i32
      %swap3A_922 = arith.index_cast %add3A_921 : i32 to index
      %swap3A_923 = arith.constant 16 : index
      %swap3A_924 = tpu.vector_load %arg10[%swap3A_922, %swap3A_923] {strides = array<i32>} : memref<512x64xf32, #tpu.memory_space<vmem>>, vector<16xf32>,
      tpu.vector_store %arg10[%swap3A_922, %swap3A_923], %gather3A_919 {strides = array<i32>} : memref<512x64xf32, #tpu.memory_space<vmem>>, vector<16xf32>,
      %iota3A_925 = tpu.iota {dimensions = array<i32: 0>} : vector<16xi32>
      %add3A_926 = arith.constant 32 : i32
      %add3A_927 = vector.broadcast %add3A_926 : i32 to vector<16xi32>
      %add3A_928 = arith.addi %iota3A_925, %add3A_927 : vector<16xi32>
      %gather3A_929 = tpu.vector_load_idx %arg12[%add3A_928, %broadcast_in_dim3A_904] : memref<64x128xf32, #tpu.memory_space<vmem>>[vector<16xi32>, vector<16xi32>], vector<16xf32>,
      %add3A_930 = arith.constant 13 : i32
      %add3A_931 = arith.addi %multiple_of3A_81, %add3A_930 : i32
      %swap3A_932 = arith.index_cast %add3A_931 : i32 to index
      %swap3A_933 = arith.constant 32 : index
      %swap3A_934 = tpu.vector_load %arg10[%swap3A_932, %swap3A_933] {strides = array<i32>} : memref<512x64xf32, #tpu.memory_space<vmem>>, vector<16xf32>,
      tpu.vector_store %arg10[%swap3A_932, %swap3A_933], %gather3A_929 {strides = array<i32>} : memref<512x64xf32, #tpu.memory_space<vmem>>, vector<16xf32>,
      %iota3A_935 = tpu.iota {dimensions = array<i32: 0>} : vector<16xi32>
      %add3A_936 = arith.constant 48 : i32
      %add3A_937 = vector.broadcast %add3A_936 : i32 to vector<16xi32>
      %add3A_938 = arith.addi %iota3A_935, %add3A_937 : vector<16xi32>
      %gather3A_939 = tpu.vector_load_idx %arg12[%add3A_938, %broadcast_in_dim3A_904] : memref<64x128xf32, #tpu.memory_space<vmem>>[vector<16xi32>, vector<16xi32>], vector<16xf32>,
      %add3A_940 = arith.constant 13 : i32
      %add3A_941 = arith.addi %multiple_of3A_81, %add3A_940 : i32
      %swap3A_942 = arith.index_cast %add3A_941 : i32 to index
      %swap3A_943 = arith.constant 48 : index
      %swap3A_944 = tpu.vector_load %arg10[%swap3A_942, %swap3A_943] {strides = array<i32>} : memref<512x64xf32, #tpu.memory_space<vmem>>, vector<16xf32>,
      tpu.vector_store %arg10[%swap3A_942, %swap3A_943], %gather3A_939 {strides = array<i32>} : memref<512x64xf32, #tpu.memory_space<vmem>>, vector<16xf32>,
      %slice3A_945 = vector.extract_strided_slice %get3A_87 {offsets = [1], sizes = [1], strides = [1]} : vector<16xi32> to vector<1xi32>
      %squeeze3A_946 = vector.extract %slice3A_945[0] : i32 from vector<1xi32>
      %add3A_947 = arith.constant 1 : i32
      %add3A_948 = arith.addi %scan3A_78, %add3A_947 : i32
      %lt3A_949 = arith.constant 32 : i32
      %lt3A_950 = arith.cmpi slt, %add3A_948, %lt3A_949 : i32
      %convert_element_type3A_951 = arith.extui %lt3A_950 : i1 to i32
      %cond3A_952 = arith.constant 0 : i32
      %cond3A_953 = arith.cmpi ne, %convert_element_type3A_951, %cond3A_952 : i32
      scf.if %cond3A_953 {
        %shift_right_arithmetic3A_1065 = arith.constant 7 : i32
        %shift_right_arithmetic3A_1066 = arith.shrsi %squeeze3A_946, %shift_right_arithmetic3A_1065 : i32
        %mul3A_1067 = arith.constant 128 : i32
        %mul3A_1068 = arith.muli %shift_right_arithmetic3A_1066, %mul3A_1067 : i32
        %multiple_of3A_1069 = tpu.assume_multiple %mul3A_1068, 128 : i32
        %dma_start3A_1070 = arith.constant 0 : i32
        %dma_start3A_1071 = tpu.memref_slice %arg5[%dma_start3A_1070, %multiple_of3A_1069] : memref<64x1000000xf32, #tpu.memory_space<hbm>> -> memref<64x128xf32, #tpu.memory_space<hbm>>
        %dma_start3A_1072 = arith.constant 0 : i32
        %dma_start3A_1073 = tpu.memref_slice %arg5[%dma_start3A_1072, %multiple_of3A_1069] : memref<64x1000000xf32, #tpu.memory_space<hbm>> -> memref<64x128xf32, #tpu.memory_space<hbm>>
        tpu.enqueue_dma source(%dma_start3A_1073 : memref<64x128xf32, #tpu.memory_space<hbm>>) target(%arg12 : memref<64x128xf32, #tpu.memory_space<vmem>>) target_semaphore(%arg16 : memref<!tpu.dma_semaphore, #tpu.memory_space<semaphore_mem>>)
      } else {
      }
      %dma_wait3A_954 = arith.constant 0 : i32
      %dma_wait3A_955 = arith.constant 0 : i32
      %dma_wait3A_956 = tpu.memref_slice %arg5[%dma_wait3A_954, %dma_wait3A_955] : memref<64x1000000xf32, #tpu.memory_space<hbm>> -> memref<64x128xf32, #tpu.memory_space<hbm>>
      %dma_wait3A_957 = arith.constant 0 : i32
      %dma_wait3A_958 = arith.constant 0 : i32
      %dma_wait3A_959 = tpu.memref_slice %arg5[%dma_wait3A_957, %dma_wait3A_958] : memref<64x1000000xf32, #tpu.memory_space<hbm>> -> memref<64x128xf32, #tpu.memory_space<hbm>>
      tpu.wait_dma2 semaphore(%arg17 : memref<!tpu.dma_semaphore, #tpu.memory_space<semaphore_mem>>) src(%dma_wait3A_959 : memref<64x128xf32, #tpu.memory_space<hbm>>) dst(%arg13 : memref<64x128xf32, #tpu.memory_space<vmem>>)
      %slice3A_960 = vector.extract_strided_slice %get3A_83 {offsets = [14], sizes = [1], strides = [1]} : vector<16xi32> to vector<1xi32>
      %squeeze3A_961 = vector.extract %slice3A_960[0] : i32 from vector<1xi32>
      %and3A_962 = arith.constant 127 : i32
      %and3A_963 = arith.andi %squeeze3A_961, %and3A_962 : i32
      %broadcast_in_dim3A_964 = vector.broadcast %and3A_963 : i32 to vector<16xi32>
      %iota3A_965 = tpu.iota {dimensions = array<i32: 0>} : vector<16xi32>
      %add3A_966 = arith.constant 0 : i32
      %add3A_967 = vector.broadcast %add3A_966 : i32 to vector<16xi32>
      %add3A_968 = arith.addi %iota3A_965, %add3A_967 : vector<16xi32>
      %gather3A_969 = tpu.vector_load_idx %arg13[%add3A_968, %broadcast_in_dim3A_964] : memref<64x128xf32, #tpu.memory_space<vmem>>[vector<16xi32>, vector<16xi32>], vector<16xf32>,
      %add3A_970 = arith.constant 14 : i32
      %add3A_971 = arith.addi %multiple_of3A_81, %add3A_970 : i32
      %swap3A_972 = arith.index_cast %add3A_971 : i32 to index
      %swap3A_973 = arith.constant 0 : index
      %swap3A_974 = tpu.vector_load %arg10[%swap3A_972, %swap3A_973] {strides = array<i32>} : memref<512x64xf32, #tpu.memory_space<vmem>>, vector<16xf32>,
      tpu.vector_store %arg10[%swap3A_972, %swap3A_973], %gather3A_969 {strides = array<i32>} : memref<512x64xf32, #tpu.memory_space<vmem>>, vector<16xf32>,
      %iota3A_975 = tpu.iota {dimensions = array<i32: 0>} : vector<16xi32>
      %add3A_976 = arith.constant 16 : i32
      %add3A_977 = vector.broadcast %add3A_976 : i32 to vector<16xi32>
      %add3A_978 = arith.addi %iota3A_975, %add3A_977 : vector<16xi32>
      %gather3A_979 = tpu.vector_load_idx %arg13[%add3A_978, %broadcast_in_dim3A_964] : memref<64x128xf32, #tpu.memory_space<vmem>>[vector<16xi32>, vector<16xi32>], vector<16xf32>,
      %add3A_980 = arith.constant 14 : i32
      %add3A_981 = arith.addi %multiple_of3A_81, %add3A_980 : i32
      %swap3A_982 = arith.index_cast %add3A_981 : i32 to index
      %swap3A_983 = arith.constant 16 : index
      %swap3A_984 = tpu.vector_load %arg10[%swap3A_982, %swap3A_983] {strides = array<i32>} : memref<512x64xf32, #tpu.memory_space<vmem>>, vector<16xf32>,
      tpu.vector_store %arg10[%swap3A_982, %swap3A_983], %gather3A_979 {strides = array<i32>} : memref<512x64xf32, #tpu.memory_space<vmem>>, vector<16xf32>,
      %iota3A_985 = tpu.iota {dimensions = array<i32: 0>} : vector<16xi32>
      %add3A_986 = arith.constant 32 : i32
      %add3A_987 = vector.broadcast %add3A_986 : i32 to vector<16xi32>
      %add3A_988 = arith.addi %iota3A_985, %add3A_987 : vector<16xi32>
      %gather3A_989 = tpu.vector_load_idx %arg13[%add3A_988, %broadcast_in_dim3A_964] : memref<64x128xf32, #tpu.memory_space<vmem>>[vector<16xi32>, vector<16xi32>], vector<16xf32>,
      %add3A_990 = arith.constant 14 : i32
      %add3A_991 = arith.addi %multiple_of3A_81, %add3A_990 : i32
      %swap3A_992 = arith.index_cast %add3A_991 : i32 to index
      %swap3A_993 = arith.constant 32 : index
      %swap3A_994 = tpu.vector_load %arg10[%swap3A_992, %swap3A_993] {strides = array<i32>} : memref<512x64xf32, #tpu.memory_space<vmem>>, vector<16xf32>,
      tpu.vector_store %arg10[%swap3A_992, %swap3A_993], %gather3A_989 {strides = array<i32>} : memref<512x64xf32, #tpu.memory_space<vmem>>, vector<16xf32>,
      %iota3A_995 = tpu.iota {dimensions = array<i32: 0>} : vector<16xi32>
      %add3A_996 = arith.constant 48 : i32
      %add3A_997 = vector.broadcast %add3A_996 : i32 to vector<16xi32>
      %add3A_998 = arith.addi %iota3A_995, %add3A_997 : vector<16xi32>
      %gather3A_999 = tpu.vector_load_idx %arg13[%add3A_998, %broadcast_in_dim3A_964] : memref<64x128xf32, #tpu.memory_space<vmem>>[vector<16xi32>, vector<16xi32>], vector<16xf32>,
      %add3A_1000 = arith.constant 14 : i32
      %add3A_1001 = arith.addi %multiple_of3A_81, %add3A_1000 : i32
      %swap3A_1002 = arith.index_cast %add3A_1001 : i32 to index
      %swap3A_1003 = arith.constant 48 : index
      %swap3A_1004 = tpu.vector_load %arg10[%swap3A_1002, %swap3A_1003] {strides = array<i32>} : memref<512x64xf32, #tpu.memory_space<vmem>>, vector<16xf32>,
      tpu.vector_store %arg10[%swap3A_1002, %swap3A_1003], %gather3A_999 {strides = array<i32>} : memref<512x64xf32, #tpu.memory_space<vmem>>, vector<16xf32>,
      %slice3A_1005 = vector.extract_strided_slice %get3A_87 {offsets = [2], sizes = [1], strides = [1]} : vector<16xi32> to vector<1xi32>
      %squeeze3A_1006 = vector.extract %slice3A_1005[0] : i32 from vector<1xi32>
      %add3A_1007 = arith.constant 1 : i32
      %add3A_1008 = arith.addi %scan3A_78, %add3A_1007 : i32
      %lt3A_1009 = arith.constant 32 : i32
      %lt3A_1010 = arith.cmpi slt, %add3A_1008, %lt3A_1009 : i32
      %convert_element_type3A_1011 = arith.extui %lt3A_1010 : i1 to i32
      %cond3A_1012 = arith.constant 0 : i32
      %cond3A_1013 = arith.cmpi ne, %convert_element_type3A_1011, %cond3A_1012 : i32
      scf.if %cond3A_1013 {
        %shift_right_arithmetic3A_1065 = arith.constant 7 : i32
        %shift_right_arithmetic3A_1066 = arith.shrsi %squeeze3A_1006, %shift_right_arithmetic3A_1065 : i32
        %mul3A_1067 = arith.constant 128 : i32
        %mul3A_1068 = arith.muli %shift_right_arithmetic3A_1066, %mul3A_1067 : i32
        %multiple_of3A_1069 = tpu.assume_multiple %mul3A_1068, 128 : i32
        %dma_start3A_1070 = arith.constant 0 : i32
        %dma_start3A_1071 = tpu.memref_slice %arg5[%dma_start3A_1070, %multiple_of3A_1069] : memref<64x1000000xf32, #tpu.memory_space<hbm>> -> memref<64x128xf32, #tpu.memory_space<hbm>>
        %dma_start3A_1072 = arith.constant 0 : i32
        %dma_start3A_1073 = tpu.memref_slice %arg5[%dma_start3A_1072, %multiple_of3A_1069] : memref<64x1000000xf32, #tpu.memory_space<hbm>> -> memref<64x128xf32, #tpu.memory_space<hbm>>
        tpu.enqueue_dma source(%dma_start3A_1073 : memref<64x128xf32, #tpu.memory_space<hbm>>) target(%arg13 : memref<64x128xf32, #tpu.memory_space<vmem>>) target_semaphore(%arg17 : memref<!tpu.dma_semaphore, #tpu.memory_space<semaphore_mem>>)
      } else {
      }
      %dma_wait3A_1014 = arith.constant 0 : i32
      %dma_wait3A_1015 = arith.constant 0 : i32
      %dma_wait3A_1016 = tpu.memref_slice %arg5[%dma_wait3A_1014, %dma_wait3A_1015] : memref<64x1000000xf32, #tpu.memory_space<hbm>> -> memref<64x128xf32, #tpu.memory_space<hbm>>
      %dma_wait3A_1017 = arith.constant 0 : i32
      %dma_wait3A_1018 = arith.constant 0 : i32
      %dma_wait3A_1019 = tpu.memref_slice %arg5[%dma_wait3A_1017, %dma_wait3A_1018] : memref<64x1000000xf32, #tpu.memory_space<hbm>> -> memref<64x128xf32, #tpu.memory_space<hbm>>
      tpu.wait_dma2 semaphore(%arg18 : memref<!tpu.dma_semaphore, #tpu.memory_space<semaphore_mem>>) src(%dma_wait3A_1019 : memref<64x128xf32, #tpu.memory_space<hbm>>) dst(%arg14 : memref<64x128xf32, #tpu.memory_space<vmem>>)
      %slice3A_1020 = vector.extract_strided_slice %get3A_83 {offsets = [15], sizes = [1], strides = [1]} : vector<16xi32> to vector<1xi32>
      %squeeze3A_1021 = vector.extract %slice3A_1020[0] : i32 from vector<1xi32>
      %and3A_1022 = arith.constant 127 : i32
      %and3A_1023 = arith.andi %squeeze3A_1021, %and3A_1022 : i32
      %broadcast_in_dim3A_1024 = vector.broadcast %and3A_1023 : i32 to vector<16xi32>
      %iota3A_1025 = tpu.iota {dimensions = array<i32: 0>} : vector<16xi32>
      %add3A_1026 = arith.constant 0 : i32
      %add3A_1027 = vector.broadcast %add3A_1026 : i32 to vector<16xi32>
      %add3A_1028 = arith.addi %iota3A_1025, %add3A_1027 : vector<16xi32>
      %gather3A_1029 = tpu.vector_load_idx %arg14[%add3A_1028, %broadcast_in_dim3A_1024] : memref<64x128xf32, #tpu.memory_space<vmem>>[vector<16xi32>, vector<16xi32>], vector<16xf32>,
      %add3A_1030 = arith.constant 15 : i32
      %add3A_1031 = arith.addi %multiple_of3A_81, %add3A_1030 : i32
      %swap3A_1032 = arith.index_cast %add3A_1031 : i32 to index
      %swap3A_1033 = arith.constant 0 : index
      %swap3A_1034 = tpu.vector_load %arg10[%swap3A_1032, %swap3A_1033] {strides = array<i32>} : memref<512x64xf32, #tpu.memory_space<vmem>>, vector<16xf32>,
      tpu.vector_store %arg10[%swap3A_1032, %swap3A_1033], %gather3A_1029 {strides = array<i32>} : memref<512x64xf32, #tpu.memory_space<vmem>>, vector<16xf32>,
      %iota3A_1035 = tpu.iota {dimensions = array<i32: 0>} : vector<16xi32>
      %add3A_1036 = arith.constant 16 : i32
      %add3A_1037 = vector.broadcast %add3A_1036 : i32 to vector<16xi32>
      %add3A_1038 = arith.addi %iota3A_1035, %add3A_1037 : vector<16xi32>
      %gather3A_1039 = tpu.vector_load_idx %arg14[%add3A_1038, %broadcast_in_dim3A_1024] : memref<64x128xf32, #tpu.memory_space<vmem>>[vector<16xi32>, vector<16xi32>], vector<16xf32>,
      %add3A_1040 = arith.constant 15 : i32
      %add3A_1041 = arith.addi %multiple_of3A_81, %add3A_1040 : i32
      %swap3A_1042 = arith.index_cast %add3A_1041 : i32 to index
      %swap3A_1043 = arith.constant 16 : index
      %swap3A_1044 = tpu.vector_load %arg10[%swap3A_1042, %swap3A_1043] {strides = array<i32>} : memref<512x64xf32, #tpu.memory_space<vmem>>, vector<16xf32>,
      tpu.vector_store %arg10[%swap3A_1042, %swap3A_1043], %gather3A_1039 {strides = array<i32>} : memref<512x64xf32, #tpu.memory_space<vmem>>, vector<16xf32>,
      %iota3A_1045 = tpu.iota {dimensions = array<i32: 0>} : vector<16xi32>
      %add3A_1046 = arith.constant 32 : i32
      %add3A_1047 = vector.broadcast %add3A_1046 : i32 to vector<16xi32>
      %add3A_1048 = arith.addi %iota3A_1045, %add3A_1047 : vector<16xi32>
      %gather3A_1049 = tpu.vector_load_idx %arg14[%add3A_1048, %broadcast_in_dim3A_1024] : memref<64x128xf32, #tpu.memory_space<vmem>>[vector<16xi32>, vector<16xi32>], vector<16xf32>,
      %add3A_1050 = arith.constant 15 : i32
      %add3A_1051 = arith.addi %multiple_of3A_81, %add3A_1050 : i32
      %swap3A_1052 = arith.index_cast %add3A_1051 : i32 to index
      %swap3A_1053 = arith.constant 32 : index
      %swap3A_1054 = tpu.vector_load %arg10[%swap3A_1052, %swap3A_1053] {strides = array<i32>} : memref<512x64xf32, #tpu.memory_space<vmem>>, vector<16xf32>,
      tpu.vector_store %arg10[%swap3A_1052, %swap3A_1053], %gather3A_1049 {strides = array<i32>} : memref<512x64xf32, #tpu.memory_space<vmem>>, vector<16xf32>,
      %iota3A_1055 = tpu.iota {dimensions = array<i32: 0>} : vector<16xi32>
      %add3A_1056 = arith.constant 48 : i32
      %add3A_1057 = vector.broadcast %add3A_1056 : i32 to vector<16xi32>
      %add3A_1058 = arith.addi %iota3A_1055, %add3A_1057 : vector<16xi32>
      %gather3A_1059 = tpu.vector_load_idx %arg14[%add3A_1058, %broadcast_in_dim3A_1024] : memref<64x128xf32, #tpu.memory_space<vmem>>[vector<16xi32>, vector<16xi32>], vector<16xf32>,
      %add3A_1060 = arith.constant 15 : i32
      %add3A_1061 = arith.addi %multiple_of3A_81, %add3A_1060 : i32
      %swap3A_1062 = arith.index_cast %add3A_1061 : i32 to index
      %swap3A_1063 = arith.constant 48 : index
      %swap3A_1064 = tpu.vector_load %arg10[%swap3A_1062, %swap3A_1063] {strides = array<i32>} : memref<512x64xf32, #tpu.memory_space<vmem>>, vector<16xf32>,
      tpu.vector_store %arg10[%swap3A_1062, %swap3A_1063], %gather3A_1059 {strides = array<i32>} : memref<512x64xf32, #tpu.memory_space<vmem>>, vector<16xf32>,
    }
    %scan3A_77 = arith.constant 32 : i32
    "tpu.region"() ({
      %run_scoped3A = tpu.sem_alloc : memref<!tpu.dma_semaphore, #tpu.memory_space<semaphore_mem>>
      %dma_start3A_78 = arith.constant 0 : i32
      %dma_start3A_79 = tpu.memref_slice %arg7[%mul3A_2, %dma_start3A_78] : memref<16384x64xf32, #tpu.memory_space<hbm>> -> memref<512x64xf32, #tpu.memory_space<hbm>>
      %dma_start3A_80 = arith.constant 0 : i32
      %dma_start3A_81 = tpu.memref_slice %arg7[%mul3A_2, %dma_start3A_80] : memref<16384x64xf32, #tpu.memory_space<hbm>> -> memref<512x64xf32, #tpu.memory_space<hbm>>
      tpu.enqueue_dma source(%arg10 : memref<512x64xf32, #tpu.memory_space<vmem>>) target(%dma_start3A_81 : memref<512x64xf32, #tpu.memory_space<hbm>>) target_semaphore(%run_scoped3A : memref<!tpu.dma_semaphore, #tpu.memory_space<semaphore_mem>>)
      %dma_wait3A = arith.constant 0 : i32
      %dma_wait3A_82 = tpu.memref_slice %arg7[%mul3A_2, %dma_wait3A] : memref<16384x64xf32, #tpu.memory_space<hbm>> -> memref<512x64xf32, #tpu.memory_space<hbm>>
      %dma_wait3A_83 = arith.constant 0 : i32
      %dma_wait3A_84 = tpu.memref_slice %arg7[%mul3A_2, %dma_wait3A_83] : memref<16384x64xf32, #tpu.memory_space<hbm>> -> memref<512x64xf32, #tpu.memory_space<hbm>>
      tpu.wait_dma2 semaphore(%run_scoped3A : memref<!tpu.dma_semaphore, #tpu.memory_space<semaphore_mem>>) src(%arg10 : memref<512x64xf32, #tpu.memory_space<vmem>>) dst(%dma_wait3A_84 : memref<512x64xf32, #tpu.memory_space<hbm>>)
      tpu.yield
    }) : () -> ()
    return
  }
}

module attributes {stable_mosaic.version = 14 : i64} {
  func.func @_mlp_body(%arg0: i32, %arg1: memref<2048x64xf32, #tpu.memory_space<vmem>>, %arg2: memref<2048x64xf32, #tpu.memory_space<vmem>>, %arg3: memref<64x128xf32, #tpu.memory_space<vmem>>, %arg4: memref<64x128xf32, #tpu.memory_space<vmem>>, %arg5: memref<1x128xf32, #tpu.memory_space<vmem>>, %arg6: memref<1x128xf32, #tpu.memory_space<vmem>>, %arg7: memref<1x1xf32, #tpu.memory_space<vmem>>, %arg8: memref<2048xf32, #tpu.memory_space<vmem>>) attributes {dimension_semantics = [#tpu.dimension_semantics<arbitrary>], iteration_bounds = array<i64: 8>, scalar_prefetch = 0 : i64, scratch_operands = 0 : i64, tpu.core_type = #tpu.core_type<tc>, window_params = [{transform_indices = @transform_0, window_bounds = array<i64: 2048, 64>}, {transform_indices = @transform_1, window_bounds = array<i64: 2048, 64>}, {pipeline_mode = #tpu.pipeline_mode<synchronous>, transform_indices = @transform_2, window_bounds = array<i64: 64, 128>}, {pipeline_mode = #tpu.pipeline_mode<synchronous>, transform_indices = @transform_3, window_bounds = array<i64: 64, 128>}, {pipeline_mode = #tpu.pipeline_mode<synchronous>, transform_indices = @transform_4, window_bounds = array<i64: 1, 128>}, {pipeline_mode = #tpu.pipeline_mode<synchronous>, transform_indices = @transform_5, window_bounds = array<i64: 1, 128>}, {pipeline_mode = #tpu.pipeline_mode<synchronous>, transform_indices = @transform_6, window_bounds = array<i64: 1, 1>}, {transform_indices = @transform_7, window_bounds = array<i64: 2048>}]} {
    %get3A = arith.constant 0 : index
    %get3A_0 = arith.constant 0 : index
    %get3A_1 = vector.load %arg1[%get3A, %get3A_0] : memref<2048x64xf32, #tpu.memory_space<vmem>>, vector<2048x64xf32>
    %get3A_2 = arith.constant 0 : index
    %get3A_3 = arith.constant 0 : index
    %get3A_4 = vector.load %arg3[%get3A_2, %get3A_3] : memref<64x128xf32, #tpu.memory_space<vmem>>, vector<64x128xf32>
    %dot_general3A = arith.constant dense<0.000000e+00> : vector<2048x128xf32>
    %dot_general3A_5 = tpu.matmul %get3A_1, %get3A_4, %dot_general3A {dimension_numbers = #tpu.dot_dimension_numbers<[1], [0], [0], [1], [0, 0, 1, 1], [], []>, transpose_lhs_hint = false} : vector<2048x64xf32>, vector<64x128xf32>, vector<2048x128xf32> -> vector<2048x128xf32>
    %get3A_6 = arith.constant 0 : index
    %get3A_7 = arith.constant 0 : index
    %get3A_8 = vector.load %arg2[%get3A_6, %get3A_7] : memref<2048x64xf32, #tpu.memory_space<vmem>>, vector<2048x64xf32>
    %get3A_9 = arith.constant 0 : index
    %get3A_10 = arith.constant 0 : index
    %get3A_11 = vector.load %arg4[%get3A_9, %get3A_10] : memref<64x128xf32, #tpu.memory_space<vmem>>, vector<64x128xf32>
    %dot_general3A_12 = arith.constant dense<0.000000e+00> : vector<2048x128xf32>
    %dot_general3A_13 = tpu.matmul %get3A_8, %get3A_11, %dot_general3A_12 {dimension_numbers = #tpu.dot_dimension_numbers<[1], [0], [0], [1], [0, 0, 1, 1], [], []>, transpose_lhs_hint = false} : vector<2048x64xf32>, vector<64x128xf32>, vector<2048x128xf32> -> vector<2048x128xf32>
    %add3A = arith.addf %dot_general3A_5, %dot_general3A_13 : vector<2048x128xf32>
    %get3A_14 = arith.constant 0 : index
    %get3A_15 = arith.constant 0 : index
    %get3A_16 = vector.load %arg5[%get3A_14, %get3A_15] : memref<1x128xf32, #tpu.memory_space<vmem>>, vector<1x128xf32>
    %add3A_17 = vector.broadcast %get3A_16 : vector<1x128xf32> to vector<2048x128xf32>
    %add3A_18 = arith.addf %add3A, %add3A_17 : vector<2048x128xf32>
    %max3A = arith.constant 0.000000e+00 : f32
    %max3A_19 = vector.broadcast %max3A : f32 to vector<2048x128xf32>
    %max3A_20 = arith.maximumf %add3A_18, %max3A_19 : vector<2048x128xf32>
    %get3A_21 = arith.constant 0 : index
    %get3A_22 = arith.constant 0 : index
    %get3A_23 = vector.load %arg6[%get3A_21, %get3A_22] : memref<1x128xf32, #tpu.memory_space<vmem>>, vector<1x128xf32>
    %mul3A = vector.broadcast %get3A_23 : vector<1x128xf32> to vector<2048x128xf32>
    %mul3A_24 = arith.mulf %max3A_20, %mul3A : vector<2048x128xf32>
    %reduce_sum3A = arith.constant dense<0.000000e+00> : vector<2048xf32>
    %reduce_sum3A_25 = vector.multi_reduction <add>, %mul3A_24, %reduce_sum3A [1] : vector<2048x128xf32> to vector<2048xf32>
    %get3A_26 = arith.constant 0 : index
    %get3A_27 = arith.constant 0 : index
    %get3A_28 = vector.load %arg7[%get3A_26, %get3A_27] : memref<1x1xf32, #tpu.memory_space<vmem>>, vector<1x1xf32>
    %get3A_29 = vector.extract %get3A_28[0, 0] : f32 from vector<1x1xf32>
    %add3A_30 = vector.broadcast %get3A_29 : f32 to vector<2048xf32>
    %add3A_31 = arith.addf %reduce_sum3A_25, %add3A_30 : vector<2048xf32>
    %logistic3A = arith.negf %add3A_31 : vector<2048xf32>
    %logistic3A_32 = math.exp %logistic3A : vector<2048xf32>
    %logistic3A_33 = arith.constant 1.000000e+00 : f32
    %logistic3A_34 = vector.broadcast %logistic3A_33 : f32 to vector<2048xf32>
    %logistic3A_35 = arith.addf %logistic3A_34, %logistic3A_32 : vector<2048xf32>
    %logistic3A_36 = arith.divf %logistic3A_34, %logistic3A_35 : vector<2048xf32>
    %swap3A = arith.constant 0 : index
    %swap3A_37 = vector.load %arg8[%swap3A] : memref<2048xf32, #tpu.memory_space<vmem>>, vector<2048xf32>
    tpu.vector_store %arg8[%swap3A], %logistic3A_36 {strides = array<i32>} : memref<2048xf32, #tpu.memory_space<vmem>>, vector<2048xf32>,
    return
  }
  func.func @transform_0(%arg0: i32) -> (i32, i32) {
    %c0_i32 = arith.constant 0 : i32
    %c0_i32_0 = arith.constant 0 : i32
    return %arg0, %c0_i32 : i32, i32
  }
  func.func @transform_1(%arg0: i32) -> (i32, i32) {
    %c0_i32 = arith.constant 0 : i32
    %c0_i32_0 = arith.constant 0 : i32
    return %arg0, %c0_i32 : i32, i32
  }
  func.func @transform_2(%arg0: i32) -> (i32, i32) {
    %c0_i32 = arith.constant 0 : i32
    %c0_i32_0 = arith.constant 0 : i32
    %c0_i32_1 = arith.constant 0 : i32
    return %c0_i32, %c0_i32_0 : i32, i32
  }
  func.func @transform_3(%arg0: i32) -> (i32, i32) {
    %c0_i32 = arith.constant 0 : i32
    %c0_i32_0 = arith.constant 0 : i32
    %c0_i32_1 = arith.constant 0 : i32
    return %c0_i32, %c0_i32_0 : i32, i32
  }
  func.func @transform_4(%arg0: i32) -> (i32, i32) {
    %c0_i32 = arith.constant 0 : i32
    %c0_i32_0 = arith.constant 0 : i32
    %c0_i32_1 = arith.constant 0 : i32
    return %c0_i32, %c0_i32_0 : i32, i32
  }
  func.func @transform_5(%arg0: i32) -> (i32, i32) {
    %c0_i32 = arith.constant 0 : i32
    %c0_i32_0 = arith.constant 0 : i32
    %c0_i32_1 = arith.constant 0 : i32
    return %c0_i32, %c0_i32_0 : i32, i32
  }
  func.func @transform_6(%arg0: i32) -> (i32, i32) {
    %c0_i32 = arith.constant 0 : i32
    %c0_i32_0 = arith.constant 0 : i32
    %c0_i32_1 = arith.constant 0 : i32
    return %c0_i32, %c0_i32_0 : i32, i32
  }
  func.func @transform_7(%arg0: i32) -> i32 {
    %c0_i32 = arith.constant 0 : i32
    return %arg0 : i32
  }
}

</mosaic_0001>

<sc_bundles>
// kernel: kernel.4.cloned.1.call-start
scs
__scs_entry_jumppad:
0x0: {  	(pc) =	sbr.rel $0x88, $3  }
0x1: {  	(tag) =	ssettag $0x0;
	lr =	simm.s32 $0x1  }
0x2: {  	[smem:$0x3F99] =	sst lr;
	_ =	strace $0xD0000000  }
0x3: {  	_ = 	snop  }
0x4: {  	_ = 	snop  }
0x5: {  	_ = 	snop  }
0x6: {  	_ = 	snop  }
0x7: {  	_ = 	snop  }
__scs_overlays_trampoline_lowered:
0x8: {  	[smem:$0x3FA8] =	sst s0  }
0x9: {  	[smem:$0x3FA9] =	sst s1  }
0xa: {  	[smem:$0x3FAA] =	sst s2  }
0xb: {  	[smem:$0x3FAB] =	sst s3  }
0xc: {  	[smem:$0x3FAC] =	sst s4  }
0xd: {  	[smem:$0x3FAD] =	sst s5  }
0xe: {  	[smem:$0x3FAE] =	sst s6  }
0xf: {  	[smem:$0x3FAF] =	sst s7  }
0x10: {  	[smem:$0x3FB0] =	sst s8  }
0x11: {  	[smem:$0x3FB1] =	sst s9;
	s0 =	simm.s32 @!p0 $0x0  }
0x12: {  	s1 =	sld [smem:$0x3F97];
	s0 =	simm.s32 @p0 $0x1  }
0x13: {  	[smem:$0x3FB2] =	sst s0;
	s0 =	simm.s32 @!p1 $0x0  }
0x14: {  	s2 =	sld [smem:$0x3F96];
	s0 =	simm.s32 @p1 $0x1  }
0x15: {  	[smem:$0x3FB3] =	sst s0;
	s0 =	simm.s32 @!p2 $0x0  }
0x16: {  	s3 =	sld [smem:$0x3FDB];
	s0 =	simm.s32 @p2 $0x1  }
0x17: {  	s4 =	simm.s32 $0x1BF5;
	[smem:$0x3FB5] =	sst s0  }
0x18: {  	s0 =	sld [smem:$0x3F98];
	_ =	swait.ge [sflag:s4], $0x0  }
0x19: {  	s7 =	sld [smem:$0x3F99]  }
0x1a: {  	s8 =	sadd.s32 $0xFFFFE003, lr  }
0x1b: {  	s9 =	sadd.s32 $0xFFFFFEF7, lr;
	s5 =	simm.s32 $0xFFFFFFFF;
	p2 =	slt.u32 s8, $0xFFFFF086  }
0x1c: {  	p1 =	slt.u32 s9, $0xF7A;
	s5 =	simm.s32 @!p2 $0x0  }
0x1d: {  	s5 =	simm.s32 @p1 $0x1;
	p0 =	seq.s32 s7, s2  }
0x1e: {  	s7 =	smul.u32 @!p0 $0xF7A, s2;
	p2 =	seq.s32 @!p0 s5, $0x0  }
0x1f: {  	s9 =	smul.u32 $0xF7A, s1;
	s8 =	simm.s32 @!p0 $0x1BF5;
	p2 =	por !p2, p0  }
0x20: {  	[sflag:s8] =	ssyncset.s32 @!p0 $0xFFFFF086;
	s6 =	sadd.s32 @!p0 s3, s7;
	s7 =	simm.s32 @!p0 $0x108  }
0x21: {  	s3 =	sadd.s32 s3, s9;
	s6 =	sadd.s32 @!p0 $0x88, s6;
	s7 =	simm.s32 @p2 $0x1082  }
0x22: {  	[simem:s7], [sflag:s8] =	dma.local @!p0 [hbm:s6], $0xF7A  }
0x23: {  	s9 =	sor.u32 $0xD0000000, s2;
	s6 =	simm.s32 $0x108;
	_ =	swait.ge @!p0 [sflag:s8], $0x0  }
0x24: {  	s3 =	sadd.s32 $0x88, s3;
	s6 =	simm.s32 @!p1 $0x1082;
	[sflag:s4] =	ssyncset.s32 $0xFFFFF086  }
0x25: {  	[simem:s6], [sflag:s4] =	dma.local [hbm:s3], $0xF7A  }
0x26: {  	[smem:$0x3F99] =	sst s1;
	(tag) =	ssettag s2;
	_ =	strace s9  }
0x27: {  	s1 =	sld [smem:$0x3FA9]  }
0x28: {  	s2 =	sld [smem:$0x3FAA]  }
0x29: {  	s4 =	sld [smem:$0x3FAC]  }
0x2a: {  	p0 =	seq.s32 s5, $0x0;
	s5 =	sld [smem:$0x3FAD]  }
0x2b: {  	s6 =	sld [smem:$0x3FAE]  }
0x2c: {  	s7 =	sld [smem:$0x3FAF]  }
0x2d: {  	s3 =	simm.s32 $0x108;
	s8 =	sld [smem:$0x3FB0]  }
0x2e: {  	s3 =	simm.s32 @!p0 $0x1082;
	s9 =	sld [smem:$0x3FB1]  }
0x2f: {  	lr =	sadd.s32 s0, s3;
	s0 =	sld [smem:$0x3FA8]  }
0x30: {  	s3 =	sld [smem:$0x3FAB]  }
0x31: {  	[smem:$0x3FB4] =	sst s10  }
0x32: {  	s10 =	sld [smem:$0x3FB2];
	_ =	sdelay $0x3  }
0x33: {  	p0 =	seq.s32 s10, $0x1;
	s10 =	sld [smem:$0x3FB4];
	_ =	sdelay $0x3  }
0x34: {  	[smem:$0x3FB4] =	sst s10  }
0x35: {  	s10 =	sld [smem:$0x3FB3];
	_ =	sdelay $0x3  }
0x36: {  	p1 =	seq.s32 s10, $0x1;
	s10 =	sld [smem:$0x3FB4];
	_ =	sdelay $0x3  }
0x37: {  	[smem:$0x3FB4] =	sst s10  }
0x38: {  	s10 =	sld [smem:$0x3FB5]  }
0x39: {  	_ = 	snop;
	(pc) =	sbr.ind lr, $3  }
0x3a: {  	_ = 	snop  }
0x3b: {  	_ = 	snop  }
0x3c: {  	p2 =	seq.s32 s10, $0x1;
	s10 =	sld [smem:$0x3FB4]  }
0x3d: {  	_ =	shalt  }
0x3e: {  	_ =	shalt  }
0x3f: {  	_ =	shalt  }
0x40: {  	_ =	shalt  }
0x41: {  	_ =	shalt  }
0x42: {  	_ =	shalt  }
0x43: {  	_ =	shalt  }
0x44: {  	_ =	shalt  }
0x45: {  	_ =	shalt  }
0x46: {  	_ =	shalt  }
0x47: {  	_ =	shalt  }
0x48: {  	_ =	shalt  }
0x49: {  	_ =	shalt  }
0x4a: {  	_ =	shalt  }
0x4b: {  	_ =	shalt  }
0x4c: {  	_ =	shalt  }
0x4d: {  	_ =	shalt  }
0x4e: {  	_ =	shalt  }
0x4f: {  	_ =	shalt  }
0x50: {  	_ =	shalt  }
0x51: {  	_ =	shalt  }
0x52: {  	_ =	shalt  }
0x53: {  	_ =	shalt  }
0x54: {  	_ =	shalt  }
0x55: {  	_ =	shalt  }
0x56: {  	_ =	shalt  }
0x57: {  	_ =	shalt  }
0x58: {  	_ =	shalt  }
0x59: {  	_ =	shalt  }
0x5a: {  	_ =	shalt  }
0x5b: {  	_ =	shalt  }
0x5c: {  	_ =	shalt  }
0x5d: {  	_ =	shalt  }
0x5e: {  	_ =	shalt  }
0x5f: {  	_ =	shalt  }
0x60: {  	_ =	shalt  }
0x61: {  	_ =	shalt  }
0x62: {  	_ =	shalt  }
0x63: {  	_ =	shalt  }
0x64: {  	_ =	shalt  }
0x65: {  	_ =	shalt  }
0x66: {  	_ =	shalt  }
0x67: {  	_ =	shalt  }
0x68: {  	_ =	shalt  }
0x69: {  	_ =	shalt  }
0x6a: {  	_ =	shalt  }
0x6b: {  	_ =	shalt  }
0x6c: {  	_ =	shalt  }
0x6d: {  	_ =	shalt  }
0x6e: {  	_ =	shalt  }
0x6f: {  	_ =	shalt  }
0x70: {  	_ =	shalt  }
0x71: {  	_ =	shalt  }
0x72: {  	_ =	shalt  }
0x73: {  	_ =	shalt  }
0x74: {  	_ =	shalt  }
0x75: {  	_ =	shalt  }
0x76: {  	_ =	shalt  }
0x77: {  	_ =	shalt  }
0x78: {  	_ =	shalt  }
0x79: {  	_ =	shalt  }
0x7a: {  	_ =	shalt  }
0x7b: {  	_ =	shalt  }
0x7c: {  	_ =	shalt  }
0x7d: {  	_ =	shalt  }
0x7e: {  	_ =	shalt  }
0x7f: {  	_ =	shalt  }
0x80: {  	_ =	shalt  }
0x81: {  	_ =	shalt  }
0x82: {  	_ =	shalt  }
0x83: {  	_ =	shalt  }
0x84: {  	_ =	shalt  }
0x85: {  	_ =	shalt  }
0x86: {  	_ =	shalt  }
0x87: {  	_ =	shalt  }
.Lfunc_end0:
.L_simem_size_0:
called_computation_lowered:
.L_overlay_start_0:
0x88: {  	s2 =	sld [smem:$0x3FD9]  }
0x89: {  	s3 =	sld [smem:$0x3FFE];
	_ =	sdelay $0x1  }
0x8a: {  	s1 =	srdreg.scid  }
0x8b: {  	s0 =	sand.u32 $0x1, s1  }
0x8c: {  	s17 =	sshll.u32 s0, $0xA;
	s2 =	sadd.s32 s3, s2  }
0x8d: {  	s2 =	sadd.s32 s2, s17  }
0x8e: {  	[smem:$0x3FC0] =	sst s2  }
0x8f: {  	_ = 	snop  }
0x90: {  	s2 =	sld [smem:$0x3FC9]  }
0x91: {  	s18 =	sld [smem:$0x3FC8]  }
0x92: {  	s4 =	sld [smem:$0x3FC7]  }
0x93: {  	s5 =	sld [smem:$0x3FC6];
	(tm) =	ssettm $0x1  }
0x94: {  	s6 =	sld [smem:$0x3FFB];
	_ =	sdelay $0x3  }
0x95: {  	_ =	strace s6  }
0x96: {  	s6 =	sld [smem:$0x3FFC];
	_ =	sdelay $0x3  }
0x97: {  	_ =	strace s6  }
0x98: {  	s6 =	sld [smem:$0x3FFD];
	_ =	sdelay $0x3  }
0x99: {  	_ =	strace s6  }
0x9a: {  	_ =	strace $0x8FFFFFFF  }
0x9b: {  	s19 =	sld [smem:$0x3FDB];
	_ =	sdelay $0x1  }
0x9c: {  	s7 =	simm.s32 $_scs_section_size  }
0x9d: {  	s8 =	simm.s32 $_size__tile_overlayer_lowered;
	s9 =	simm.s32 $_tile_overlayer_lowered  }
0x9e: {  	s22 =	simm.s32 $0x1BFF;
	s21 =	sshll.u32 s9, $0x1;
	s6 =	sadd.s32 s7, s19  }
0x9f: {  	s10 =	simm.s32 $0x0;
	s20 =	sshll.u32 s8, $0x1;
	s8 =	sadd.s32 s21, s6  }
0xa0: {  	[timem:s10], [sflag:s22] =	dma.local [hbm:s8], s20  }
0xa1: {  	_ =	swait.ge [sflag:s22], s20  }
0xa2: {  	s7 =	ssub.s32 $0x0, s20;
	[sflag:s22] =	ssyncset.done $0x0  }
0xa3: {  	[sflag:s22] =	ssyncadd.s32 s7;
	_ =	sdelay $0x1  }
0xa4: {  	s23 =	simm.s32 $0x1B8B  }
0xa5: {  	_ =	swait.ge [sflag:s23], $0x1  }
0xa6: {  	[sflag:s23] =	ssyncset.done $0x0  }
0xa7: {  	s25 =	simm.s32 $0x1B8E;
	s24 =	sld [smem:$0x3FFE];
	[sflag:s23] =	ssyncadd.s32 $0xFFFFFFFF  }
0xa8: {  	s26 =	simm.s32 $execute0_lowered;
	[smem:$0x3FD2] =	sst s25  }
0xa9: {  	s8 =	sshll.u32 s26, $0x1;
	_ =	strace $0x80000046;
	[dreg:$0x1] =	wrdreg $0xFFFFFFFF  }
0xaa: {  	s28 =	simm.s32 $_size_execute0_lowered;
	s6 =	sadd.s32 s6, s8;
	[dreg:$0x0] =	wrdreg $0x0  }
0xab: {  	s8 =	sshll.u32 s28, $0x1;
	[dreg:$0x2] =	wrdreg s6  }
0xac: {  	[dreg:$0x3] =	wrdreg s8  }
0xad: {  	[dreg:$0x4] =	wrdreg $0xC0  }
0xae: {  	_ =	task [dreg:s10], $0x5FFFF  }
0xaf: {  	[dreg:$0x1] =	wrdreg $0xFFFFFFFF  }
0xb0: {  	[dreg:$0x0] =	wrdreg $0x60  }
0xb1: {  	[dreg:$0x2] =	wrdreg s2  }
0xb2: {  	[dreg:$0x3] =	wrdreg s18  }
0xb3: {  	[dreg:$0x4] =	wrdreg s4  }
0xb4: {  	[dreg:$0x5] =	wrdreg s5  }
0xb5: {  	[dreg:$0x6] =	wrdreg s24  }
0xb6: {  	[dreg:$0x7] =	wrdreg $0x9  }
0xb7: {  	_ =	task.clear_ibuf [dreg:s10], $0x8FFFF;
	_ =	strace $0x90000046  }
0xb8: {  	s29 =	simm.s32 $0x9;
	_ =	strace $0x80000048  }
0xb9: {  	_ =	swait.ge [sflag:s29], $0x1  }
0xba: {  	[sflag:s29] =	ssyncadd.s32 $0xFFFFFFFF  }
0xbb: {  	_ =	strace $0x90000048  }
0xbc: {  	_ =	sfence  }
0xbd: {  	s30 =	sld [smem:$0x0];
	_ =	sdelay $0x2  }
0xbe: {  	s31 =	sshll.u32 s1, $0xD;
	s1 =	sshrl.u32 s1, $0x2  }
0xbf: {  	s3 =	sand.u32 $0x4000, s31;
	s1 =	sadd.s32 s1, s30  }
0xc0: {  	s0 =	sor.u32 s3, s0;
	s1 =	sshll.u32 s1, $0x11  }
0xc1: {  	s0 =	sor.u32 s1, s0  }
0xc2: {  	s0 =	sadd.s32 $0x8F2B, s0  }
0xc3: {  	[sflag:s0] =	ssyncadd.remote.s32 $0x1  }
0xc4: {  	_ =	sfence.sel $0xFFFF  }
0xc5: {  	[dreg:$0x0] =	wrdreg $0xFFFFFFFF;
	(pc) =	sbr.abs _section_cstart, $3  }
0xc6: {  	[dreg:$0x1] =	wrdreg $0xFFFFFFFF  }
0xc7: {  	_ =	task.clear_ibuf [dreg:s10], $0x2FFFF;
	_ =	strace $0x9FFFFFFF  }
0xc8: {  	(tm) =	ssettm $0x7FFFFFFF  }
0xc9: {  	_ =	shalt  }
tec
execute0_lowered:
.L_overlay_start_1:
0x0: {  	(tag) =	ssettag $0x1  }
0x1: {  	s5 =	rddreg [dreg:$0x0]  }
0x2: {  	s6 =	rddreg [dreg:$0x1]  }
0x3: {  	s1 =	rddreg [dreg:$0x2]  }
0x4: {  	s2 =	rddreg [dreg:$0x3]  }
0x5: {  	s7 =	rddreg [dreg:$0x4];
	s8 =	srdreg.scid  }
0x6: {  	s4 =	simm.s32 $0x0;
	s0 =	stileid.u32;
	s12 =	simm.s32 $0x400  }
0x7: {  	s13 =	simm.s32 $0x7A1400;
	s14 =	simm.s32 $0x10500;
	s15 =	simm.s32 $0x12500  }
0x8: {  	s16 =	simm.s32 $0x14500;
	s17 =	simm.s32 $0x16500;
	s18 =	simm.s32 $0x1  }
0x9: {  	s19 =	simm.s32 $0x2;
	s20 =	simm.s32 $0x3;
	s21 =	simm.s32 $0x4  }
0xa: {  	s22 =	simm.s32 $0x500;
	s23 =	simm.s32 $0x0;
	s8 =	sand.u32 $0x1, s8  }
0xb: {  	[smem:$0x7FF] =	sst s4;
	s9 =	sshll.u32 s0, $0xA;
	s10 =	sshll.u32 s8, $0x9  }
0xc: {  	_ =	strace $0x80000047;
	s8 =	ssub.s32 $0x2, s8;
	s9 =	sor.u32 s10, s9  }
0xd: {  	v0 =	vlaneseq.u32;
	s11 =	sshrl.u32 s8, $0x1;
	s10 =	sshll.u32 s9, $0x4;
	s9 =	sshrl.u32 s9, $0x3  }
0xe: {  	v0 =	vmul.u32 $0x80, v0;
	s11 =	ssub.s32 s8, s11;
	s10 =	sadd.s32 s10, s7;
	s5 =	sadd.s32 s5, s9  }
0xf: {  	s6 =	sadd.s32 s6, s9;
	s9 =	smax.u32 s11, $0x1;
	s11 =	simm.s32 $0x280  }
0x10: {  	v1 =	vor.u32 $0x800, v0;
	v2 =	vor.u32 $0x1000, v0;
	v3 =	vor.u32 $0x1800, v0;
	s7 =	sadd.s32 $0x1400, s10;
	s8 =	sadd.s32 $0x41400, s10;
	s10 =	simm.s32 $0x5  }
.LBB2_1:
0x11: {  	[tilespmem:s4], [sflag:$0x5] =	stream.linear.gather [hbm4b:s5+s4], $0x200, $0x38;
	[tilespmem:$0x18500] =	vst v63  }
0x12: {  	_ =	swait.ge [sflag:s10], $0x200  }
0x13: {  	[sflag:s10] =	ssyncset.done $0x0  }
0x14: {  	[sflag:s10] =	ssyncadd.s32 $0xFFFFFE00  }
0x15: {  	[tilespmem:s11], [sflag:$0x5] =	stream.linear.gather [hbm4b:s6+s4], $0x200, $0x38;
	[tilespmem:$0x18500] =	vst v63  }
0x16: {  	_ =	swait.ge [sflag:s10], $0x200  }
0x17: {  	[sflag:s10] =	ssyncset.done $0x0  }
0x18: {  	[sflag:s10] =	ssyncadd.s32 $0xFFFFFE00  }
0x19: {  	v4 =	vld [tilespmem:$0x0];
	_ =	sdelay $0x4  }
0x1a: {  	(v2sf) =	vpush v4, $0x0  }
0x1b: {  	(v2sf) =	vpush v4, $0x1;
	_ =	sdelay $0x2  }
0x1c: {  	(v2sf) =	vpush v4, $0x2;
	_ =	sdelay $0xa  }
0x1d: {  	s24 =	spop (v2sf)  }
0x1e: {  	s24 =	sand.u32 $0xFFFFF80, s24;
	s25 =	spop (v2sf)  }
0x1f: {  	s24 =	sadd.s32 s1, s24;
	s30 =	sand.u32 $0xFFFFF80, s25  }
0x20: {  	[tilespmem:s14], [sflag:$0x1] =	stream.strided.gather [hbm4b:s24+s12], $0x2000, s13, s12, $0x38;
	[tilespmem:$0x18500] =	vst v63  }
0x21: {  	s31 =	spop (v2sf);
	s24 =	sadd.s32 s1, s30  }
0x22: {  	[tilespmem:s15], [sflag:$0x2] =	stream.strided.gather [hbm4b:s24+s12], $0x2000, s13, s12, $0x38;
	[tilespmem:$0x18500] =	vst v63  }
0x23: {  	s24 =	sand.u32 $0xFFFFF80, s31  }
0x24: {  	s24 =	sadd.s32 s1, s24  }
0x25: {  	[tilespmem:s16], [sflag:$0x3] =	stream.strided.gather [hbm4b:s24+s12], $0x2000, s13, s12, $0x38;
	[tilespmem:$0x18500] =	vst v63  }
0x26: {  	s25 =	simm.s32 $0x0;
	s24 =	simm.s32 $0x900  }
.LBB2_2:
0x27: {  	s28 =	sshra.s32 s25, $0x2  }
0x28: {  	v5 =	vld [tilespmem:s28+$0x0];
	_ =	sdelay $0x4  }
0x29: {  	(v2sf) =	vpush v5, $0x3;
	_ =	sdelay $0xe  }
0x2a: {  	s26 =	spop (v2sf)  }
0x2b: {  	s29 =	sand.u32 $0xFFFFF80, s26  }
0x2c: {  	s3 =	sadd.s32 s1, s29  }
0x2d: {  	v4 =	vld [tilespmem:s28+$0x10];
	[tilespmem:s17], [sflag:$0x4] =	stream.strided.gather [hbm4b:s3+s12], $0x2000, s13, s12, $0x38  }
0x2e: {  	_ =	swait.ge [sflag:s18], $0x2000  }
0x2f: {  	(v2sf) =	vpush v5, $0x0;
	_ =	sdelay $0xe  }
0x30: {  	s29 =	spop (v2sf)  }
0x31: {  	s28 =	sand.u32 $0x7F, s29  }
0x32: {  	v6 =	vor.u32 s28, v0;
	_ =	sdelay $0x2  }
0x33: {  	[sflag:s18] =	ssyncset.done $0x0  }
0x34: {  	[sflag:s18] =	ssyncadd.s32 $0xFFFFE000  }
0x35: {  	v6 =	vld.idx.msk [tilespmem:v6+s14+$0x0], $0xffff  }
0x36: {  	v7 =	vor.u32 s28, v1;
	_ =	sdelay $0x3  }
0x37: {  	[tilespmem:s24+$0xFFFFFC00] =	vst v6  }
0x38: {  	(v2sf) =	vpush v5, $0x4;
	v6 =	vld.idx.msk [tilespmem:v7+s14+$0x0], $0xffff  }
0x39: {  	v12 =	vor.u32 s28, v2;
	_ =	sdelay $0x3  }
0x3a: {  	[tilespmem:s24+$0xFFFFFC10] =	vst v6  }
0x3b: {  	v6 =	vld.idx.msk [tilespmem:v12+s14+$0x0], $0xffff  }
0x3c: {  	v13 =	vor.u32 s28, v3;
	_ =	sdelay $0x3  }
0x3d: {  	[tilespmem:s24+$0xFFFFFC20] =	vst v6  }
0x3e: {  	v6 =	vld.idx.msk [tilespmem:v13+s14+$0x0], $0xffff;
	_ =	sdelay $0x2  }
0x3f: {  	s28 =	spop (v2sf)  }
0x40: {  	s30 =	sand.u32 $0xFFFFF80, s28  }
0x41: {  	s29 =	sadd.s32 s1, s30;
	[tilespmem:s24+$0xFFFFFC30] =	vst v6  }
0x42: {  	[tilespmem:s14], [sflag:$0x1] =	stream.strided.gather [hbm4b:s29+s12], $0x2000, s13, s12, $0x38;
	[tilespmem:$0x18500] =	vst v63  }
0x43: {  	_ =	swait.ge [sflag:s19], $0x2000  }
0x44: {  	(v2sf) =	vpush v5, $0x1;
	_ =	sdelay $0xe  }
0x45: {  	s31 =	spop (v2sf)  }
0x46: {  	s29 =	sand.u32 $0x7F, s31  }
0x47: {  	v14 =	vor.u32 s29, v0;
	_ =	sdelay $0x2  }
0x48: {  	[sflag:s19] =	ssyncset.done $0x0  }
0x49: {  	[sflag:s19] =	ssyncadd.s32 $0xFFFFE000  }
0x4a: {  	v6 =	vld.idx.msk [tilespmem:v14+s15+$0x0], $0xffff  }
0x4b: {  	v15 =	vor.u32 s29, v1;
	_ =	sdelay $0x3  }
0x4c: {  	[tilespmem:s24+$0xFFFFFC80] =	vst v6  }
0x4d: {  	(v2sf) =	vpush v5, $0x5;
	v6 =	vld.idx.msk [tilespmem:v15+s15+$0x0], $0xffff  }
0x4e: {  	v16 =	vor.u32 s29, v2;
	_ =	sdelay $0x3  }
0x4f: {  	[tilespmem:s24+$0xFFFFFC90] =	vst v6  }
0x50: {  	v6 =	vld.idx.msk [tilespmem:v16+s15+$0x0], $0xffff  }
0x51: {  	v17 =	vor.u32 s29, v3;
	_ =	sdelay $0x3  }
0x52: {  	[tilespmem:s24+$0xFFFFFCA0] =	vst v6  }
0x53: {  	v6 =	vld.idx.msk [tilespmem:v17+s15+$0x0], $0xffff;
	_ =	sdelay $0x2  }
0x54: {  	s29 =	spop (v2sf)  }
0x55: {  	s30 =	sand.u32 $0xFFFFF80, s29  }
0x56: {  	s30 =	sadd.s32 s1, s30;
	[tilespmem:s24+$0xFFFFFCB0] =	vst v6  }
0x57: {  	[tilespmem:s15], [sflag:$0x2] =	stream.strided.gather [hbm4b:s30+s12], $0x2000, s13, s12, $0x38;
	[tilespmem:$0x18500] =	vst v63  }
0x58: {  	_ =	swait.ge [sflag:s20], $0x2000  }
0x59: {  	(v2sf) =	vpush v5, $0x2;
	_ =	sdelay $0xe  }
0x5a: {  	s0 =	spop (v2sf)  }
0x5b: {  	s30 =	sand.u32 $0x7F, s0  }
0x5c: {  	v18 =	vor.u32 s30, v0;
	_ =	sdelay $0x2  }
0x5d: {  	[sflag:s20] =	ssyncset.done $0x0  }
0x5e: {  	[sflag:s20] =	ssyncadd.s32 $0xFFFFE000  }
0x5f: {  	v6 =	vld.idx.msk [tilespmem:v18+s16+$0x0], $0xffff  }
0x60: {  	v19 =	vor.u32 s30, v1;
	_ =	sdelay $0x3  }
0x61: {  	[tilespmem:s24+$0xFFFFFD00] =	vst v6  }
0x62: {  	(v2sf) =	vpush v5, $0x6;
	v6 =	vld.idx.msk [tilespmem:v19+s16+$0x0], $0xffff  }
0x63: {  	v20 =	vor.u32 s30, v2;
	_ =	sdelay $0x3  }
0x64: {  	[tilespmem:s24+$0xFFFFFD10] =	vst v6  }
0x65: {  	v6 =	vld.idx.msk [tilespmem:v20+s16+$0x0], $0xffff  }
0x66: {  	v21 =	vor.u32 s30, v3;
	_ =	sdelay $0x3  }
0x67: {  	[tilespmem:s24+$0xFFFFFD20] =	vst v6  }
0x68: {  	v6 =	vld.idx.msk [tilespmem:v21+s16+$0x0], $0xffff;
	_ =	sdelay $0x2  }
0x69: {  	s30 =	spop (v2sf)  }
0x6a: {  	s26 =	sand.u32 $0x7F, s26;
	s31 =	sand.u32 $0xFFFFF80, s30  }
0x6b: {  	v22 =	vor.u32 s26, v0;
	s31 =	sadd.s32 s1, s31;
	[tilespmem:s24+$0xFFFFFD30] =	vst v6  }
0x6c: {  	[tilespmem:s16], [sflag:$0x3] =	stream.strided.gather [hbm4b:s31+s12], $0x2000, s13, s12, $0x38;
	[tilespmem:$0x18500] =	vst v63  }
0x6d: {  	_ =	swait.ge [sflag:s21], $0x2000  }
0x6e: {  	[sflag:s21] =	ssyncset.done $0x0  }
0x6f: {  	[sflag:s21] =	ssyncadd.s32 $0xFFFFE000  }
0x70: {  	v6 =	vld.idx.msk [tilespmem:v22+s17+$0x0], $0xffff  }
0x71: {  	v23 =	vor.u32 s26, v1;
	_ =	sdelay $0x3  }
0x72: {  	[tilespmem:s24+$0xFFFFFD80] =	vst v6  }
0x73: {  	(v2sf) =	vpush v5, $0x7;
	v6 =	vld.idx.msk [tilespmem:v23+s17+$0x0], $0xffff  }
0x74: {  	v24 =	vor.u32 s26, v2;
	_ =	sdelay $0x3  }
0x75: {  	[tilespmem:s24+$0xFFFFFD90] =	vst v6  }
0x76: {  	v6 =	vld.idx.msk [tilespmem:v24+s17+$0x0], $0xffff  }
0x77: {  	v25 =	vor.u32 s26, v3;
	_ =	sdelay $0x3  }
0x78: {  	[tilespmem:s24+$0xFFFFFDA0] =	vst v6  }
0x79: {  	v6 =	vld.idx.msk [tilespmem:v25+s17+$0x0], $0xffff;
	_ =	sdelay $0x2  }
0x7a: {  	s26 =	spop (v2sf)  }
0x7b: {  	s28 =	sand.u32 $0x7F, s28;
	s3 =	sand.u32 $0xFFFFF80, s26  }
0x7c: {  	v26 =	vor.u32 s28, v0;
	s31 =	sadd.s32 s1, s3;
	[tilespmem:s24+$0xFFFFFDB0] =	vst v6  }
0x7d: {  	[tilespmem:s17], [sflag:$0x4] =	stream.strided.gather [hbm4b:s31+s12], $0x2000, s13, s12, $0x38;
	[tilespmem:$0x18500] =	vst v63  }
0x7e: {  	_ =	swait.ge [sflag:s18], $0x2000  }
0x7f: {  	[sflag:s18] =	ssyncset.done $0x0  }
0x80: {  	[sflag:s18] =	ssyncadd.s32 $0xFFFFE000  }
0x81: {  	v6 =	vld.idx.msk [tilespmem:v26+s14+$0x0], $0xffff  }
0x82: {  	v27 =	vor.u32 s28, v1;
	_ =	sdelay $0x3  }
0x83: {  	[tilespmem:s24+$0xFFFFFE00] =	vst v6  }
0x84: {  	(v2sf) =	vpush v5, $0x8;
	v6 =	vld.idx.msk [tilespmem:v27+s14+$0x0], $0xffff  }
0x85: {  	v28 =	vor.u32 s28, v2;
	_ =	sdelay $0x3  }
0x86: {  	[tilespmem:s24+$0xFFFFFE10] =	vst v6  }
0x87: {  	v6 =	vld.idx.msk [tilespmem:v28+s14+$0x0], $0xffff  }
0x88: {  	v29 =	vor.u32 s28, v3;
	_ =	sdelay $0x3  }
0x89: {  	[tilespmem:s24+$0xFFFFFE20] =	vst v6  }
0x8a: {  	v6 =	vld.idx.msk [tilespmem:v29+s14+$0x0], $0xffff;
	_ =	sdelay $0x2  }
0x8b: {  	s28 =	spop (v2sf)  }
0x8c: {  	s29 =	sand.u32 $0x7F, s29;
	s0 =	sand.u32 $0xFFFFF80, s28  }
0x8d: {  	v30 =	vor.u32 s29, v0;
	s31 =	sadd.s32 s1, s0;
	[tilespmem:s24+$0xFFFFFE30] =	vst v6  }
0x8e: {  	[tilespmem:s14], [sflag:$0x1] =	stream.strided.gather [hbm4b:s31+s12], $0x2000, s13, s12, $0x38;
	[tilespmem:$0x18500] =	vst v63  }
0x8f: {  	_ =	swait.ge [sflag:s19], $0x2000  }
0x90: {  	[sflag:s19] =	ssyncset.done $0x0  }
0x91: {  	[sflag:s19] =	ssyncadd.s32 $0xFFFFE000  }
0x92: {  	v6 =	vld.idx.msk [tilespmem:v30+s15+$0x0], $0xffff  }
0x93: {  	v31 =	vor.u32 s29, v1;
	_ =	sdelay $0x3  }
0x94: {  	[tilespmem:s24+$0xFFFFFE80] =	vst v6  }
0x95: {  	(v2sf) =	vpush v5, $0x9;
	v6 =	vld.idx.msk [tilespmem:v31+s15+$0x0], $0xffff  }
0x96: {  	v32 =	vor.u32 s29, v2;
	_ =	sdelay $0x3  }
0x97: {  	[tilespmem:s24+$0xFFFFFE90] =	vst v6  }
0x98: {  	v6 =	vld.idx.msk [tilespmem:v32+s15+$0x0], $0xffff  }
0x99: {  	v33 =	vor.u32 s29, v3;
	_ =	sdelay $0x3  }
0x9a: {  	[tilespmem:s24+$0xFFFFFEA0] =	vst v6  }
0x9b: {  	v6 =	vld.idx.msk [tilespmem:v33+s15+$0x0], $0xffff;
	_ =	sdelay $0x2  }
0x9c: {  	s29 =	spop (v2sf)  }
0x9d: {  	s30 =	sand.u32 $0x7F, s30;
	s3 =	sand.u32 $0xFFFFF80, s29  }
0x9e: {  	v34 =	vor.u32 s30, v0;
	s31 =	sadd.s32 s1, s3;
	[tilespmem:s24+$0xFFFFFEB0] =	vst v6  }
0x9f: {  	[tilespmem:s15], [sflag:$0x2] =	stream.strided.gather [hbm4b:s31+s12], $0x2000, s13, s12, $0x38;
	[tilespmem:$0x18500] =	vst v63  }
0xa0: {  	_ =	swait.ge [sflag:s20], $0x2000  }
0xa1: {  	[sflag:s20] =	ssyncset.done $0x0  }
0xa2: {  	[sflag:s20] =	ssyncadd.s32 $0xFFFFE000  }
0xa3: {  	v6 =	vld.idx.msk [tilespmem:v34+s16+$0x0], $0xffff  }
0xa4: {  	v35 =	vor.u32 s30, v1;
	_ =	sdelay $0x3  }
0xa5: {  	[tilespmem:s24+$0xFFFFFF00] =	vst v6  }
0xa6: {  	(v2sf) =	vpush v5, $0xA;
	v6 =	vld.idx.msk [tilespmem:v35+s16+$0x0], $0xffff  }
0xa7: {  	v36 =	vor.u32 s30, v2;
	_ =	sdelay $0x3  }
0xa8: {  	[tilespmem:s24+$0xFFFFFF10] =	vst v6  }
0xa9: {  	v6 =	vld.idx.msk [tilespmem:v36+s16+$0x0], $0xffff  }
0xaa: {  	v37 =	vor.u32 s30, v3;
	_ =	sdelay $0x3  }
0xab: {  	[tilespmem:s24+$0xFFFFFF20] =	vst v6  }
0xac: {  	v6 =	vld.idx.msk [tilespmem:v37+s16+$0x0], $0xffff;
	_ =	sdelay $0x2  }
0xad: {  	s30 =	spop (v2sf)  }
0xae: {  	s26 =	sand.u32 $0x7F, s26;
	s0 =	sand.u32 $0xFFFFF80, s30  }
0xaf: {  	v38 =	vor.u32 s26, v0;
	s31 =	sadd.s32 s1, s0;
	[tilespmem:s24+$0xFFFFFF30] =	vst v6  }
0xb0: {  	[tilespmem:s16], [sflag:$0x3] =	stream.strided.gather [hbm4b:s31+s12], $0x2000, s13, s12, $0x38;
	[tilespmem:$0x18500] =	vst v63  }
0xb1: {  	_ =	swait.ge [sflag:s21], $0x2000  }
0xb2: {  	[sflag:s21] =	ssyncset.done $0x0  }
0xb3: {  	[sflag:s21] =	ssyncadd.s32 $0xFFFFE000  }
0xb4: {  	v6 =	vld.idx.msk [tilespmem:v38+s17+$0x0], $0xffff  }
0xb5: {  	v39 =	vor.u32 s26, v1;
	_ =	sdelay $0x3  }
0xb6: {  	[tilespmem:s24+$0xFFFFFF80] =	vst v6  }
0xb7: {  	(v2sf) =	vpush v5, $0xB;
	v6 =	vld.idx.msk [tilespmem:v39+s17+$0x0], $0xffff  }
0xb8: {  	v40 =	vor.u32 s26, v2;
	_ =	sdelay $0x3  }
0xb9: {  	[tilespmem:s24+$0xFFFFFF90] =	vst v6  }
0xba: {  	v6 =	vld.idx.msk [tilespmem:v40+s17+$0x0], $0xffff  }
0xbb: {  	v41 =	vor.u32 s26, v3;
	_ =	sdelay $0x3  }
0xbc: {  	[tilespmem:s24+$0xFFFFFFA0] =	vst v6  }
0xbd: {  	v6 =	vld.idx.msk [tilespmem:v41+s17+$0x0], $0xffff;
	_ =	sdelay $0x2  }
0xbe: {  	s26 =	spop (v2sf)  }
0xbf: {  	s28 =	sand.u32 $0x7F, s28;
	s3 =	sand.u32 $0xFFFFF80, s26  }
0xc0: {  	v42 =	vor.u32 s28, v0;
	s31 =	sadd.s32 s1, s3;
	[tilespmem:s24+$0xFFFFFFB0] =	vst v6  }
0xc1: {  	[tilespmem:s17], [sflag:$0x4] =	stream.strided.gather [hbm4b:s31+s12], $0x2000, s13, s12, $0x38;
	[tilespmem:$0x18500] =	vst v63  }
0xc2: {  	_ =	swait.ge [sflag:s18], $0x2000  }
0xc3: {  	[sflag:s18] =	ssyncset.done $0x0  }
0xc4: {  	[sflag:s18] =	ssyncadd.s32 $0xFFFFE000  }
0xc5: {  	v6 =	vld.idx.msk [tilespmem:v42+s14+$0x0], $0xffff  }
0xc6: {  	v43 =	vor.u32 s28, v1;
	_ =	sdelay $0x3  }
0xc7: {  	[tilespmem:s24+$0x0] =	vst v6  }
0xc8: {  	(v2sf) =	vpush v5, $0xC;
	v6 =	vld.idx.msk [tilespmem:v43+s14+$0x0], $0xffff  }
0xc9: {  	v44 =	vor.u32 s28, v2;
	_ =	sdelay $0x3  }
0xca: {  	[tilespmem:s24+$0x10] =	vst v6  }
0xcb: {  	v6 =	vld.idx.msk [tilespmem:v44+s14+$0x0], $0xffff  }
0xcc: {  	v45 =	vor.u32 s28, v3;
	_ =	sdelay $0x3  }
0xcd: {  	[tilespmem:s24+$0x20] =	vst v6  }
0xce: {  	v6 =	vld.idx.msk [tilespmem:v45+s14+$0x0], $0xffff;
	_ =	sdelay $0x2  }
0xcf: {  	s31 =	spop (v2sf)  }
0xd0: {  	s29 =	sand.u32 $0x7F, s29;
	s0 =	sand.u32 $0xFFFFF80, s31  }
0xd1: {  	v46 =	vor.u32 s29, v0;
	s28 =	sadd.s32 s1, s0;
	[tilespmem:s24+$0x30] =	vst v6  }
0xd2: {  	[tilespmem:s14], [sflag:$0x1] =	stream.strided.gather [hbm4b:s28+s12], $0x2000, s13, s12, $0x38;
	[tilespmem:$0x18500] =	vst v63  }
0xd3: {  	_ =	swait.ge [sflag:s19], $0x2000  }
0xd4: {  	[sflag:s19] =	ssyncset.done $0x0  }
0xd5: {  	[sflag:s19] =	ssyncadd.s32 $0xFFFFE000  }
0xd6: {  	v6 =	vld.idx.msk [tilespmem:v46+s15+$0x0], $0xffff  }
0xd7: {  	v47 =	vor.u32 s29, v1;
	_ =	sdelay $0x3  }
0xd8: {  	[tilespmem:s24+$0x80] =	vst v6  }
0xd9: {  	(v2sf) =	vpush v5, $0xD;
	v6 =	vld.idx.msk [tilespmem:v47+s15+$0x0], $0xffff  }
0xda: {  	v48 =	vor.u32 s29, v2;
	_ =	sdelay $0x3  }
0xdb: {  	[tilespmem:s24+$0x90] =	vst v6  }
0xdc: {  	v6 =	vld.idx.msk [tilespmem:v48+s15+$0x0], $0xffff  }
0xdd: {  	v49 =	vor.u32 s29, v3;
	_ =	sdelay $0x3  }
0xde: {  	[tilespmem:s24+$0xA0] =	vst v6  }
0xdf: {  	v6 =	vld.idx.msk [tilespmem:v49+s15+$0x0], $0xffff;
	_ =	sdelay $0x2  }
0xe0: {  	s29 =	spop (v2sf)  }
0xe1: {  	s30 =	sand.u32 $0x7F, s30;
	s3 =	sand.u32 $0xFFFFF80, s29  }
0xe2: {  	v50 =	vor.u32 s30, v0;
	s28 =	sadd.s32 s1, s3;
	[tilespmem:s24+$0xB0] =	vst v6  }
0xe3: {  	[tilespmem:s15], [sflag:$0x2] =	stream.strided.gather [hbm4b:s28+s12], $0x2000, s13, s12, $0x38;
	[tilespmem:$0x18500] =	vst v63  }
0xe4: {  	_ =	swait.ge [sflag:s20], $0x2000  }
0xe5: {  	[sflag:s20] =	ssyncset.done $0x0  }
0xe6: {  	[sflag:s20] =	ssyncadd.s32 $0xFFFFE000  }
0xe7: {  	v6 =	vld.idx.msk [tilespmem:v50+s16+$0x0], $0xffff  }
0xe8: {  	v51 =	vor.u32 s30, v1;
	_ =	sdelay $0x3  }
0xe9: {  	[tilespmem:s24+$0x100] =	vst v6  }
0xea: {  	(v2sf) =	vpush v5, $0xE;
	v6 =	vld.idx.msk [tilespmem:v51+s16+$0x0], $0xffff  }
0xeb: {  	v52 =	vor.u32 s30, v2;
	_ =	sdelay $0x3  }
0xec: {  	[tilespmem:s24+$0x110] =	vst v6  }
0xed: {  	v6 =	vld.idx.msk [tilespmem:v52+s16+$0x0], $0xffff  }
0xee: {  	v53 =	vor.u32 s30, v3;
	_ =	sdelay $0x3  }
0xef: {  	[tilespmem:s24+$0x120] =	vst v6  }
0xf0: {  	v6 =	vld.idx.msk [tilespmem:v53+s16+$0x0], $0xffff;
	_ =	sdelay $0x2  }
0xf1: {  	s28 =	spop (v2sf)  }
0xf2: {  	s26 =	sand.u32 $0x7F, s26;
	s0 =	sand.u32 $0xFFFFF80, s28  }
0xf3: {  	v54 =	vor.u32 s26, v0;
	s30 =	sadd.s32 s1, s0;
	[tilespmem:s24+$0x130] =	vst v6  }
0xf4: {  	[tilespmem:s16], [sflag:$0x3] =	stream.strided.gather [hbm4b:s30+s12], $0x2000, s13, s12, $0x38;
	[tilespmem:$0x18500] =	vst v63  }
0xf5: {  	_ =	swait.ge [sflag:s21], $0x2000  }
0xf6: {  	[sflag:s21] =	ssyncset.done $0x0  }
0xf7: {  	[sflag:s21] =	ssyncadd.s32 $0xFFFFE000  }
0xf8: {  	v6 =	vld.idx.msk [tilespmem:v54+s17+$0x0], $0xffff  }
0xf9: {  	v55 =	vor.u32 s26, v1;
	_ =	sdelay $0x3  }
0xfa: {  	[tilespmem:s24+$0x180] =	vst v6  }
0xfb: {  	(v2sf) =	vpush v5, $0xF;
	v6 =	vld.idx.msk [tilespmem:v55+s17+$0x0], $0xffff  }
0xfc: {  	v5 =	vor.u32 s26, v2;
	_ =	sdelay $0x3  }
0xfd: {  	[tilespmem:s24+$0x190] =	vst v6  }
0xfe: {  	v5 =	vld.idx.msk [tilespmem:v5+s17+$0x0], $0xffff  }
0xff: {  	v56 =	vor.u32 s26, v3;
	_ =	sdelay $0x3  }
0x100: {  	[tilespmem:s24+$0x1A0] =	vst v5  }
0x101: {  	v5 =	vld.idx.msk [tilespmem:v56+s17+$0x0], $0xffff;
	_ =	sdelay $0x2  }
0x102: {  	s26 =	spop (v2sf)  }
0x103: {  	s31 =	sand.u32 $0x7F, s31;
	s3 =	sand.u32 $0xFFFFF80, s26  }
0x104: {  	s30 =	sadd.s32 s1, s3;
	[tilespmem:s24+$0x1B0] =	vst v5;
	v5 =	vor.u32 s31, v0  }
0x105: {  	[tilespmem:s17], [sflag:$0x4] =	stream.strided.gather [hbm4b:s30+s12], $0x2000, s13, s12, $0x38;
	[tilespmem:$0x18500] =	vst v63  }
0x106: {  	_ =	swait.ge [sflag:s18], $0x2000  }
0x107: {  	[sflag:s18] =	ssyncset.done $0x0  }
0x108: {  	[sflag:s18] =	ssyncadd.s32 $0xFFFFE000  }
0x109: {  	v5 =	vld.idx.msk [tilespmem:v5+s14+$0x0], $0xffff  }
0x10a: {  	v57 =	vor.u32 s31, v1;
	_ =	sdelay $0x3  }
0x10b: {  	p0 =	seq.s32 s25, $0x7C0;
	[tilespmem:s24+$0x200] =	vst v5  }
0x10c: {  	(v2sf) =	vpush @!p0 v4, $0x0;
	v5 =	vld.idx.msk [tilespmem:v57+s14+$0x0], $0xffff  }
0x10d: {  	v58 =	vor.u32 s31, v2;
	_ =	sdelay $0x3  }
0x10e: {  	[tilespmem:s24+$0x210] =	vst v5  }
0x10f: {  	v5 =	vld.idx.msk [tilespmem:v58+s14+$0x0], $0xffff  }
0x110: {  	v59 =	vor.u32 s31, v3;
	_ =	sdelay $0x3  }
0x111: {  	[tilespmem:s24+$0x220] =	vst v5  }
0x112: {  	v5 =	vld.idx.msk [tilespmem:v59+s14+$0x0], $0xffff;
	_ =	sdelay $0x2  }
0x113: {  	s29 =	sand.u32 $0x7F, s29;
	s30 =	spop @!p0 (v2sf)  }
0x114: {  	s0 =	simm.s32 @!p0 $0x7A1400;
	s30 =	sand.u32 @!p0 $0xFFFFF80, s30  }
0x115: {  	s3 =	simm.s32 @!p0 $0x10500;
	s31 =	simm.s32 @!p0 $0x400;
	s30 =	sadd.s32 @!p0 s1, s30;
	[tilespmem:s24+$0x230] =	vst v5;
	v5 =	vor.u32 s29, v0  }
0x116: {  	[tilespmem:s3], [sflag:$0x1] =	stream.strided.gather @!p0 [hbm4b:s30+s31], $0x2000, s0, s31, $0x38;
	[tilespmem:$0x18500] =	vst v63  }
0x117: {  	_ =	swait.ge [sflag:s19], $0x2000  }
0x118: {  	[sflag:s19] =	ssyncset.done $0x0  }
0x119: {  	[sflag:s19] =	ssyncadd.s32 $0xFFFFE000  }
0x11a: {  	v5 =	vld.idx.msk [tilespmem:v5+s15+$0x0], $0xffff  }
0x11b: {  	v60 =	vor.u32 s29, v1;
	_ =	sdelay $0x3  }
0x11c: {  	[tilespmem:s24+$0x280] =	vst v5  }
0x11d: {  	(v2sf) =	vpush @!p0 v4, $0x1;
	v5 =	vld.idx.msk [tilespmem:v60+s15+$0x0], $0xffff  }
0x11e: {  	v61 =	vor.u32 s29, v2;
	_ =	sdelay $0x3  }
0x11f: {  	[tilespmem:s24+$0x290] =	vst v5  }
0x120: {  	v5 =	vld.idx.msk [tilespmem:v61+s15+$0x0], $0xffff  }
0x121: {  	v62 =	vor.u32 s29, v3;
	_ =	sdelay $0x3  }
0x122: {  	[tilespmem:s24+$0x2A0] =	vst v5  }
0x123: {  	v5 =	vld.idx.msk [tilespmem:v62+s15+$0x0], $0xffff;
	_ =	sdelay $0x2  }
0x124: {  	s3 =	spop @!p0 (v2sf)  }
0x125: {  	s28 =	sand.u32 $0x7F, s28;
	s3 =	sand.u32 @!p0 $0xFFFFF80, s3  }
0x126: {  	s29 =	simm.s32 @!p0 $0x12500;
	s3 =	sadd.s32 @!p0 s1, s3;
	[tilespmem:s24+$0x2B0] =	vst v5;
	v5 =	vor.u32 s28, v0  }
0x127: {  	[tilespmem:s29], [sflag:$0x2] =	stream.strided.gather @!p0 [hbm4b:s3+s31], $0x2000, s0, s31, $0x38;
	[tilespmem:$0x18500] =	vst v63  }
0x128: {  	_ =	swait.ge [sflag:s20], $0x2000  }
0x129: {  	[sflag:s20] =	ssyncset.done $0x0  }
0x12a: {  	[sflag:s20] =	ssyncadd.s32 $0xFFFFE000  }
0x12b: {  	v5 =	vld.idx.msk [tilespmem:v5+s16+$0x0], $0xffff  }
0x12c: {  	v63 =	vor.u32 s28, v1;
	_ =	sdelay $0x3  }
0x12d: {  	[tilespmem:s24+$0x300] =	vst v5  }
0x12e: {  	(v2sf) =	vpush @!p0 v4, $0x2;
	v5 =	vld.idx.msk [tilespmem:v63+s16+$0x0], $0xffff  }
0x12f: {  	v4 =	vor.u32 s28, v2;
	_ =	sdelay $0x3  }
0x130: {  	[tilespmem:s24+$0x310] =	vst v5  }
0x131: {  	v4 =	vld.idx.msk [tilespmem:v4+s16+$0x0], $0xffff  }
0x132: {  	v5 =	vor.u32 s28, v3;
	_ =	sdelay $0x3  }
0x133: {  	[tilespmem:s24+$0x320] =	vst v4  }
0x134: {  	v4 =	vld.idx.msk [tilespmem:v5+s16+$0x0], $0xffff;
	_ =	sdelay $0x2  }
0x135: {  	s3 =	spop @!p0 (v2sf)  }
0x136: {  	s26 =	sand.u32 $0x7F, s26;
	s3 =	sand.u32 @!p0 $0xFFFFF80, s3  }
0x137: {  	s28 =	simm.s32 @!p0 $0x14500;
	s3 =	sadd.s32 @!p0 s1, s3;
	[tilespmem:s24+$0x330] =	vst v4;
	v4 =	vor.u32 s26, v0  }
0x138: {  	[tilespmem:s28], [sflag:$0x3] =	stream.strided.gather @!p0 [hbm4b:s3+s31], $0x2000, s0, s31, $0x38;
	[tilespmem:$0x18500] =	vst v63  }
0x139: {  	_ =	swait.ge [sflag:s21], $0x2000  }
0x13a: {  	[sflag:s21] =	ssyncset.done $0x0  }
0x13b: {  	[sflag:s21] =	ssyncadd.s32 $0xFFFFE000  }
0x13c: {  	v4 =	vld.idx.msk [tilespmem:v4+s17+$0x0], $0xffff  }
0x13d: {  	v5 =	vor.u32 s26, v1;
	_ =	sdelay $0x3  }
0x13e: {  	[tilespmem:s24+$0x380] =	vst v4  }
0x13f: {  	v4 =	vld.idx.msk [tilespmem:v5+s17+$0x0], $0xffff  }
0x140: {  	v5 =	vor.u32 s26, v2;
	_ =	sdelay $0x3  }
0x141: {  	[tilespmem:s24+$0x390] =	vst v4  }
0x142: {  	v4 =	vld.idx.msk [tilespmem:v5+s17+$0x0], $0xffff  }
0x143: {  	v5 =	vor.u32 s26, v3;
	_ =	sdelay $0x3  }
0x144: {  	s25 =	sadd.s32 $0x40, s25;
	[tilespmem:s24+$0x3A0] =	vst v4  }
0x145: {  	p0 =	sne.s32 s25, $0x800;
	v4 =	vld.idx.msk [tilespmem:v5+s17+$0x0], $0xffff  }
.Ltmp0:
0x146: {  	_ = 	snop;
	(pc) =	sbr.rel @p0 .LBB2_2-.Ltmp0, $2  }
0x147: {  	_ =	sdelay $0x2  }
0x148: {  	[tilespmem:s24+$0x3B0] =	vst v4;
	s24 =	sadd.s32 $0x800, s24  }
0x149: {  	s24 =	simm.s32 $0x0  }
0x14a: {  	[hbm4b:s7+s24] =	stream.linear.scatter [tilespmem:s22], [sflag:$0x5], $0x10000, $0x38;
	[tilespmem:$0x18500] =	vst v63  }
0x14b: {  	_ =	swait.ge [sflag:s10], $0x10000  }
0x14c: {  	[sflag:s10] =	ssyncset.done $0x0  }
0x14d: {  	[sflag:s10] =	ssyncadd.s32 $0xFFFF0000  }
0x14e: {  	v4 =	vld [tilespmem:$0x280];
	_ =	sdelay $0x4  }
0x14f: {  	(v2sf) =	vpush v4, $0x0;
	_ =	sdelay $0x1  }
0x150: {  	(v2sf) =	vpush v4, $0x1;
	_ =	sdelay $0x2  }
0x151: {  	(v2sf) =	vpush v4, $0x2;
	_ =	sdelay $0x9  }
0x152: {  	s0 =	spop (v2sf)  }
0x153: {  	s0 =	sand.u32 $0xFFFFF80, s0  }
0x154: {  	s30 =	spop (v2sf);
	s0 =	sadd.s32 s2, s0  }
0x155: {  	[tilespmem:s14], [sflag:$0x1] =	stream.strided.gather [hbm4b:s0+s12], $0x2000, s13, s12, $0x38;
	[tilespmem:$0x18500] =	vst v63  }
0x156: {  	s0 =	sand.u32 $0xFFFFF80, s30  }
0x157: {  	s31 =	spop (v2sf);
	s0 =	sadd.s32 s2, s0  }
0x158: {  	[tilespmem:s15], [sflag:$0x2] =	stream.strided.gather [hbm4b:s0+s12], $0x2000, s13, s12, $0x38;
	[tilespmem:$0x18500] =	vst v63  }
0x159: {  	s0 =	sand.u32 $0xFFFFF80, s31  }
0x15a: {  	s25 =	simm.s32 $0x900;
	s0 =	sadd.s32 s2, s0  }
0x15b: {  	[tilespmem:s16], [sflag:$0x3] =	stream.strided.gather [hbm4b:s0+s12], $0x2000, s13, s12, $0x38;
	[tilespmem:$0x18500] =	vst v63  }
.LBB2_4:
0x15c: {  	s0 =	sshra.s32 s24, $0x2  }
0x15d: {  	v5 =	vld [tilespmem:s0+$0x280];
	_ =	sdelay $0x4  }
0x15e: {  	(v2sf) =	vpush v5, $0x3;
	_ =	sdelay $0xe  }
0x15f: {  	s26 =	spop (v2sf)  }
0x160: {  	s3 =	sand.u32 $0xFFFFF80, s26  }
0x161: {  	s30 =	sadd.s32 s2, s3  }
0x162: {  	v4 =	vld [tilespmem:s0+$0x290];
	[tilespmem:s17], [sflag:$0x4] =	stream.strided.gather [hbm4b:s30+s12], $0x2000, s13, s12, $0x38  }
0x163: {  	_ =	swait.ge [sflag:s18], $0x2000  }
0x164: {  	(v2sf) =	vpush v5, $0x0;
	_ =	sdelay $0xe  }
0x165: {  	s31 =	spop (v2sf)  }
0x166: {  	s0 =	sand.u32 $0x7F, s31  }
0x167: {  	v6 =	vor.u32 s0, v0;
	_ =	sdelay $0x2  }
0x168: {  	[sflag:s18] =	ssyncset.done $0x0  }
0x169: {  	[sflag:s18] =	ssyncadd.s32 $0xFFFFE000  }
0x16a: {  	v6 =	vld.idx.msk [tilespmem:v6+s14+$0x0], $0xffff  }
0x16b: {  	v7 =	vor.u32 s0, v1;
	_ =	sdelay $0x3  }
0x16c: {  	[tilespmem:s25+$0xFFFFFC00] =	vst v6  }
0x16d: {  	(v2sf) =	vpush v5, $0x4;
	v6 =	vld.idx.msk [tilespmem:v7+s14+$0x0], $0xffff  }
0x16e: {  	v12 =	vor.u32 s0, v2;
	_ =	sdelay $0x3  }
0x16f: {  	[tilespmem:s25+$0xFFFFFC10] =	vst v6  }
0x170: {  	v6 =	vld.idx.msk [tilespmem:v12+s14+$0x0], $0xffff  }
0x171: {  	v13 =	vor.u32 s0, v3;
	_ =	sdelay $0x3  }
0x172: {  	[tilespmem:s25+$0xFFFFFC20] =	vst v6  }
0x173: {  	v6 =	vld.idx.msk [tilespmem:v13+s14+$0x0], $0xffff;
	_ =	sdelay $0x2  }
0x174: {  	s28 =	spop (v2sf)  }
0x175: {  	s3 =	sand.u32 $0xFFFFF80, s28  }
0x176: {  	s0 =	sadd.s32 s2, s3;
	[tilespmem:s25+$0xFFFFFC30] =	vst v6  }
0x177: {  	[tilespmem:s14], [sflag:$0x1] =	stream.strided.gather [hbm4b:s0+s12], $0x2000, s13, s12, $0x38;
	[tilespmem:$0x18500] =	vst v63  }
0x178: {  	_ =	swait.ge [sflag:s19], $0x2000  }
0x179: {  	(v2sf) =	vpush v5, $0x1;
	_ =	sdelay $0xe  }
0x17a: {  	s29 =	spop (v2sf)  }
0x17b: {  	s0 =	sand.u32 $0x7F, s29  }
0x17c: {  	v14 =	vor.u32 s0, v0;
	_ =	sdelay $0x2  }
0x17d: {  	[sflag:s19] =	ssyncset.done $0x0  }
0x17e: {  	[sflag:s19] =	ssyncadd.s32 $0xFFFFE000  }
0x17f: {  	v6 =	vld.idx.msk [tilespmem:v14+s15+$0x0], $0xffff  }
0x180: {  	v15 =	vor.u32 s0, v1;
	_ =	sdelay $0x3  }
0x181: {  	[tilespmem:s25+$0xFFFFFC80] =	vst v6  }
0x182: {  	(v2sf) =	vpush v5, $0x5;
	v6 =	vld.idx.msk [tilespmem:v15+s15+$0x0], $0xffff  }
0x183: {  	v16 =	vor.u32 s0, v2;
	_ =	sdelay $0x3  }
0x184: {  	[tilespmem:s25+$0xFFFFFC90] =	vst v6  }
0x185: {  	v6 =	vld.idx.msk [tilespmem:v16+s15+$0x0], $0xffff  }
0x186: {  	v17 =	vor.u32 s0, v3;
	_ =	sdelay $0x3  }
0x187: {  	[tilespmem:s25+$0xFFFFFCA0] =	vst v6  }
0x188: {  	v6 =	vld.idx.msk [tilespmem:v17+s15+$0x0], $0xffff;
	_ =	sdelay $0x2  }
0x189: {  	s29 =	spop (v2sf)  }
0x18a: {  	s30 =	sand.u32 $0xFFFFF80, s29  }
0x18b: {  	s0 =	sadd.s32 s2, s30;
	[tilespmem:s25+$0xFFFFFCB0] =	vst v6  }
0x18c: {  	[tilespmem:s15], [sflag:$0x2] =	stream.strided.gather [hbm4b:s0+s12], $0x2000, s13, s12, $0x38;
	[tilespmem:$0x18500] =	vst v63  }
0x18d: {  	_ =	swait.ge [sflag:s20], $0x2000  }
0x18e: {  	(v2sf) =	vpush v5, $0x2;
	_ =	sdelay $0xe  }
0x18f: {  	s31 =	spop (v2sf)  }
0x190: {  	s0 =	sand.u32 $0x7F, s31  }
0x191: {  	v18 =	vor.u32 s0, v0;
	_ =	sdelay $0x2  }
0x192: {  	[sflag:s20] =	ssyncset.done $0x0  }
0x193: {  	[sflag:s20] =	ssyncadd.s32 $0xFFFFE000  }
0x194: {  	v6 =	vld.idx.msk [tilespmem:v18+s16+$0x0], $0xffff  }
0x195: {  	v19 =	vor.u32 s0, v1;
	_ =	sdelay $0x3  }
0x196: {  	[tilespmem:s25+$0xFFFFFD00] =	vst v6  }
0x197: {  	(v2sf) =	vpush v5, $0x6;
	v6 =	vld.idx.msk [tilespmem:v19+s16+$0x0], $0xffff  }
0x198: {  	v20 =	vor.u32 s0, v2;
	_ =	sdelay $0x3  }
0x199: {  	[tilespmem:s25+$0xFFFFFD10] =	vst v6  }
0x19a: {  	v6 =	vld.idx.msk [tilespmem:v20+s16+$0x0], $0xffff  }
0x19b: {  	v21 =	vor.u32 s0, v3;
	_ =	sdelay $0x3  }
0x19c: {  	[tilespmem:s25+$0xFFFFFD20] =	vst v6  }
0x19d: {  	v6 =	vld.idx.msk [tilespmem:v21+s16+$0x0], $0xffff;
	_ =	sdelay $0x2  }
0x19e: {  	s30 =	spop (v2sf)  }
0x19f: {  	s31 =	sand.u32 $0x7F, s26;
	s3 =	sand.u32 $0xFFFFF80, s30  }
0x1a0: {  	v22 =	vor.u32 s31, v0;
	s0 =	sadd.s32 s2, s3;
	[tilespmem:s25+$0xFFFFFD30] =	vst v6  }
0x1a1: {  	[tilespmem:s16], [sflag:$0x3] =	stream.strided.gather [hbm4b:s0+s12], $0x2000, s13, s12, $0x38;
	[tilespmem:$0x18500] =	vst v63  }
0x1a2: {  	_ =	swait.ge [sflag:s21], $0x2000  }
0x1a3: {  	[sflag:s21] =	ssyncset.done $0x0  }
0x1a4: {  	[sflag:s21] =	ssyncadd.s32 $0xFFFFE000  }
0x1a5: {  	v6 =	vld.idx.msk [tilespmem:v22+s17+$0x0], $0xffff  }
0x1a6: {  	v23 =	vor.u32 s31, v1;
	_ =	sdelay $0x3  }
0x1a7: {  	[tilespmem:s25+$0xFFFFFD80] =	vst v6  }
0x1a8: {  	(v2sf) =	vpush v5, $0x7;
	v6 =	vld.idx.msk [tilespmem:v23+s17+$0x0], $0xffff  }
0x1a9: {  	v24 =	vor.u32 s31, v2;
	_ =	sdelay $0x3  }
0x1aa: {  	[tilespmem:s25+$0xFFFFFD90] =	vst v6  }
0x1ab: {  	v6 =	vld.idx.msk [tilespmem:v24+s17+$0x0], $0xffff  }
0x1ac: {  	v25 =	vor.u32 s31, v3;
	_ =	sdelay $0x3  }
0x1ad: {  	[tilespmem:s25+$0xFFFFFDA0] =	vst v6  }
0x1ae: {  	v6 =	vld.idx.msk [tilespmem:v25+s17+$0x0], $0xffff;
	_ =	sdelay $0x2  }
0x1af: {  	s26 =	spop (v2sf)  }
0x1b0: {  	s31 =	sand.u32 $0x7F, s28;
	s3 =	sand.u32 $0xFFFFF80, s26  }
0x1b1: {  	v26 =	vor.u32 s31, v0;
	s0 =	sadd.s32 s2, s3;
	[tilespmem:s25+$0xFFFFFDB0] =	vst v6  }
0x1b2: {  	[tilespmem:s17], [sflag:$0x4] =	stream.strided.gather [hbm4b:s0+s12], $0x2000, s13, s12, $0x38;
	[tilespmem:$0x18500] =	vst v63  }
0x1b3: {  	_ =	swait.ge [sflag:s18], $0x2000  }
0x1b4: {  	[sflag:s18] =	ssyncset.done $0x0  }
0x1b5: {  	[sflag:s18] =	ssyncadd.s32 $0xFFFFE000  }
0x1b6: {  	v6 =	vld.idx.msk [tilespmem:v26+s14+$0x0], $0xffff  }
0x1b7: {  	v27 =	vor.u32 s31, v1;
	_ =	sdelay $0x3  }
0x1b8: {  	[tilespmem:s25+$0xFFFFFE00] =	vst v6  }
0x1b9: {  	(v2sf) =	vpush v5, $0x8;
	v6 =	vld.idx.msk [tilespmem:v27+s14+$0x0], $0xffff  }
0x1ba: {  	v28 =	vor.u32 s31, v2;
	_ =	sdelay $0x3  }
0x1bb: {  	[tilespmem:s25+$0xFFFFFE10] =	vst v6  }
0x1bc: {  	v6 =	vld.idx.msk [tilespmem:v28+s14+$0x0], $0xffff  }
0x1bd: {  	v29 =	vor.u32 s31, v3;
	_ =	sdelay $0x3  }
0x1be: {  	[tilespmem:s25+$0xFFFFFE20] =	vst v6  }
0x1bf: {  	v6 =	vld.idx.msk [tilespmem:v29+s14+$0x0], $0xffff;
	_ =	sdelay $0x2  }
0x1c0: {  	s28 =	spop (v2sf)  }
0x1c1: {  	s31 =	sand.u32 $0x7F, s29;
	s3 =	sand.u32 $0xFFFFF80, s28  }
0x1c2: {  	v30 =	vor.u32 s31, v0;
	s0 =	sadd.s32 s2, s3;
	[tilespmem:s25+$0xFFFFFE30] =	vst v6  }
0x1c3: {  	[tilespmem:s14], [sflag:$0x1] =	stream.strided.gather [hbm4b:s0+s12], $0x2000, s13, s12, $0x38;
	[tilespmem:$0x18500] =	vst v63  }
0x1c4: {  	_ =	swait.ge [sflag:s19], $0x2000  }
0x1c5: {  	[sflag:s19] =	ssyncset.done $0x0  }
0x1c6: {  	[sflag:s19] =	ssyncadd.s32 $0xFFFFE000  }
0x1c7: {  	v6 =	vld.idx.msk [tilespmem:v30+s15+$0x0], $0xffff  }
0x1c8: {  	v31 =	vor.u32 s31, v1;
	_ =	sdelay $0x3  }
0x1c9: {  	[tilespmem:s25+$0xFFFFFE80] =	vst v6  }
0x1ca: {  	(v2sf) =	vpush v5, $0x9;
	v6 =	vld.idx.msk [tilespmem:v31+s15+$0x0], $0xffff  }
0x1cb: {  	v32 =	vor.u32 s31, v2;
	_ =	sdelay $0x3  }
0x1cc: {  	[tilespmem:s25+$0xFFFFFE90] =	vst v6  }
0x1cd: {  	v6 =	vld.idx.msk [tilespmem:v32+s15+$0x0], $0xffff  }
0x1ce: {  	v33 =	vor.u32 s31, v3;
	_ =	sdelay $0x3  }
0x1cf: {  	[tilespmem:s25+$0xFFFFFEA0] =	vst v6  }
0x1d0: {  	v6 =	vld.idx.msk [tilespmem:v33+s15+$0x0], $0xffff;
	_ =	sdelay $0x2  }
0x1d1: {  	s29 =	spop (v2sf)  }
0x1d2: {  	s31 =	sand.u32 $0x7F, s30;
	s3 =	sand.u32 $0xFFFFF80, s29  }
0x1d3: {  	v34 =	vor.u32 s31, v0;
	s0 =	sadd.s32 s2, s3;
	[tilespmem:s25+$0xFFFFFEB0] =	vst v6  }
0x1d4: {  	[tilespmem:s15], [sflag:$0x2] =	stream.strided.gather [hbm4b:s0+s12], $0x2000, s13, s12, $0x38;
	[tilespmem:$0x18500] =	vst v63  }
0x1d5: {  	_ =	swait.ge [sflag:s20], $0x2000  }
0x1d6: {  	[sflag:s20] =	ssyncset.done $0x0  }
0x1d7: {  	[sflag:s20] =	ssyncadd.s32 $0xFFFFE000  }
0x1d8: {  	v6 =	vld.idx.msk [tilespmem:v34+s16+$0x0], $0xffff  }
0x1d9: {  	v35 =	vor.u32 s31, v1;
	_ =	sdelay $0x3  }
0x1da: {  	[tilespmem:s25+$0xFFFFFF00] =	vst v6  }
0x1db: {  	(v2sf) =	vpush v5, $0xA;
	v6 =	vld.idx.msk [tilespmem:v35+s16+$0x0], $0xffff  }
0x1dc: {  	v36 =	vor.u32 s31, v2;
	_ =	sdelay $0x3  }
0x1dd: {  	[tilespmem:s25+$0xFFFFFF10] =	vst v6  }
0x1de: {  	v6 =	vld.idx.msk [tilespmem:v36+s16+$0x0], $0xffff  }
0x1df: {  	v37 =	vor.u32 s31, v3;
	_ =	sdelay $0x3  }
0x1e0: {  	[tilespmem:s25+$0xFFFFFF20] =	vst v6  }
0x1e1: {  	v6 =	vld.idx.msk [tilespmem:v37+s16+$0x0], $0xffff;
	_ =	sdelay $0x2  }
0x1e2: {  	s30 =	spop (v2sf)  }
0x1e3: {  	s31 =	sand.u32 $0x7F, s26;
	s3 =	sand.u32 $0xFFFFF80, s30  }
0x1e4: {  	v38 =	vor.u32 s31, v0;
	s0 =	sadd.s32 s2, s3;
	[tilespmem:s25+$0xFFFFFF30] =	vst v6  }
0x1e5: {  	[tilespmem:s16], [sflag:$0x3] =	stream.strided.gather [hbm4b:s0+s12], $0x2000, s13, s12, $0x38;
	[tilespmem:$0x18500] =	vst v63  }
0x1e6: {  	_ =	swait.ge [sflag:s21], $0x2000  }
0x1e7: {  	[sflag:s21] =	ssyncset.done $0x0  }
0x1e8: {  	[sflag:s21] =	ssyncadd.s32 $0xFFFFE000  }
0x1e9: {  	v6 =	vld.idx.msk [tilespmem:v38+s17+$0x0], $0xffff  }
0x1ea: {  	v39 =	vor.u32 s31, v1;
	_ =	sdelay $0x3  }
0x1eb: {  	[tilespmem:s25+$0xFFFFFF80] =	vst v6  }
0x1ec: {  	(v2sf) =	vpush v5, $0xB;
	v6 =	vld.idx.msk [tilespmem:v39+s17+$0x0], $0xffff  }
0x1ed: {  	v40 =	vor.u32 s31, v2;
	_ =	sdelay $0x3  }
0x1ee: {  	[tilespmem:s25+$0xFFFFFF90] =	vst v6  }
0x1ef: {  	v6 =	vld.idx.msk [tilespmem:v40+s17+$0x0], $0xffff  }
0x1f0: {  	v41 =	vor.u32 s31, v3;
	_ =	sdelay $0x3  }
0x1f1: {  	[tilespmem:s25+$0xFFFFFFA0] =	vst v6  }
0x1f2: {  	v6 =	vld.idx.msk [tilespmem:v41+s17+$0x0], $0xffff;
	_ =	sdelay $0x2  }
0x1f3: {  	s26 =	spop (v2sf)  }
0x1f4: {  	s31 =	sand.u32 $0x7F, s28;
	s3 =	sand.u32 $0xFFFFF80, s26  }
0x1f5: {  	v42 =	vor.u32 s31, v0;
	s0 =	sadd.s32 s2, s3;
	[tilespmem:s25+$0xFFFFFFB0] =	vst v6  }
0x1f6: {  	[tilespmem:s17], [sflag:$0x4] =	stream.strided.gather [hbm4b:s0+s12], $0x2000, s13, s12, $0x38;
	[tilespmem:$0x18500] =	vst v63  }
0x1f7: {  	_ =	swait.ge [sflag:s18], $0x2000  }
0x1f8: {  	[sflag:s18] =	ssyncset.done $0x0  }
0x1f9: {  	[sflag:s18] =	ssyncadd.s32 $0xFFFFE000  }
0x1fa: {  	v6 =	vld.idx.msk [tilespmem:v42+s14+$0x0], $0xffff  }
0x1fb: {  	v43 =	vor.u32 s31, v1;
	_ =	sdelay $0x3  }
0x1fc: {  	[tilespmem:s25+$0x0] =	vst v6  }
0x1fd: {  	(v2sf) =	vpush v5, $0xC;
	v6 =	vld.idx.msk [tilespmem:v43+s14+$0x0], $0xffff  }
0x1fe: {  	v44 =	vor.u32 s31, v2;
	_ =	sdelay $0x3  }
0x1ff: {  	[tilespmem:s25+$0x10] =	vst v6  }
0x200: {  	v6 =	vld.idx.msk [tilespmem:v44+s14+$0x0], $0xffff  }
0x201: {  	v45 =	vor.u32 s31, v3;
	_ =	sdelay $0x3  }
0x202: {  	[tilespmem:s25+$0x20] =	vst v6  }
0x203: {  	v6 =	vld.idx.msk [tilespmem:v45+s14+$0x0], $0xffff;
	_ =	sdelay $0x2  }
0x204: {  	s31 =	spop (v2sf)  }
0x205: {  	s29 =	sand.u32 $0x7F, s29;
	s28 =	sand.u32 $0xFFFFF80, s31  }
0x206: {  	v46 =	vor.u32 s29, v0;
	s0 =	sadd.s32 s2, s28;
	[tilespmem:s25+$0x30] =	vst v6  }
0x207: {  	[tilespmem:s14], [sflag:$0x1] =	stream.strided.gather [hbm4b:s0+s12], $0x2000, s13, s12, $0x38;
	[tilespmem:$0x18500] =	vst v63  }
0x208: {  	_ =	swait.ge [sflag:s19], $0x2000  }
0x209: {  	[sflag:s19] =	ssyncset.done $0x0  }
0x20a: {  	[sflag:s19] =	ssyncadd.s32 $0xFFFFE000  }
0x20b: {  	v6 =	vld.idx.msk [tilespmem:v46+s15+$0x0], $0xffff  }
0x20c: {  	v47 =	vor.u32 s29, v1;
	_ =	sdelay $0x3  }
0x20d: {  	[tilespmem:s25+$0x80] =	vst v6  }
0x20e: {  	(v2sf) =	vpush v5, $0xD;
	v6 =	vld.idx.msk [tilespmem:v47+s15+$0x0], $0xffff  }
0x20f: {  	v48 =	vor.u32 s29, v2;
	_ =	sdelay $0x3  }
0x210: {  	[tilespmem:s25+$0x90] =	vst v6  }
0x211: {  	v6 =	vld.idx.msk [tilespmem:v48+s15+$0x0], $0xffff  }
0x212: {  	v49 =	vor.u32 s29, v3;
	_ =	sdelay $0x3  }
0x213: {  	[tilespmem:s25+$0xA0] =	vst v6  }
0x214: {  	v6 =	vld.idx.msk [tilespmem:v49+s15+$0x0], $0xffff;
	_ =	sdelay $0x2  }
0x215: {  	s29 =	spop (v2sf)  }
0x216: {  	s30 =	sand.u32 $0x7F, s30;
	s28 =	sand.u32 $0xFFFFF80, s29  }
0x217: {  	v50 =	vor.u32 s30, v0;
	s0 =	sadd.s32 s2, s28;
	[tilespmem:s25+$0xB0] =	vst v6  }
0x218: {  	[tilespmem:s15], [sflag:$0x2] =	stream.strided.gather [hbm4b:s0+s12], $0x2000, s13, s12, $0x38;
	[tilespmem:$0x18500] =	vst v63  }
0x219: {  	_ =	swait.ge [sflag:s20], $0x2000  }
0x21a: {  	[sflag:s20] =	ssyncset.done $0x0  }
0x21b: {  	[sflag:s20] =	ssyncadd.s32 $0xFFFFE000  }
0x21c: {  	v6 =	vld.idx.msk [tilespmem:v50+s16+$0x0], $0xffff  }
0x21d: {  	v51 =	vor.u32 s30, v1;
	_ =	sdelay $0x3  }
0x21e: {  	[tilespmem:s25+$0x100] =	vst v6  }
0x21f: {  	(v2sf) =	vpush v5, $0xE;
	v6 =	vld.idx.msk [tilespmem:v51+s16+$0x0], $0xffff  }
0x220: {  	v52 =	vor.u32 s30, v2;
	_ =	sdelay $0x3  }
0x221: {  	[tilespmem:s25+$0x110] =	vst v6  }
0x222: {  	v6 =	vld.idx.msk [tilespmem:v52+s16+$0x0], $0xffff  }
0x223: {  	v53 =	vor.u32 s30, v3;
	_ =	sdelay $0x3  }
0x224: {  	[tilespmem:s25+$0x120] =	vst v6  }
0x225: {  	v6 =	vld.idx.msk [tilespmem:v53+s16+$0x0], $0xffff;
	_ =	sdelay $0x2  }
0x226: {  	s28 =	spop (v2sf)  }
0x227: {  	s30 =	sand.u32 $0x7F, s26;
	s3 =	sand.u32 $0xFFFFF80, s28  }
0x228: {  	v54 =	vor.u32 s30, v0;
	s0 =	sadd.s32 s2, s3;
	[tilespmem:s25+$0x130] =	vst v6  }
0x229: {  	[tilespmem:s16], [sflag:$0x3] =	stream.strided.gather [hbm4b:s0+s12], $0x2000, s13, s12, $0x38;
	[tilespmem:$0x18500] =	vst v63  }
0x22a: {  	_ =	swait.ge [sflag:s21], $0x2000  }
0x22b: {  	[sflag:s21] =	ssyncset.done $0x0  }
0x22c: {  	[sflag:s21] =	ssyncadd.s32 $0xFFFFE000  }
0x22d: {  	v6 =	vld.idx.msk [tilespmem:v54+s17+$0x0], $0xffff  }
0x22e: {  	v55 =	vor.u32 s30, v1;
	_ =	sdelay $0x3  }
0x22f: {  	[tilespmem:s25+$0x180] =	vst v6  }
0x230: {  	(v2sf) =	vpush v5, $0xF;
	v6 =	vld.idx.msk [tilespmem:v55+s17+$0x0], $0xffff  }
0x231: {  	v5 =	vor.u32 s30, v2;
	_ =	sdelay $0x3  }
0x232: {  	[tilespmem:s25+$0x190] =	vst v6  }
0x233: {  	v5 =	vld.idx.msk [tilespmem:v5+s17+$0x0], $0xffff  }
0x234: {  	v56 =	vor.u32 s30, v3;
	_ =	sdelay $0x3  }
0x235: {  	[tilespmem:s25+$0x1A0] =	vst v5  }
0x236: {  	v5 =	vld.idx.msk [tilespmem:v56+s17+$0x0], $0xffff;
	_ =	sdelay $0x2  }
0x237: {  	s26 =	spop (v2sf)  }
0x238: {  	s30 =	sand.u32 $0x7F, s31;
	s3 =	sand.u32 $0xFFFFF80, s26  }
0x239: {  	s0 =	sadd.s32 s2, s3;
	[tilespmem:s25+$0x1B0] =	vst v5;
	v5 =	vor.u32 s30, v0  }
0x23a: {  	[tilespmem:s17], [sflag:$0x4] =	stream.strided.gather [hbm4b:s0+s12], $0x2000, s13, s12, $0x38;
	[tilespmem:$0x18500] =	vst v63  }
0x23b: {  	_ =	swait.ge [sflag:s18], $0x2000  }
0x23c: {  	[sflag:s18] =	ssyncset.done $0x0  }
0x23d: {  	[sflag:s18] =	ssyncadd.s32 $0xFFFFE000  }
0x23e: {  	v5 =	vld.idx.msk [tilespmem:v5+s14+$0x0], $0xffff  }
0x23f: {  	v57 =	vor.u32 s30, v1;
	_ =	sdelay $0x3  }
0x240: {  	p0 =	seq.s32 s24, $0x7C0;
	[tilespmem:s25+$0x200] =	vst v5  }
0x241: {  	(v2sf) =	vpush @!p0 v4, $0x0;
	v5 =	vld.idx.msk [tilespmem:v57+s14+$0x0], $0xffff  }
0x242: {  	v58 =	vor.u32 s30, v2;
	_ =	sdelay $0x3  }
0x243: {  	[tilespmem:s25+$0x210] =	vst v5  }
0x244: {  	v5 =	vld.idx.msk [tilespmem:v58+s14+$0x0], $0xffff  }
0x245: {  	v59 =	vor.u32 s30, v3;
	_ =	sdelay $0x3  }
0x246: {  	[tilespmem:s25+$0x220] =	vst v5  }
0x247: {  	v5 =	vld.idx.msk [tilespmem:v59+s14+$0x0], $0xffff;
	_ =	sdelay $0x2  }
0x248: {  	s0 =	spop @!p0 (v2sf)  }
0x249: {  	s31 =	simm.s32 @!p0 $0x10500;
	s3 =	sand.u32 $0x7F, s29;
	s0 =	sand.u32 @!p0 $0xFFFFF80, s0  }
0x24a: {  	s29 =	simm.s32 @!p0 $0x400;
	s30 =	simm.s32 @!p0 $0x7A1400;
	s0 =	sadd.s32 @!p0 s2, s0;
	[tilespmem:s25+$0x230] =	vst v5;
	v5 =	vor.u32 s3, v0  }
0x24b: {  	[tilespmem:s31], [sflag:$0x1] =	stream.strided.gather @!p0 [hbm4b:s0+s29], $0x2000, s30, s29, $0x38;
	[tilespmem:$0x18500] =	vst v63  }
0x24c: {  	_ =	swait.ge [sflag:s19], $0x2000  }
0x24d: {  	[sflag:s19] =	ssyncset.done $0x0  }
0x24e: {  	[sflag:s19] =	ssyncadd.s32 $0xFFFFE000  }
0x24f: {  	v5 =	vld.idx.msk [tilespmem:v5+s15+$0x0], $0xffff  }
0x250: {  	v60 =	vor.u32 s3, v1;
	_ =	sdelay $0x3  }
0x251: {  	[tilespmem:s25+$0x280] =	vst v5  }
0x252: {  	(v2sf) =	vpush @!p0 v4, $0x1;
	v5 =	vld.idx.msk [tilespmem:v60+s15+$0x0], $0xffff  }
0x253: {  	v61 =	vor.u32 s3, v2;
	_ =	sdelay $0x3  }
0x254: {  	[tilespmem:s25+$0x290] =	vst v5  }
0x255: {  	v5 =	vld.idx.msk [tilespmem:v61+s15+$0x0], $0xffff  }
0x256: {  	v62 =	vor.u32 s3, v3;
	_ =	sdelay $0x3  }
0x257: {  	[tilespmem:s25+$0x2A0] =	vst v5  }
0x258: {  	v5 =	vld.idx.msk [tilespmem:v62+s15+$0x0], $0xffff;
	_ =	sdelay $0x2  }
0x259: {  	s0 =	spop @!p0 (v2sf)  }
0x25a: {  	s31 =	sand.u32 $0x7F, s28;
	s0 =	sand.u32 @!p0 $0xFFFFF80, s0  }
0x25b: {  	s28 =	simm.s32 @!p0 $0x12500;
	s0 =	sadd.s32 @!p0 s2, s0;
	[tilespmem:s25+$0x2B0] =	vst v5;
	v5 =	vor.u32 s31, v0  }
0x25c: {  	[tilespmem:s28], [sflag:$0x2] =	stream.strided.gather @!p0 [hbm4b:s0+s29], $0x2000, s30, s29, $0x38;
	[tilespmem:$0x18500] =	vst v63  }
0x25d: {  	_ =	swait.ge [sflag:s20], $0x2000  }
0x25e: {  	[sflag:s20] =	ssyncset.done $0x0  }
0x25f: {  	[sflag:s20] =	ssyncadd.s32 $0xFFFFE000  }
0x260: {  	v5 =	vld.idx.msk [tilespmem:v5+s16+$0x0], $0xffff  }
0x261: {  	v63 =	vor.u32 s31, v1;
	_ =	sdelay $0x3  }
0x262: {  	[tilespmem:s25+$0x300] =	vst v5  }
0x263: {  	(v2sf) =	vpush @!p0 v4, $0x2;
	v5 =	vld.idx.msk [tilespmem:v63+s16+$0x0], $0xffff  }
0x264: {  	v4 =	vor.u32 s31, v2;
	_ =	sdelay $0x3  }
0x265: {  	[tilespmem:s25+$0x310] =	vst v5  }
0x266: {  	v4 =	vld.idx.msk [tilespmem:v4+s16+$0x0], $0xffff  }
0x267: {  	v5 =	vor.u32 s31, v3;
	_ =	sdelay $0x3  }
0x268: {  	[tilespmem:s25+$0x320] =	vst v4  }
0x269: {  	v4 =	vld.idx.msk [tilespmem:v5+s16+$0x0], $0xffff;
	_ =	sdelay $0x2  }
0x26a: {  	s0 =	spop @!p0 (v2sf)  }
0x26b: {  	s31 =	sand.u32 $0x7F, s26;
	s0 =	sand.u32 @!p0 $0xFFFFF80, s0  }
0x26c: {  	s26 =	simm.s32 @!p0 $0x14500;
	s0 =	sadd.s32 @!p0 s2, s0;
	[tilespmem:s25+$0x330] =	vst v4;
	v4 =	vor.u32 s31, v0  }
0x26d: {  	[tilespmem:s26], [sflag:$0x3] =	stream.strided.gather @!p0 [hbm4b:s0+s29], $0x2000, s30, s29, $0x38;
	[tilespmem:$0x18500] =	vst v63  }
0x26e: {  	_ =	swait.ge [sflag:s21], $0x2000  }
0x26f: {  	[sflag:s21] =	ssyncset.done $0x0  }
0x270: {  	[sflag:s21] =	ssyncadd.s32 $0xFFFFE000  }
0x271: {  	v4 =	vld.idx.msk [tilespmem:v4+s17+$0x0], $0xffff  }
0x272: {  	v5 =	vor.u32 s31, v1;
	_ =	sdelay $0x3  }
0x273: {  	[tilespmem:s25+$0x380] =	vst v4  }
0x274: {  	v4 =	vld.idx.msk [tilespmem:v5+s17+$0x0], $0xffff  }
0x275: {  	v5 =	vor.u32 s31, v2;
	_ =	sdelay $0x3  }
0x276: {  	[tilespmem:s25+$0x390] =	vst v4  }
0x277: {  	v4 =	vld.idx.msk [tilespmem:v5+s17+$0x0], $0xffff  }
0x278: {  	v5 =	vor.u32 s31, v3;
	_ =	sdelay $0x3  }
0x279: {  	s24 =	sadd.s32 $0x40, s24;
	[tilespmem:s25+$0x3A0] =	vst v4  }
0x27a: {  	p0 =	sne.s32 s24, $0x800;
	v4 =	vld.idx.msk [tilespmem:v5+s17+$0x0], $0xffff  }
.Ltmp1:
0x27b: {  	_ = 	snop;
	(pc) =	sbr.rel @p0 .LBB2_4-.Ltmp1, $2  }
0x27c: {  	_ =	sdelay $0x2  }
0x27d: {  	[tilespmem:s25+$0x3B0] =	vst v4;
	s25 =	sadd.s32 $0x800, s25  }
0x27e: {  	s23 =	sadd.s32 $0x1, s23  }
0x27f: {  	p0 =	sne.s32 s23, s9  }
.Ltmp2:
0x280: {  	_ = 	snop;
	(pc) =	sbr.rel @p0 .LBB2_1-.Ltmp2, $4  }
0x281: {  	[hbm4b:s8+s4] =	stream.linear.scatter [tilespmem:s22], [sflag:$0x5], $0x10000, $0x38;
	[tilespmem:$0x18500] =	vst v63  }
0x282: {  	_ =	swait.ge [sflag:s10], $0x10000  }
0x283: {  	[sflag:s10] =	ssyncset.done $0x0  }
0x284: {  	[sflag:s10] =	ssyncadd.s32 $0xFFFF0000  }
0x285: {  	_ =	sfence.sel $0x180000  }
0x286: {  	[bflag:$0x0] =	sbarrier.arrive $0xFFFF  }
0x287: {  	_ =	strace $0x90000047  }
0x288: {  	s0 =	stileid.u32;
	[bflag:$0x2] =	sbarrier.arrive $0xFFFF  }
0x289: {  	p0 =	sne.s32 s0, $0x0;
	s0 =	rddreg [dreg:$0x5]  }
0x28a: {  	s0 =	sadd.s32 @!p0 $0x100000, s0  }
0x28b: {  	[sflag:s0] =	ssyncadd.tile.s32 @!p0 $0x1;
	_ =	shalt  }
.Lfunc_end2:
_tile_overlayer_lowered:
.L_overlay_start_2:
0x28c: {  	(tag) =	ssettag $0x2  }
0x28d: {  	s0 =	rddreg [dreg:$0x0];
	s2 =	stileid.u32  }
0x28e: {  	s1 =	rddreg [dreg:$0x1];
	p0 =	sne.s32 s2, $0x0  }
0x28f: {  	s3 =	rddreg [dreg:$0x2];
	[bflag:$0x3] =	sbarrier.arrive $0xFFFF;
	s2 =	simm.s32 @!p0 $0x1C05  }
0x290: {  	[timem:s3], [sflag:s2] =	dma.local @!p0 [hbm:s0], s1  }
0x291: {  	s0 =	simm.s32 @!p0 $0x5  }
0x292: {  	_ =	swait.ge @!p0 [sflag:s0], s1  }
0x293: {  	s1 =	ssub.s32 @!p0 $0x0, s1;
	[sflag:s0] =	ssyncset.done @!p0 $0x0  }
0x294: {  	[sflag:s0] =	ssyncadd.s32 @!p0 s1  }
0x295: {  	[bflag:$0x3] =	sbarrier.arrive $0xFFFF  }
0x296: {  	_ =	shalt  }

</sc_bundles>
